<compile_context>
chip_gen: v7x
topology: tpu7x:2x2x1
jax: 0.10.2.dev20260603
libtpu: 0.0.44.dev20260713+nightly
codegen_flags: <defaults>
</compile_context>

<pallas_src>
import jax
import jax.numpy as jnp
import numpy as np
from jax import lax
from jax.experimental import pallas as pl
from jax.experimental.pallas import tpu as pltpu
from jax.experimental.pallas import tpu_sc as plsc

N = 10000
D = 128
E = 320000

NC = 2
NS = 16
W = 32
NCH = 320
E_PAD = NC * NS * NCH * W
PAD_N = 10112
STRIPE = PAD_N // NS
OUT_ROWS = 624
SHIFT = 14
MASK = (1 << SHIFT) - 1
NB = 8
HW = NB // 2
PK_PER_ROW = 128 // W


def _sc_agg_body(x_hbm, pk_hbm, z_hbm, out_hbm,
                 pk_v, colr, rowr, gb, agg_sh, *sems):
    c = lax.axis_index("c")
    s = lax.axis_index("s")
    gsems = sems[:NB]
    ssems = sems[NB:]

    pltpu.sync_copy(z_hbm, agg_sh.at[pl.ds(s * STRIPE, STRIPE)])

    base = (c * NS + s) * (NCH // PK_PER_ROW)
    pltpu.sync_copy(pk_hbm.at[pl.ds(base, NCH // PK_PER_ROW)], pk_v)

    def unpack(m, ring):
        @pl.loop(0, W, step=16)
        def _(k):
            p = pk_v[m // PK_PER_ROW, pl.ds((m % PK_PER_ROW) * W + k, 16)]
            cc = p & jnp.int32(MASK)
            r = jax.lax.shift_right_logical(p, SHIFT)
            colr[ring, pl.ds(k, 16)] = cc
            rowr[ring, pl.ds(k, 16)] = jnp.where(
                r == cc, jnp.int32(N) + (r & jnp.int32(63)), r)

    def start_gather(j, b):
        pltpu.async_copy(x_hbm.at[colr.at[b]], gb.at[b], gsems[b])

    def wait_gather(j, b):
        pltpu.make_async_copy(x_hbm.at[colr.at[b]], gb.at[b],
                              gsems[b]).wait()

    def start_scatter(j, b):
        pltpu.async_copy(gb.at[b], agg_sh.at[rowr.at[b]], ssems[b],
                         add=True)

    def wait_scatter(j, b):
        pltpu.make_async_copy(gb.at[b], agg_sh.at[rowr.at[b]],
                              ssems[b]).wait()

    for m in range(HW):
        unpack(m, m)

    plsc.subcore_barrier()

    for m in range(HW):
        start_gather(m, m)
    for m in range(HW):
        wait_gather(m, m)
        start_scatter(m, m)
        unpack(m + HW, m + HW)
        start_gather(m + HW, m + HW)

    @pl.loop(HW, NCH - HW - (NB - 1), step=NB)
    def _(j):
        for k in range(NB):
            wait_scatter(j + k - HW, k)
            unpack(j + k + HW, k)
            start_gather(j + k + HW, k)
            wait_gather(j + k, (HW + k) % NB)
            start_scatter(j + k, (HW + k) % NB)

    for m in range(NCH - HW, NCH):
        wait_gather(m, m % NB)
        start_scatter(m, m % NB)
    for m in range(NCH - NB, NCH):
        wait_scatter(m, m % NB)

    plsc.subcore_barrier()
    pltpu.sync_copy(agg_sh.at[pl.ds(s * OUT_ROWS, OUT_ROWS)],
                    out_hbm.at[c, pl.ds(s * OUT_ROWS, OUT_ROWS)])

    @pl.when(s == 0)
    def _():
        tail = NS * OUT_ROWS
        pltpu.sync_copy(agg_sh.at[pl.ds(tail, N - tail)],
                        out_hbm.at[c, pl.ds(tail, N - tail)])


def _sc_aggregate(x, packed, zeros):
    mesh = plsc.VectorSubcoreMesh(core_axis_name="c", subcore_axis_name="s")
    f = pl.kernel(
        _sc_agg_body,
        out_type=jax.ShapeDtypeStruct((NC, N, D), jnp.float32),
        mesh=mesh,
        scratch_types=[
            pltpu.VMEM((NCH // PK_PER_ROW, 128), jnp.int32),
            pltpu.VMEM((NB, W), jnp.int32),
            pltpu.VMEM((NB, W), jnp.int32),
            pltpu.VMEM((NB, W, D), jnp.float32),
            pltpu.VMEM_SHARED((PAD_N, D), jnp.float32),
        ] + [pltpu.SemaphoreType.DMA] * (2 * NB),
    )
    return f(x, packed, zeros)


def _mlp_body(x_ref, agg_ref, w1_ref, b1_ref, w2_ref, b2_ref, eps_ref, o_ref):
    out = (x_ref[...] * (1.0 + eps_ref[0])
           + agg_ref[0] + agg_ref[1])
    h = jnp.dot(out.astype(jnp.bfloat16), w1_ref[...].astype(jnp.bfloat16),
                preferred_element_type=jnp.float32)
    h = jnp.maximum(h + b1_ref[...], 0.0)
    o_ref[...] = (jnp.dot(h.astype(jnp.bfloat16),
                          w2_ref[...].astype(jnp.bfloat16),
                          preferred_element_type=jnp.float32)
                  + b2_ref[...])


def _mlp(x, agg, W1, b1, W2, b2, eps):
    R = 2000
    grid = (N // R,)
    return pl.pallas_call(
        _mlp_body,
        grid=grid,
        in_specs=[
            pl.BlockSpec((R, D), lambda i: (i, 0)),
            pl.BlockSpec((NC, R, D), lambda i: (0, i, 0)),
            pl.BlockSpec((D, D), lambda i: (0, 0)),
            pl.BlockSpec((1, D), lambda i: (0, 0)),
            pl.BlockSpec((D, D), lambda i: (0, 0)),
            pl.BlockSpec((1, D), lambda i: (0, 0)),
            pl.BlockSpec(memory_space=pltpu.SMEM),
        ],
        out_specs=pl.BlockSpec((R, D), lambda i: (i, 0)),
        out_shape=jax.ShapeDtypeStruct((N, D), jnp.float32),
        compiler_params=pltpu.CompilerParams(
            dimension_semantics=("parallel",)),
    )(x, agg, W1, b1.reshape(1, D), W2, b2.reshape(1, D), eps)


_AR = np.arange(E_PAD - E, dtype=np.int64)
_PAD_EDGES = np.stack(
    [N + _AR % (PAD_N - N), _AR % N]).astype(np.int32)


def _pack_body(ei_ref, o_ref):
    blk = o_ref.shape[0]
    r = ei_ref[0:1, :].reshape(blk, 128)
    c = ei_ref[1:2, :].reshape(blk, 128)
    o_ref[...] = (r << SHIFT) | c


def _pack(ei_p):
    G = 8
    rows = E_PAD // 128 // G
    return pl.pallas_call(
        _pack_body,
        grid=(G,),
        in_specs=[pl.BlockSpec((2, rows * 128), lambda i: (0, i))],
        out_specs=pl.BlockSpec((rows, 128), lambda i: (i, 0)),
        out_shape=jax.ShapeDtypeStruct((E_PAD // 128, 128), jnp.int32),
        compiler_params=pltpu.CompilerParams(
            dimension_semantics=("arbitrary",)),
    )(ei_p)


def kernel(x, edge_index, W1, b1, W2, b2, eps):
    ei_p = jnp.concatenate([edge_index, jnp.asarray(_PAD_EDGES)], axis=1)
    packed = _pack(ei_p)
    zeros = jnp.zeros((STRIPE, D), jnp.float32)
    agg = _sc_aggregate(x, packed, zeros)
    return _mlp(x, agg, W1, b1, W2, b2, eps)

# --- scband reference (transcript-rebuilt; emitter-appended) ---
"""Pipeline reference for scband-ginconv-39247411151300 (READ-ONLY COPY).

The authoritative reference and input builder live on the scoring server;
editing this copy changes nothing except your own understanding.
"""

import jax, jax.numpy as jnp
import numpy as np

N, D, E = 10000, 128, 320000


def setup_inputs(seed: int = 0) -> dict:
    key = jax.random.key(seed)
    k1, k2, k3, k4 = jax.random.split(key, 4)
    x = jax.random.normal(k1, (N, D), dtype=jnp.float32)
    edge_index = jax.random.randint(k2, (2, E), 0, N, dtype=jnp.int32)
    lim1 = 1.0 / np.sqrt(D)
    W1 = jax.random.uniform(k3, (D, D), dtype=jnp.float32, minval=-lim1, maxval=lim1)
    b1 = jnp.zeros((D,), dtype=jnp.float32)
    W2 = jax.random.uniform(k4, (D, D), dtype=jnp.float32, minval=-lim1, maxval=lim1)
    b2 = jnp.zeros((D,), dtype=jnp.float32)
    eps = jnp.zeros((1,), dtype=jnp.float32)  # buffer, train_eps=False
    return {"x": x, "edge_index": edge_index, "W1": W1, "b1": b1, "W2": W2, "b2": b2, "eps": eps}


def reference(x, edge_index, W1, b1, W2, b2, eps):
    # x: [N, D]; edge_index: [2, E]
    row = edge_index[0]
    col = edge_index[1]
    # remove_self_loops: mask out edges where row == col (equivalent to dropping them)
    mask = (row != col).astype(x.dtype)
    msgs = jnp.take(x, col, axis=0) * mask[:, None]          # gather x[col]
    agg = jax.ops.segment_sum(msgs, row, num_segments=N)      # scatter_add over dst (row)
    out = (1.0 + eps) * x + agg
    # MLP h_theta: Linear -> ReLU -> Linear
    h = out @ W1 + b1
    h = jax.nn.relu(h)
    h = h @ W2 + b2
    return h

if __name__ == "__main__":
    import jax
    _d = setup_inputs()
    print(jax.jit(kernel)(*tuple(_d.values())))

</pallas_src>

<mosaic_0001>
#map = affine_map<(d0, d1) -> (0, 0)>
#map1 = affine_map<(d0, d1) -> (0, 0, 0)>
module attributes {stable_mosaic.version = 14 : i64} {
  func.func @_sc_agg_body(%arg0: i32, %arg1: i32, %arg2: memref<10000x128xf32, #tpu.memory_space<hbm>>, %arg3: memref<2560x128xi32, #tpu.memory_space<hbm>>, %arg4: memref<632x128xf32, #tpu.memory_space<hbm>>, %arg5: memref<2x10000x128xf32, #tpu.memory_space<hbm>>, %arg6: memref<80x128xi32, #tpu.memory_space<vmem>>, %arg7: memref<8x32xi32, #tpu.memory_space<vmem>>, %arg8: memref<8x32xi32, #tpu.memory_space<vmem>>, %arg9: memref<8x32x128xf32, #tpu.memory_space<vmem>>, %arg10: memref<10112x128xf32, #tpu.memory_space<vmem_shared>>, %arg11: memref<!tpu.dma_semaphore, #tpu.memory_space<semaphore_mem>>, %arg12: memref<!tpu.dma_semaphore, #tpu.memory_space<semaphore_mem>>, %arg13: memref<!tpu.dma_semaphore, #tpu.memory_space<semaphore_mem>>, %arg14: memref<!tpu.dma_semaphore, #tpu.memory_space<semaphore_mem>>, %arg15: memref<!tpu.dma_semaphore, #tpu.memory_space<semaphore_mem>>, %arg16: memref<!tpu.dma_semaphore, #tpu.memory_space<semaphore_mem>>, %arg17: memref<!tpu.dma_semaphore, #tpu.memory_space<semaphore_mem>>, %arg18: memref<!tpu.dma_semaphore, #tpu.memory_space<semaphore_mem>>, %arg19: memref<!tpu.dma_semaphore, #tpu.memory_space<semaphore_mem>>, %arg20: memref<!tpu.dma_semaphore, #tpu.memory_space<semaphore_mem>>, %arg21: memref<!tpu.dma_semaphore, #tpu.memory_space<semaphore_mem>>, %arg22: memref<!tpu.dma_semaphore, #tpu.memory_space<semaphore_mem>>, %arg23: memref<!tpu.dma_semaphore, #tpu.memory_space<semaphore_mem>>, %arg24: memref<!tpu.dma_semaphore, #tpu.memory_space<semaphore_mem>>, %arg25: memref<!tpu.dma_semaphore, #tpu.memory_space<semaphore_mem>>, %arg26: memref<!tpu.dma_semaphore, #tpu.memory_space<semaphore_mem>>) attributes {dimension_semantics = [#tpu.dimension_semantics<core_parallel>, #tpu.dimension_semantics<subcore_parallel>], iteration_bounds = array<i64: 2, 16>, scalar_prefetch = 0 : i64, scratch_operands = 21 : i64, tpu.core_type = #tpu.core_type<sc_vector_subcore>, window_params = [{transform_indices = #map}, {transform_indices = #map}, {transform_indices = #map}, {transform_indices = #map1}]} {
    %mul3A = arith.constant 632 : i32
    %mul3A_0 = arith.muli %arg1, %mul3A : i32
    "tpu.region"() ({
      %run_scoped3A = tpu.sem_alloc : memref<!tpu.dma_semaphore, #tpu.memory_space<semaphore_mem>>
      %dma_start3A_438 = arith.constant 0 : i32
      %dma_start3A_439 = tpu.memref_slice %arg10[%mul3A_0, %dma_start3A_438] : memref<10112x128xf32, #tpu.memory_space<vmem_shared>> -> memref<632x128xf32, #tpu.memory_space<vmem_shared>>
      tpu.enqueue_dma source(%arg4 : memref<632x128xf32, #tpu.memory_space<hbm>>) target(%dma_start3A_439 : memref<632x128xf32, #tpu.memory_space<vmem_shared>>) target_semaphore(%run_scoped3A : memref<!tpu.dma_semaphore, #tpu.memory_space<semaphore_mem>>)
      %dma_wait3A_440 = arith.constant 0 : i32
      %dma_wait3A_441 = tpu.memref_slice %arg10[%mul3A_0, %dma_wait3A_440] : memref<10112x128xf32, #tpu.memory_space<vmem_shared>> -> memref<632x128xf32, #tpu.memory_space<vmem_shared>>
      tpu.wait_dma2 semaphore(%run_scoped3A : memref<!tpu.dma_semaphore, #tpu.memory_space<semaphore_mem>>) src(%arg4 : memref<632x128xf32, #tpu.memory_space<hbm>>) dst(%dma_wait3A_441 : memref<632x128xf32, #tpu.memory_space<vmem_shared>>)
      tpu.yield
    }) : () -> ()
    %mul3A_1 = arith.constant 16 : i32
    %mul3A_2 = arith.muli %arg0, %mul3A_1 : i32
    %add3A = arith.addi %mul3A_2, %arg1 : i32
    %mul3A_3 = arith.constant 80 : i32
    %mul3A_4 = arith.muli %add3A, %mul3A_3 : i32
    "tpu.region"() ({
      %run_scoped3A = tpu.sem_alloc : memref<!tpu.dma_semaphore, #tpu.memory_space<semaphore_mem>>
      %dma_start3A_438 = arith.constant 0 : i32
      %dma_start3A_439 = tpu.memref_slice %arg3[%mul3A_4, %dma_start3A_438] : memref<2560x128xi32, #tpu.memory_space<hbm>> -> memref<80x128xi32, #tpu.memory_space<hbm>>
      %dma_start3A_440 = arith.constant 0 : i32
      %dma_start3A_441 = tpu.memref_slice %arg3[%mul3A_4, %dma_start3A_440] : memref<2560x128xi32, #tpu.memory_space<hbm>> -> memref<80x128xi32, #tpu.memory_space<hbm>>
      tpu.enqueue_dma source(%dma_start3A_441 : memref<80x128xi32, #tpu.memory_space<hbm>>) target(%arg6 : memref<80x128xi32, #tpu.memory_space<vmem>>) target_semaphore(%run_scoped3A : memref<!tpu.dma_semaphore, #tpu.memory_space<semaphore_mem>>)
      %dma_wait3A_442 = arith.constant 0 : i32
      %dma_wait3A_443 = tpu.memref_slice %arg3[%mul3A_4, %dma_wait3A_442] : memref<2560x128xi32, #tpu.memory_space<hbm>> -> memref<80x128xi32, #tpu.memory_space<hbm>>
      %dma_wait3A_444 = arith.constant 0 : i32
      %dma_wait3A_445 = tpu.memref_slice %arg3[%mul3A_4, %dma_wait3A_444] : memref<2560x128xi32, #tpu.memory_space<hbm>> -> memref<80x128xi32, #tpu.memory_space<hbm>>
      tpu.wait_dma2 semaphore(%run_scoped3A : memref<!tpu.dma_semaphore, #tpu.memory_space<semaphore_mem>>) src(%dma_wait3A_445 : memref<80x128xi32, #tpu.memory_space<hbm>>) dst(%arg6 : memref<80x128xi32, #tpu.memory_space<vmem>>)
      tpu.yield
    }) : () -> ()
    %scan3A = arith.constant 0 : i32
    %scan3A_5 = arith.constant 2 : i32
    %scan3A_6 = arith.addi %scan3A, %scan3A_5 : i32
    %scan3A_7 = arith.constant 1 : i32
    scf.for %scan3A_438 = %scan3A to %scan3A_6 step %scan3A_7  : i32 {
      %mul3A_439 = arith.constant 16 : i32
      %mul3A_440 = arith.muli %scan3A_438, %mul3A_439 : i32
      %add3A_441 = arith.constant 0 : i32
      %add3A_442 = arith.addi %add3A_441, %mul3A_440 : i32
      %add3A_443 = arith.constant 0 : i32
      %add3A_444 = arith.addi %add3A_443, %add3A_442 : i32
      %get3A = arith.constant 0 : i32
      %get3A_445 = arith.index_cast %get3A : i32 to index
      %get3A_446 = arith.index_cast %add3A_444 : i32 to index
      %get3A_447 = tpu.vector_load %arg6[%get3A_445, %get3A_446] {strides = array<i32>} : memref<80x128xi32, #tpu.memory_space<vmem>>, vector<1x16xi32>,
      %get3A_448 = vector.shape_cast %get3A_447 : vector<1x16xi32> to vector<16xi32>
      %and3A = arith.constant 16383 : i32
      %and3A_449 = vector.broadcast %and3A : i32 to vector<16xi32>
      %and3A_450 = arith.andi %get3A_448, %and3A_449 : vector<16xi32>
      %shift_right_logical3A = arith.constant 14 : i32
      %shift_right_logical3A_451 = vector.broadcast %shift_right_logical3A : i32 to vector<16xi32>
      %shift_right_logical3A_452 = arith.shrui %get3A_448, %shift_right_logical3A_451 : vector<16xi32>
      %swap3A = arith.constant 0 : i32
      %swap3A_453 = arith.index_cast %swap3A : i32 to index
      %swap3A_454 = arith.index_cast %add3A_442 : i32 to index
      %swap3A_455 = tpu.vector_load %arg7[%swap3A_453, %swap3A_454] {strides = array<i32>} : memref<8x32xi32, #tpu.memory_space<vmem>>, vector<1x16xi32>,
      %swap3A_456 = vector.shape_cast %swap3A_455 : vector<1x16xi32> to vector<16xi32>
      %swap3A_457 = vector.shape_cast %and3A_450 : vector<16xi32> to vector<1x16xi32>
      tpu.vector_store %arg7[%swap3A_453, %swap3A_454], %swap3A_457 {strides = array<i32>} : memref<8x32xi32, #tpu.memory_space<vmem>>, vector<1x16xi32>,
      %eq3A_458 = arith.cmpi eq, %shift_right_logical3A_452, %and3A_450 : vector<16xi32>
      %and3A_459 = arith.constant 63 : i32
      %and3A_460 = vector.broadcast %and3A_459 : i32 to vector<16xi32>
      %and3A_461 = arith.andi %shift_right_logical3A_452, %and3A_460 : vector<16xi32>
      %add3A_462 = arith.constant 10000 : i32
      %add3A_463 = vector.broadcast %add3A_462 : i32 to vector<16xi32>
      %add3A_464 = arith.addi %add3A_463, %and3A_461 : vector<16xi32>
      %select_n3A = arith.select %eq3A_458, %add3A_464, %shift_right_logical3A_452 : vector<16xi1>, vector<16xi32>
      %swap3A_465 = arith.constant 0 : i32
      %swap3A_466 = arith.index_cast %swap3A_465 : i32 to index
      %swap3A_467 = arith.index_cast %add3A_442 : i32 to index
      %swap3A_468 = tpu.vector_load %arg8[%swap3A_466, %swap3A_467] {strides = array<i32>} : memref<8x32xi32, #tpu.memory_space<vmem>>, vector<1x16xi32>,
      %swap3A_469 = vector.shape_cast %swap3A_468 : vector<1x16xi32> to vector<16xi32>
      %swap3A_470 = vector.shape_cast %select_n3A : vector<16xi32> to vector<1x16xi32>
      tpu.vector_store %arg8[%swap3A_466, %swap3A_467], %swap3A_470 {strides = array<i32>} : memref<8x32xi32, #tpu.memory_space<vmem>>, vector<1x16xi32>,
    }
    %scan3A_8 = arith.constant 2 : i32
    %scan3A_9 = arith.constant 0 : i32
    %scan3A_10 = arith.constant 2 : i32
    %scan3A_11 = arith.addi %scan3A_9, %scan3A_10 : i32
    %scan3A_12 = arith.constant 1 : i32
    scf.for %scan3A_438 = %scan3A_9 to %scan3A_11 step %scan3A_12  : i32 {
      %mul3A_439 = arith.constant 16 : i32
      %mul3A_440 = arith.muli %scan3A_438, %mul3A_439 : i32
      %add3A_441 = arith.constant 0 : i32
      %add3A_442 = arith.addi %add3A_441, %mul3A_440 : i32
      %add3A_443 = arith.constant 32 : i32
      %add3A_444 = arith.addi %add3A_443, %add3A_442 : i32
      %get3A = arith.constant 0 : i32
      %get3A_445 = arith.index_cast %get3A : i32 to index
      %get3A_446 = arith.index_cast %add3A_444 : i32 to index
      %get3A_447 = tpu.vector_load %arg6[%get3A_445, %get3A_446] {strides = array<i32>} : memref<80x128xi32, #tpu.memory_space<vmem>>, vector<1x16xi32>,
      %get3A_448 = vector.shape_cast %get3A_447 : vector<1x16xi32> to vector<16xi32>
      %and3A = arith.constant 16383 : i32
      %and3A_449 = vector.broadcast %and3A : i32 to vector<16xi32>
      %and3A_450 = arith.andi %get3A_448, %and3A_449 : vector<16xi32>
      %shift_right_logical3A = arith.constant 14 : i32
      %shift_right_logical3A_451 = vector.broadcast %shift_right_logical3A : i32 to vector<16xi32>
      %shift_right_logical3A_452 = arith.shrui %get3A_448, %shift_right_logical3A_451 : vector<16xi32>
      %swap3A = arith.constant 1 : i32
      %swap3A_453 = arith.index_cast %swap3A : i32 to index
      %swap3A_454 = arith.index_cast %add3A_442 : i32 to index
      %swap3A_455 = tpu.vector_load %arg7[%swap3A_453, %swap3A_454] {strides = array<i32>} : memref<8x32xi32, #tpu.memory_space<vmem>>, vector<1x16xi32>,
      %swap3A_456 = vector.shape_cast %swap3A_455 : vector<1x16xi32> to vector<16xi32>
      %swap3A_457 = vector.shape_cast %and3A_450 : vector<16xi32> to vector<1x16xi32>
      tpu.vector_store %arg7[%swap3A_453, %swap3A_454], %swap3A_457 {strides = array<i32>} : memref<8x32xi32, #tpu.memory_space<vmem>>, vector<1x16xi32>,
      %eq3A_458 = arith.cmpi eq, %shift_right_logical3A_452, %and3A_450 : vector<16xi32>
      %and3A_459 = arith.constant 63 : i32
      %and3A_460 = vector.broadcast %and3A_459 : i32 to vector<16xi32>
      %and3A_461 = arith.andi %shift_right_logical3A_452, %and3A_460 : vector<16xi32>
      %add3A_462 = arith.constant 10000 : i32
      %add3A_463 = vector.broadcast %add3A_462 : i32 to vector<16xi32>
      %add3A_464 = arith.addi %add3A_463, %and3A_461 : vector<16xi32>
      %select_n3A = arith.select %eq3A_458, %add3A_464, %shift_right_logical3A_452 : vector<16xi1>, vector<16xi32>
      %swap3A_465 = arith.constant 1 : i32
      %swap3A_466 = arith.index_cast %swap3A_465 : i32 to index
      %swap3A_467 = arith.index_cast %add3A_442 : i32 to index
      %swap3A_468 = tpu.vector_load %arg8[%swap3A_466, %swap3A_467] {strides = array<i32>} : memref<8x32xi32, #tpu.memory_space<vmem>>, vector<1x16xi32>,
      %swap3A_469 = vector.shape_cast %swap3A_468 : vector<1x16xi32> to vector<16xi32>
      %swap3A_470 = vector.shape_cast %select_n3A : vector<16xi32> to vector<1x16xi32>
      tpu.vector_store %arg8[%swap3A_466, %swap3A_467], %swap3A_470 {strides = array<i32>} : memref<8x32xi32, #tpu.memory_space<vmem>>, vector<1x16xi32>,
    }
    %scan3A_13 = arith.constant 2 : i32
    %scan3A_14 = arith.constant 0 : i32
    %scan3A_15 = arith.constant 2 : i32
    %scan3A_16 = arith.addi %scan3A_14, %scan3A_15 : i32
    %scan3A_17 = arith.constant 1 : i32
    scf.for %scan3A_438 = %scan3A_14 to %scan3A_16 step %scan3A_17  : i32 {
      %mul3A_439 = arith.constant 16 : i32
      %mul3A_440 = arith.muli %scan3A_438, %mul3A_439 : i32
      %add3A_441 = arith.constant 0 : i32
      %add3A_442 = arith.addi %add3A_441, %mul3A_440 : i32
      %add3A_443 = arith.constant 64 : i32
      %add3A_444 = arith.addi %add3A_443, %add3A_442 : i32
      %get3A = arith.constant 0 : i32
      %get3A_445 = arith.index_cast %get3A : i32 to index
      %get3A_446 = arith.index_cast %add3A_444 : i32 to index
      %get3A_447 = tpu.vector_load %arg6[%get3A_445, %get3A_446] {strides = array<i32>} : memref<80x128xi32, #tpu.memory_space<vmem>>, vector<1x16xi32>,
      %get3A_448 = vector.shape_cast %get3A_447 : vector<1x16xi32> to vector<16xi32>
      %and3A = arith.constant 16383 : i32
      %and3A_449 = vector.broadcast %and3A : i32 to vector<16xi32>
      %and3A_450 = arith.andi %get3A_448, %and3A_449 : vector<16xi32>
      %shift_right_logical3A = arith.constant 14 : i32
      %shift_right_logical3A_451 = vector.broadcast %shift_right_logical3A : i32 to vector<16xi32>
      %shift_right_logical3A_452 = arith.shrui %get3A_448, %shift_right_logical3A_451 : vector<16xi32>
      %swap3A = arith.constant 2 : i32
      %swap3A_453 = arith.index_cast %swap3A : i32 to index
      %swap3A_454 = arith.index_cast %add3A_442 : i32 to index
      %swap3A_455 = tpu.vector_load %arg7[%swap3A_453, %swap3A_454] {strides = array<i32>} : memref<8x32xi32, #tpu.memory_space<vmem>>, vector<1x16xi32>,
      %swap3A_456 = vector.shape_cast %swap3A_455 : vector<1x16xi32> to vector<16xi32>
      %swap3A_457 = vector.shape_cast %and3A_450 : vector<16xi32> to vector<1x16xi32>
      tpu.vector_store %arg7[%swap3A_453, %swap3A_454], %swap3A_457 {strides = array<i32>} : memref<8x32xi32, #tpu.memory_space<vmem>>, vector<1x16xi32>,
      %eq3A_458 = arith.cmpi eq, %shift_right_logical3A_452, %and3A_450 : vector<16xi32>
      %and3A_459 = arith.constant 63 : i32
      %and3A_460 = vector.broadcast %and3A_459 : i32 to vector<16xi32>
      %and3A_461 = arith.andi %shift_right_logical3A_452, %and3A_460 : vector<16xi32>
      %add3A_462 = arith.constant 10000 : i32
      %add3A_463 = vector.broadcast %add3A_462 : i32 to vector<16xi32>
      %add3A_464 = arith.addi %add3A_463, %and3A_461 : vector<16xi32>
      %select_n3A = arith.select %eq3A_458, %add3A_464, %shift_right_logical3A_452 : vector<16xi1>, vector<16xi32>
      %swap3A_465 = arith.constant 2 : i32
      %swap3A_466 = arith.index_cast %swap3A_465 : i32 to index
      %swap3A_467 = arith.index_cast %add3A_442 : i32 to index
      %swap3A_468 = tpu.vector_load %arg8[%swap3A_466, %swap3A_467] {strides = array<i32>} : memref<8x32xi32, #tpu.memory_space<vmem>>, vector<1x16xi32>,
      %swap3A_469 = vector.shape_cast %swap3A_468 : vector<1x16xi32> to vector<16xi32>
      %swap3A_470 = vector.shape_cast %select_n3A : vector<16xi32> to vector<1x16xi32>
      tpu.vector_store %arg8[%swap3A_466, %swap3A_467], %swap3A_470 {strides = array<i32>} : memref<8x32xi32, #tpu.memory_space<vmem>>, vector<1x16xi32>,
    }
    %scan3A_18 = arith.constant 2 : i32
    %scan3A_19 = arith.constant 0 : i32
    %scan3A_20 = arith.constant 2 : i32
    %scan3A_21 = arith.addi %scan3A_19, %scan3A_20 : i32
    %scan3A_22 = arith.constant 1 : i32
    scf.for %scan3A_438 = %scan3A_19 to %scan3A_21 step %scan3A_22  : i32 {
      %mul3A_439 = arith.constant 16 : i32
      %mul3A_440 = arith.muli %scan3A_438, %mul3A_439 : i32
      %add3A_441 = arith.constant 0 : i32
      %add3A_442 = arith.addi %add3A_441, %mul3A_440 : i32
      %add3A_443 = arith.constant 96 : i32
      %add3A_444 = arith.addi %add3A_443, %add3A_442 : i32
      %get3A = arith.constant 0 : i32
      %get3A_445 = arith.index_cast %get3A : i32 to index
      %get3A_446 = arith.index_cast %add3A_444 : i32 to index
      %get3A_447 = tpu.vector_load %arg6[%get3A_445, %get3A_446] {strides = array<i32>} : memref<80x128xi32, #tpu.memory_space<vmem>>, vector<1x16xi32>,
      %get3A_448 = vector.shape_cast %get3A_447 : vector<1x16xi32> to vector<16xi32>
      %and3A = arith.constant 16383 : i32
      %and3A_449 = vector.broadcast %and3A : i32 to vector<16xi32>
      %and3A_450 = arith.andi %get3A_448, %and3A_449 : vector<16xi32>
      %shift_right_logical3A = arith.constant 14 : i32
      %shift_right_logical3A_451 = vector.broadcast %shift_right_logical3A : i32 to vector<16xi32>
      %shift_right_logical3A_452 = arith.shrui %get3A_448, %shift_right_logical3A_451 : vector<16xi32>
      %swap3A = arith.constant 3 : i32
      %swap3A_453 = arith.index_cast %swap3A : i32 to index
      %swap3A_454 = arith.index_cast %add3A_442 : i32 to index
      %swap3A_455 = tpu.vector_load %arg7[%swap3A_453, %swap3A_454] {strides = array<i32>} : memref<8x32xi32, #tpu.memory_space<vmem>>, vector<1x16xi32>,
      %swap3A_456 = vector.shape_cast %swap3A_455 : vector<1x16xi32> to vector<16xi32>
      %swap3A_457 = vector.shape_cast %and3A_450 : vector<16xi32> to vector<1x16xi32>
      tpu.vector_store %arg7[%swap3A_453, %swap3A_454], %swap3A_457 {strides = array<i32>} : memref<8x32xi32, #tpu.memory_space<vmem>>, vector<1x16xi32>,
      %eq3A_458 = arith.cmpi eq, %shift_right_logical3A_452, %and3A_450 : vector<16xi32>
      %and3A_459 = arith.constant 63 : i32
      %and3A_460 = vector.broadcast %and3A_459 : i32 to vector<16xi32>
      %and3A_461 = arith.andi %shift_right_logical3A_452, %and3A_460 : vector<16xi32>
      %add3A_462 = arith.constant 10000 : i32
      %add3A_463 = vector.broadcast %add3A_462 : i32 to vector<16xi32>
      %add3A_464 = arith.addi %add3A_463, %and3A_461 : vector<16xi32>
      %select_n3A = arith.select %eq3A_458, %add3A_464, %shift_right_logical3A_452 : vector<16xi1>, vector<16xi32>
      %swap3A_465 = arith.constant 3 : i32
      %swap3A_466 = arith.index_cast %swap3A_465 : i32 to index
      %swap3A_467 = arith.index_cast %add3A_442 : i32 to index
      %swap3A_468 = tpu.vector_load %arg8[%swap3A_466, %swap3A_467] {strides = array<i32>} : memref<8x32xi32, #tpu.memory_space<vmem>>, vector<1x16xi32>,
      %swap3A_469 = vector.shape_cast %swap3A_468 : vector<1x16xi32> to vector<16xi32>
      %swap3A_470 = vector.shape_cast %select_n3A : vector<16xi32> to vector<1x16xi32>
      tpu.vector_store %arg8[%swap3A_466, %swap3A_467], %swap3A_470 {strides = array<i32>} : memref<8x32xi32, #tpu.memory_space<vmem>>, vector<1x16xi32>,
    }
    %scan3A_23 = arith.constant 2 : i32
    %barrier3A = arith.constant 0 : index
    tpu.barrier barrier_id(%barrier3A)
    %dma_start3A = arith.constant 0 : i32
    %dma_start3A_24 = arith.constant 0 : i32
    %dma_start3A_25 = arith.constant 0 : i32
    %dma_start3A_26 = arith.constant 0 : i32
    %dma_start3A_27 = tpu.memref_slice %arg9[%dma_start3A_24, %dma_start3A_25, %dma_start3A_26] : memref<8x32x128xf32, #tpu.memory_space<vmem>> -> memref<1x32x128xf32, #tpu.memory_space<vmem>>
    %dma_start3A_28 = tpu.memref_squeeze %dma_start3A_27 : memref<1x32x128xf32, #tpu.memory_space<vmem>> -> memref<32x128xf32, #tpu.memory_space<vmem>>
    %dma_start3A_29 = arith.constant 0 : i32
    %dma_start3A_30 = tpu.memref_slice %arg7[%dma_start3A, %dma_start3A_29] : memref<8x32xi32, #tpu.memory_space<vmem>> -> memref<1x32xi32, #tpu.memory_space<vmem>>
    %dma_start3A_31 = tpu.memref_squeeze %dma_start3A_30 : memref<1x32xi32, #tpu.memory_space<vmem>> -> memref<32xi32, #tpu.memory_space<vmem>>
    %dma_start3A_32 = arith.constant 0 : i32
    %dma_start3A_33 = arith.constant 0 : i32
    %dma_start3A_34 = tpu.memref_slice %arg2[%dma_start3A_32, %dma_start3A_33] : memref<10000x128xf32, #tpu.memory_space<hbm>> -> memref<10000x128xf32, #tpu.memory_space<hbm>>
    tpu.enqueue_indirect_dma source(%dma_start3A_34 : memref<10000x128xf32, #tpu.memory_space<hbm>>) target(%dma_start3A_28 : memref<32x128xf32, #tpu.memory_space<vmem>>) offsets(%dma_start3A_31 : memref<32xi32, #tpu.memory_space<vmem>>) semaphore(%arg11 : memref<!tpu.dma_semaphore, #tpu.memory_space<semaphore_mem>>)
    %dma_start3A_35 = arith.constant 1 : i32
    %dma_start3A_36 = arith.constant 1 : i32
    %dma_start3A_37 = arith.constant 0 : i32
    %dma_start3A_38 = arith.constant 0 : i32
    %dma_start3A_39 = tpu.memref_slice %arg9[%dma_start3A_36, %dma_start3A_37, %dma_start3A_38] : memref<8x32x128xf32, #tpu.memory_space<vmem>> -> memref<1x32x128xf32, #tpu.memory_space<vmem>>
    %dma_start3A_40 = tpu.memref_squeeze %dma_start3A_39 : memref<1x32x128xf32, #tpu.memory_space<vmem>> -> memref<32x128xf32, #tpu.memory_space<vmem>>
    %dma_start3A_41 = arith.constant 0 : i32
    %dma_start3A_42 = tpu.memref_slice %arg7[%dma_start3A_35, %dma_start3A_41] : memref<8x32xi32, #tpu.memory_space<vmem>> -> memref<1x32xi32, #tpu.memory_space<vmem>>
    %dma_start3A_43 = tpu.memref_squeeze %dma_start3A_42 : memref<1x32xi32, #tpu.memory_space<vmem>> -> memref<32xi32, #tpu.memory_space<vmem>>
    %dma_start3A_44 = arith.constant 0 : i32
    %dma_start3A_45 = arith.constant 0 : i32
    %dma_start3A_46 = tpu.memref_slice %arg2[%dma_start3A_44, %dma_start3A_45] : memref<10000x128xf32, #tpu.memory_space<hbm>> -> memref<10000x128xf32, #tpu.memory_space<hbm>>
    tpu.enqueue_indirect_dma source(%dma_start3A_46 : memref<10000x128xf32, #tpu.memory_space<hbm>>) target(%dma_start3A_40 : memref<32x128xf32, #tpu.memory_space<vmem>>) offsets(%dma_start3A_43 : memref<32xi32, #tpu.memory_space<vmem>>) semaphore(%arg12 : memref<!tpu.dma_semaphore, #tpu.memory_space<semaphore_mem>>)
    %dma_start3A_47 = arith.constant 2 : i32
    %dma_start3A_48 = arith.constant 2 : i32
    %dma_start3A_49 = arith.constant 0 : i32
    %dma_start3A_50 = arith.constant 0 : i32
    %dma_start3A_51 = tpu.memref_slice %arg9[%dma_start3A_48, %dma_start3A_49, %dma_start3A_50] : memref<8x32x128xf32, #tpu.memory_space<vmem>> -> memref<1x32x128xf32, #tpu.memory_space<vmem>>
    %dma_start3A_52 = tpu.memref_squeeze %dma_start3A_51 : memref<1x32x128xf32, #tpu.memory_space<vmem>> -> memref<32x128xf32, #tpu.memory_space<vmem>>
    %dma_start3A_53 = arith.constant 0 : i32
    %dma_start3A_54 = tpu.memref_slice %arg7[%dma_start3A_47, %dma_start3A_53] : memref<8x32xi32, #tpu.memory_space<vmem>> -> memref<1x32xi32, #tpu.memory_space<vmem>>
    %dma_start3A_55 = tpu.memref_squeeze %dma_start3A_54 : memref<1x32xi32, #tpu.memory_space<vmem>> -> memref<32xi32, #tpu.memory_space<vmem>>
    %dma_start3A_56 = arith.constant 0 : i32
    %dma_start3A_57 = arith.constant 0 : i32
    %dma_start3A_58 = tpu.memref_slice %arg2[%dma_start3A_56, %dma_start3A_57] : memref<10000x128xf32, #tpu.memory_space<hbm>> -> memref<10000x128xf32, #tpu.memory_space<hbm>>
    tpu.enqueue_indirect_dma source(%dma_start3A_58 : memref<10000x128xf32, #tpu.memory_space<hbm>>) target(%dma_start3A_52 : memref<32x128xf32, #tpu.memory_space<vmem>>) offsets(%dma_start3A_55 : memref<32xi32, #tpu.memory_space<vmem>>) semaphore(%arg13 : memref<!tpu.dma_semaphore, #tpu.memory_space<semaphore_mem>>)
    %dma_start3A_59 = arith.constant 3 : i32
    %dma_start3A_60 = arith.constant 3 : i32
    %dma_start3A_61 = arith.constant 0 : i32
    %dma_start3A_62 = arith.constant 0 : i32
    %dma_start3A_63 = tpu.memref_slice %arg9[%dma_start3A_60, %dma_start3A_61, %dma_start3A_62] : memref<8x32x128xf32, #tpu.memory_space<vmem>> -> memref<1x32x128xf32, #tpu.memory_space<vmem>>
    %dma_start3A_64 = tpu.memref_squeeze %dma_start3A_63 : memref<1x32x128xf32, #tpu.memory_space<vmem>> -> memref<32x128xf32, #tpu.memory_space<vmem>>
    %dma_start3A_65 = arith.constant 0 : i32
    %dma_start3A_66 = tpu.memref_slice %arg7[%dma_start3A_59, %dma_start3A_65] : memref<8x32xi32, #tpu.memory_space<vmem>> -> memref<1x32xi32, #tpu.memory_space<vmem>>
    %dma_start3A_67 = tpu.memref_squeeze %dma_start3A_66 : memref<1x32xi32, #tpu.memory_space<vmem>> -> memref<32xi32, #tpu.memory_space<vmem>>
    %dma_start3A_68 = arith.constant 0 : i32
    %dma_start3A_69 = arith.constant 0 : i32
    %dma_start3A_70 = tpu.memref_slice %arg2[%dma_start3A_68, %dma_start3A_69] : memref<10000x128xf32, #tpu.memory_space<hbm>> -> memref<10000x128xf32, #tpu.memory_space<hbm>>
    tpu.enqueue_indirect_dma source(%dma_start3A_70 : memref<10000x128xf32, #tpu.memory_space<hbm>>) target(%dma_start3A_64 : memref<32x128xf32, #tpu.memory_space<vmem>>) offsets(%dma_start3A_67 : memref<32xi32, #tpu.memory_space<vmem>>) semaphore(%arg14 : memref<!tpu.dma_semaphore, #tpu.memory_space<semaphore_mem>>)
    %dma_wait3A = arith.constant 0 : i32
    %dma_wait3A_71 = arith.constant 0 : i32
    %dma_wait3A_72 = arith.constant 0 : i32
    %dma_wait3A_73 = arith.constant 0 : i32
    %dma_wait3A_74 = tpu.memref_slice %arg9[%dma_wait3A_71, %dma_wait3A_72, %dma_wait3A_73] : memref<8x32x128xf32, #tpu.memory_space<vmem>> -> memref<1x32x128xf32, #tpu.memory_space<vmem>>
    %dma_wait3A_75 = tpu.memref_squeeze %dma_wait3A_74 : memref<1x32x128xf32, #tpu.memory_space<vmem>> -> memref<32x128xf32, #tpu.memory_space<vmem>>
    %dma_wait3A_76 = arith.constant 0 : i32
    %dma_wait3A_77 = tpu.memref_slice %arg7[%dma_wait3A, %dma_wait3A_76] : memref<8x32xi32, #tpu.memory_space<vmem>> -> memref<1x32xi32, #tpu.memory_space<vmem>>
    %dma_wait3A_78 = tpu.memref_squeeze %dma_wait3A_77 : memref<1x32xi32, #tpu.memory_space<vmem>> -> memref<32xi32, #tpu.memory_space<vmem>>
    %dma_wait3A_79 = arith.constant 0 : i32
    %dma_wait3A_80 = arith.constant 0 : i32
    %dma_wait3A_81 = tpu.memref_slice %arg2[%dma_wait3A_79, %dma_wait3A_80] : memref<10000x128xf32, #tpu.memory_space<hbm>> -> memref<10000x128xf32, #tpu.memory_space<hbm>>
    tpu.wait_indirect_dma semaphore(%arg11 : memref<!tpu.dma_semaphore, #tpu.memory_space<semaphore_mem>>) src(%dma_wait3A_81 : memref<10000x128xf32, #tpu.memory_space<hbm>>) dst(%dma_wait3A_75 : memref<32x128xf32, #tpu.memory_space<vmem>>)
    %dma_start3A_82 = arith.constant 0 : i32
    %dma_start3A_83 = arith.constant 0 : i32
    %dma_start3A_84 = arith.constant 0 : i32
    %dma_start3A_85 = arith.constant 0 : i32
    %dma_start3A_86 = tpu.memref_slice %arg9[%dma_start3A_82, %dma_start3A_84, %dma_start3A_85] : memref<8x32x128xf32, #tpu.memory_space<vmem>> -> memref<1x32x128xf32, #tpu.memory_space<vmem>>
    %dma_start3A_87 = tpu.memref_squeeze %dma_start3A_86 : memref<1x32x128xf32, #tpu.memory_space<vmem>> -> memref<32x128xf32, #tpu.memory_space<vmem>>
    %dma_start3A_88 = arith.constant 0 : i32
    %dma_start3A_89 = tpu.memref_slice %arg8[%dma_start3A_83, %dma_start3A_88] : memref<8x32xi32, #tpu.memory_space<vmem>> -> memref<1x32xi32, #tpu.memory_space<vmem>>
    %dma_start3A_90 = tpu.memref_squeeze %dma_start3A_89 : memref<1x32xi32, #tpu.memory_space<vmem>> -> memref<32xi32, #tpu.memory_space<vmem>>
    %dma_start3A_91 = arith.constant 0 : i32
    %dma_start3A_92 = arith.constant 0 : i32
    %dma_start3A_93 = tpu.memref_slice %arg10[%dma_start3A_91, %dma_start3A_92] : memref<10112x128xf32, #tpu.memory_space<vmem_shared>> -> memref<10112x128xf32, #tpu.memory_space<vmem_shared>>
    tpu.enqueue_indirect_dma source(%dma_start3A_87 : memref<32x128xf32, #tpu.memory_space<vmem>>) target(%dma_start3A_93 : memref<10112x128xf32, #tpu.memory_space<vmem_shared>>) offsets(%dma_start3A_90 : memref<32xi32, #tpu.memory_space<vmem>>) semaphore(%arg19 : memref<!tpu.dma_semaphore, #tpu.memory_space<semaphore_mem>>) {add = true}
    %scan3A_94 = arith.constant 0 : i32
    %scan3A_95 = arith.constant 2 : i32
    %scan3A_96 = arith.addi %scan3A_94, %scan3A_95 : i32
    %scan3A_97 = arith.constant 1 : i32
    scf.for %scan3A_438 = %scan3A_94 to %scan3A_96 step %scan3A_97  : i32 {
      %mul3A_439 = arith.constant 16 : i32
      %mul3A_440 = arith.muli %scan3A_438, %mul3A_439 : i32
      %add3A_441 = arith.constant 0 : i32
      %add3A_442 = arith.addi %add3A_441, %mul3A_440 : i32
      %add3A_443 = arith.constant 0 : i32
      %add3A_444 = arith.addi %add3A_443, %add3A_442 : i32
      %get3A = arith.constant 1 : i32
      %get3A_445 = arith.index_cast %get3A : i32 to index
      %get3A_446 = arith.index_cast %add3A_444 : i32 to index
      %get3A_447 = tpu.vector_load %arg6[%get3A_445, %get3A_446] {strides = array<i32>} : memref<80x128xi32, #tpu.memory_space<vmem>>, vector<1x16xi32>,
      %get3A_448 = vector.shape_cast %get3A_447 : vector<1x16xi32> to vector<16xi32>
      %and3A = arith.constant 16383 : i32
      %and3A_449 = vector.broadcast %and3A : i32 to vector<16xi32>
      %and3A_450 = arith.andi %get3A_448, %and3A_449 : vector<16xi32>
      %shift_right_logical3A = arith.constant 14 : i32
      %shift_right_logical3A_451 = vector.broadcast %shift_right_logical3A : i32 to vector<16xi32>
      %shift_right_logical3A_452 = arith.shrui %get3A_448, %shift_right_logical3A_451 : vector<16xi32>
      %swap3A = arith.constant 4 : i32
      %swap3A_453 = arith.index_cast %swap3A : i32 to index
      %swap3A_454 = arith.index_cast %add3A_442 : i32 to index
      %swap3A_455 = tpu.vector_load %arg7[%swap3A_453, %swap3A_454] {strides = array<i32>} : memref<8x32xi32, #tpu.memory_space<vmem>>, vector<1x16xi32>,
      %swap3A_456 = vector.shape_cast %swap3A_455 : vector<1x16xi32> to vector<16xi32>
      %swap3A_457 = vector.shape_cast %and3A_450 : vector<16xi32> to vector<1x16xi32>
      tpu.vector_store %arg7[%swap3A_453, %swap3A_454], %swap3A_457 {strides = array<i32>} : memref<8x32xi32, #tpu.memory_space<vmem>>, vector<1x16xi32>,
      %eq3A_458 = arith.cmpi eq, %shift_right_logical3A_452, %and3A_450 : vector<16xi32>
      %and3A_459 = arith.constant 63 : i32
      %and3A_460 = vector.broadcast %and3A_459 : i32 to vector<16xi32>
      %and3A_461 = arith.andi %shift_right_logical3A_452, %and3A_460 : vector<16xi32>
      %add3A_462 = arith.constant 10000 : i32
      %add3A_463 = vector.broadcast %add3A_462 : i32 to vector<16xi32>
      %add3A_464 = arith.addi %add3A_463, %and3A_461 : vector<16xi32>
      %select_n3A = arith.select %eq3A_458, %add3A_464, %shift_right_logical3A_452 : vector<16xi1>, vector<16xi32>
      %swap3A_465 = arith.constant 4 : i32
      %swap3A_466 = arith.index_cast %swap3A_465 : i32 to index
      %swap3A_467 = arith.index_cast %add3A_442 : i32 to index
      %swap3A_468 = tpu.vector_load %arg8[%swap3A_466, %swap3A_467] {strides = array<i32>} : memref<8x32xi32, #tpu.memory_space<vmem>>, vector<1x16xi32>,
      %swap3A_469 = vector.shape_cast %swap3A_468 : vector<1x16xi32> to vector<16xi32>
      %swap3A_470 = vector.shape_cast %select_n3A : vector<16xi32> to vector<1x16xi32>
      tpu.vector_store %arg8[%swap3A_466, %swap3A_467], %swap3A_470 {strides = array<i32>} : memref<8x32xi32, #tpu.memory_space<vmem>>, vector<1x16xi32>,
    }
    %scan3A_98 = arith.constant 2 : i32
    %dma_start3A_99 = arith.constant 4 : i32
    %dma_start3A_100 = arith.constant 4 : i32
    %dma_start3A_101 = arith.constant 0 : i32
    %dma_start3A_102 = arith.constant 0 : i32
    %dma_start3A_103 = tpu.memref_slice %arg9[%dma_start3A_100, %dma_start3A_101, %dma_start3A_102] : memref<8x32x128xf32, #tpu.memory_space<vmem>> -> memref<1x32x128xf32, #tpu.memory_space<vmem>>
    %dma_start3A_104 = tpu.memref_squeeze %dma_start3A_103 : memref<1x32x128xf32, #tpu.memory_space<vmem>> -> memref<32x128xf32, #tpu.memory_space<vmem>>
    %dma_start3A_105 = arith.constant 0 : i32
    %dma_start3A_106 = tpu.memref_slice %arg7[%dma_start3A_99, %dma_start3A_105] : memref<8x32xi32, #tpu.memory_space<vmem>> -> memref<1x32xi32, #tpu.memory_space<vmem>>
    %dma_start3A_107 = tpu.memref_squeeze %dma_start3A_106 : memref<1x32xi32, #tpu.memory_space<vmem>> -> memref<32xi32, #tpu.memory_space<vmem>>
    %dma_start3A_108 = arith.constant 0 : i32
    %dma_start3A_109 = arith.constant 0 : i32
    %dma_start3A_110 = tpu.memref_slice %arg2[%dma_start3A_108, %dma_start3A_109] : memref<10000x128xf32, #tpu.memory_space<hbm>> -> memref<10000x128xf32, #tpu.memory_space<hbm>>
    tpu.enqueue_indirect_dma source(%dma_start3A_110 : memref<10000x128xf32, #tpu.memory_space<hbm>>) target(%dma_start3A_104 : memref<32x128xf32, #tpu.memory_space<vmem>>) offsets(%dma_start3A_107 : memref<32xi32, #tpu.memory_space<vmem>>) semaphore(%arg15 : memref<!tpu.dma_semaphore, #tpu.memory_space<semaphore_mem>>)
    %dma_wait3A_111 = arith.constant 1 : i32
    %dma_wait3A_112 = arith.constant 1 : i32
    %dma_wait3A_113 = arith.constant 0 : i32
    %dma_wait3A_114 = arith.constant 0 : i32
    %dma_wait3A_115 = tpu.memref_slice %arg9[%dma_wait3A_112, %dma_wait3A_113, %dma_wait3A_114] : memref<8x32x128xf32, #tpu.memory_space<vmem>> -> memref<1x32x128xf32, #tpu.memory_space<vmem>>
    %dma_wait3A_116 = tpu.memref_squeeze %dma_wait3A_115 : memref<1x32x128xf32, #tpu.memory_space<vmem>> -> memref<32x128xf32, #tpu.memory_space<vmem>>
    %dma_wait3A_117 = arith.constant 0 : i32
    %dma_wait3A_118 = tpu.memref_slice %arg7[%dma_wait3A_111, %dma_wait3A_117] : memref<8x32xi32, #tpu.memory_space<vmem>> -> memref<1x32xi32, #tpu.memory_space<vmem>>
    %dma_wait3A_119 = tpu.memref_squeeze %dma_wait3A_118 : memref<1x32xi32, #tpu.memory_space<vmem>> -> memref<32xi32, #tpu.memory_space<vmem>>
    %dma_wait3A_120 = arith.constant 0 : i32
    %dma_wait3A_121 = arith.constant 0 : i32
    %dma_wait3A_122 = tpu.memref_slice %arg2[%dma_wait3A_120, %dma_wait3A_121] : memref<10000x128xf32, #tpu.memory_space<hbm>> -> memref<10000x128xf32, #tpu.memory_space<hbm>>
    tpu.wait_indirect_dma semaphore(%arg12 : memref<!tpu.dma_semaphore, #tpu.memory_space<semaphore_mem>>) src(%dma_wait3A_122 : memref<10000x128xf32, #tpu.memory_space<hbm>>) dst(%dma_wait3A_116 : memref<32x128xf32, #tpu.memory_space<vmem>>)
    %dma_start3A_123 = arith.constant 1 : i32
    %dma_start3A_124 = arith.constant 1 : i32
    %dma_start3A_125 = arith.constant 0 : i32
    %dma_start3A_126 = arith.constant 0 : i32
    %dma_start3A_127 = tpu.memref_slice %arg9[%dma_start3A_123, %dma_start3A_125, %dma_start3A_126] : memref<8x32x128xf32, #tpu.memory_space<vmem>> -> memref<1x32x128xf32, #tpu.memory_space<vmem>>
    %dma_start3A_128 = tpu.memref_squeeze %dma_start3A_127 : memref<1x32x128xf32, #tpu.memory_space<vmem>> -> memref<32x128xf32, #tpu.memory_space<vmem>>
    %dma_start3A_129 = arith.constant 0 : i32
    %dma_start3A_130 = tpu.memref_slice %arg8[%dma_start3A_124, %dma_start3A_129] : memref<8x32xi32, #tpu.memory_space<vmem>> -> memref<1x32xi32, #tpu.memory_space<vmem>>
    %dma_start3A_131 = tpu.memref_squeeze %dma_start3A_130 : memref<1x32xi32, #tpu.memory_space<vmem>> -> memref<32xi32, #tpu.memory_space<vmem>>
    %dma_start3A_132 = arith.constant 0 : i32
    %dma_start3A_133 = arith.constant 0 : i32
    %dma_start3A_134 = tpu.memref_slice %arg10[%dma_start3A_132, %dma_start3A_133] : memref<10112x128xf32, #tpu.memory_space<vmem_shared>> -> memref<10112x128xf32, #tpu.memory_space<vmem_shared>>
    tpu.enqueue_indirect_dma source(%dma_start3A_128 : memref<32x128xf32, #tpu.memory_space<vmem>>) target(%dma_start3A_134 : memref<10112x128xf32, #tpu.memory_space<vmem_shared>>) offsets(%dma_start3A_131 : memref<32xi32, #tpu.memory_space<vmem>>) semaphore(%arg20 : memref<!tpu.dma_semaphore, #tpu.memory_space<semaphore_mem>>) {add = true}
    %scan3A_135 = arith.constant 0 : i32
    %scan3A_136 = arith.constant 2 : i32
    %scan3A_137 = arith.addi %scan3A_135, %scan3A_136 : i32
    %scan3A_138 = arith.constant 1 : i32
    scf.for %scan3A_438 = %scan3A_135 to %scan3A_137 step %scan3A_138  : i32 {
      %mul3A_439 = arith.constant 16 : i32
      %mul3A_440 = arith.muli %scan3A_438, %mul3A_439 : i32
      %add3A_441 = arith.constant 0 : i32
      %add3A_442 = arith.addi %add3A_441, %mul3A_440 : i32
      %add3A_443 = arith.constant 32 : i32
      %add3A_444 = arith.addi %add3A_443, %add3A_442 : i32
      %get3A = arith.constant 1 : i32
      %get3A_445 = arith.index_cast %get3A : i32 to index
      %get3A_446 = arith.index_cast %add3A_444 : i32 to index
      %get3A_447 = tpu.vector_load %arg6[%get3A_445, %get3A_446] {strides = array<i32>} : memref<80x128xi32, #tpu.memory_space<vmem>>, vector<1x16xi32>,
      %get3A_448 = vector.shape_cast %get3A_447 : vector<1x16xi32> to vector<16xi32>
      %and3A = arith.constant 16383 : i32
      %and3A_449 = vector.broadcast %and3A : i32 to vector<16xi32>
      %and3A_450 = arith.andi %get3A_448, %and3A_449 : vector<16xi32>
      %shift_right_logical3A = arith.constant 14 : i32
      %shift_right_logical3A_451 = vector.broadcast %shift_right_logical3A : i32 to vector<16xi32>
      %shift_right_logical3A_452 = arith.shrui %get3A_448, %shift_right_logical3A_451 : vector<16xi32>
      %swap3A = arith.constant 5 : i32
      %swap3A_453 = arith.index_cast %swap3A : i32 to index
      %swap3A_454 = arith.index_cast %add3A_442 : i32 to index
      %swap3A_455 = tpu.vector_load %arg7[%swap3A_453, %swap3A_454] {strides = array<i32>} : memref<8x32xi32, #tpu.memory_space<vmem>>, vector<1x16xi32>,
      %swap3A_456 = vector.shape_cast %swap3A_455 : vector<1x16xi32> to vector<16xi32>
      %swap3A_457 = vector.shape_cast %and3A_450 : vector<16xi32> to vector<1x16xi32>
      tpu.vector_store %arg7[%swap3A_453, %swap3A_454], %swap3A_457 {strides = array<i32>} : memref<8x32xi32, #tpu.memory_space<vmem>>, vector<1x16xi32>,
      %eq3A_458 = arith.cmpi eq, %shift_right_logical3A_452, %and3A_450 : vector<16xi32>
      %and3A_459 = arith.constant 63 : i32
      %and3A_460 = vector.broadcast %and3A_459 : i32 to vector<16xi32>
      %and3A_461 = arith.andi %shift_right_logical3A_452, %and3A_460 : vector<16xi32>
      %add3A_462 = arith.constant 10000 : i32
      %add3A_463 = vector.broadcast %add3A_462 : i32 to vector<16xi32>
      %add3A_464 = arith.addi %add3A_463, %and3A_461 : vector<16xi32>
      %select_n3A = arith.select %eq3A_458, %add3A_464, %shift_right_logical3A_452 : vector<16xi1>, vector<16xi32>
      %swap3A_465 = arith.constant 5 : i32
      %swap3A_466 = arith.index_cast %swap3A_465 : i32 to index
      %swap3A_467 = arith.index_cast %add3A_442 : i32 to index
      %swap3A_468 = tpu.vector_load %arg8[%swap3A_466, %swap3A_467] {strides = array<i32>} : memref<8x32xi32, #tpu.memory_space<vmem>>, vector<1x16xi32>,
      %swap3A_469 = vector.shape_cast %swap3A_468 : vector<1x16xi32> to vector<16xi32>
      %swap3A_470 = vector.shape_cast %select_n3A : vector<16xi32> to vector<1x16xi32>
      tpu.vector_store %arg8[%swap3A_466, %swap3A_467], %swap3A_470 {strides = array<i32>} : memref<8x32xi32, #tpu.memory_space<vmem>>, vector<1x16xi32>,
    }
    %scan3A_139 = arith.constant 2 : i32
    %dma_start3A_140 = arith.constant 5 : i32
    %dma_start3A_141 = arith.constant 5 : i32
    %dma_start3A_142 = arith.constant 0 : i32
    %dma_start3A_143 = arith.constant 0 : i32
    %dma_start3A_144 = tpu.memref_slice %arg9[%dma_start3A_141, %dma_start3A_142, %dma_start3A_143] : memref<8x32x128xf32, #tpu.memory_space<vmem>> -> memref<1x32x128xf32, #tpu.memory_space<vmem>>
    %dma_start3A_145 = tpu.memref_squeeze %dma_start3A_144 : memref<1x32x128xf32, #tpu.memory_space<vmem>> -> memref<32x128xf32, #tpu.memory_space<vmem>>
    %dma_start3A_146 = arith.constant 0 : i32
    %dma_start3A_147 = tpu.memref_slice %arg7[%dma_start3A_140, %dma_start3A_146] : memref<8x32xi32, #tpu.memory_space<vmem>> -> memref<1x32xi32, #tpu.memory_space<vmem>>
    %dma_start3A_148 = tpu.memref_squeeze %dma_start3A_147 : memref<1x32xi32, #tpu.memory_space<vmem>> -> memref<32xi32, #tpu.memory_space<vmem>>
    %dma_start3A_149 = arith.constant 0 : i32
    %dma_start3A_150 = arith.constant 0 : i32
    %dma_start3A_151 = tpu.memref_slice %arg2[%dma_start3A_149, %dma_start3A_150] : memref<10000x128xf32, #tpu.memory_space<hbm>> -> memref<10000x128xf32, #tpu.memory_space<hbm>>
    tpu.enqueue_indirect_dma source(%dma_start3A_151 : memref<10000x128xf32, #tpu.memory_space<hbm>>) target(%dma_start3A_145 : memref<32x128xf32, #tpu.memory_space<vmem>>) offsets(%dma_start3A_148 : memref<32xi32, #tpu.memory_space<vmem>>) semaphore(%arg16 : memref<!tpu.dma_semaphore, #tpu.memory_space<semaphore_mem>>)
    %dma_wait3A_152 = arith.constant 2 : i32
    %dma_wait3A_153 = arith.constant 2 : i32
    %dma_wait3A_154 = arith.constant 0 : i32
    %dma_wait3A_155 = arith.constant 0 : i32
    %dma_wait3A_156 = tpu.memref_slice %arg9[%dma_wait3A_153, %dma_wait3A_154, %dma_wait3A_155] : memref<8x32x128xf32, #tpu.memory_space<vmem>> -> memref<1x32x128xf32, #tpu.memory_space<vmem>>
    %dma_wait3A_157 = tpu.memref_squeeze %dma_wait3A_156 : memref<1x32x128xf32, #tpu.memory_space<vmem>> -> memref<32x128xf32, #tpu.memory_space<vmem>>
    %dma_wait3A_158 = arith.constant 0 : i32
    %dma_wait3A_159 = tpu.memref_slice %arg7[%dma_wait3A_152, %dma_wait3A_158] : memref<8x32xi32, #tpu.memory_space<vmem>> -> memref<1x32xi32, #tpu.memory_space<vmem>>
    %dma_wait3A_160 = tpu.memref_squeeze %dma_wait3A_159 : memref<1x32xi32, #tpu.memory_space<vmem>> -> memref<32xi32, #tpu.memory_space<vmem>>
    %dma_wait3A_161 = arith.constant 0 : i32
    %dma_wait3A_162 = arith.constant 0 : i32
    %dma_wait3A_163 = tpu.memref_slice %arg2[%dma_wait3A_161, %dma_wait3A_162] : memref<10000x128xf32, #tpu.memory_space<hbm>> -> memref<10000x128xf32, #tpu.memory_space<hbm>>
    tpu.wait_indirect_dma semaphore(%arg13 : memref<!tpu.dma_semaphore, #tpu.memory_space<semaphore_mem>>) src(%dma_wait3A_163 : memref<10000x128xf32, #tpu.memory_space<hbm>>) dst(%dma_wait3A_157 : memref<32x128xf32, #tpu.memory_space<vmem>>)
    %dma_start3A_164 = arith.constant 2 : i32
    %dma_start3A_165 = arith.constant 2 : i32
    %dma_start3A_166 = arith.constant 0 : i32
    %dma_start3A_167 = arith.constant 0 : i32
    %dma_start3A_168 = tpu.memref_slice %arg9[%dma_start3A_164, %dma_start3A_166, %dma_start3A_167] : memref<8x32x128xf32, #tpu.memory_space<vmem>> -> memref<1x32x128xf32, #tpu.memory_space<vmem>>
    %dma_start3A_169 = tpu.memref_squeeze %dma_start3A_168 : memref<1x32x128xf32, #tpu.memory_space<vmem>> -> memref<32x128xf32, #tpu.memory_space<vmem>>
    %dma_start3A_170 = arith.constant 0 : i32
    %dma_start3A_171 = tpu.memref_slice %arg8[%dma_start3A_165, %dma_start3A_170] : memref<8x32xi32, #tpu.memory_space<vmem>> -> memref<1x32xi32, #tpu.memory_space<vmem>>
    %dma_start3A_172 = tpu.memref_squeeze %dma_start3A_171 : memref<1x32xi32, #tpu.memory_space<vmem>> -> memref<32xi32, #tpu.memory_space<vmem>>
    %dma_start3A_173 = arith.constant 0 : i32
    %dma_start3A_174 = arith.constant 0 : i32
    %dma_start3A_175 = tpu.memref_slice %arg10[%dma_start3A_173, %dma_start3A_174] : memref<10112x128xf32, #tpu.memory_space<vmem_shared>> -> memref<10112x128xf32, #tpu.memory_space<vmem_shared>>
    tpu.enqueue_indirect_dma source(%dma_start3A_169 : memref<32x128xf32, #tpu.memory_space<vmem>>) target(%dma_start3A_175 : memref<10112x128xf32, #tpu.memory_space<vmem_shared>>) offsets(%dma_start3A_172 : memref<32xi32, #tpu.memory_space<vmem>>) semaphore(%arg21 : memref<!tpu.dma_semaphore, #tpu.memory_space<semaphore_mem>>) {add = true}
    %scan3A_176 = arith.constant 0 : i32
    %scan3A_177 = arith.constant 2 : i32
    %scan3A_178 = arith.addi %scan3A_176, %scan3A_177 : i32
    %scan3A_179 = arith.constant 1 : i32
    scf.for %scan3A_438 = %scan3A_176 to %scan3A_178 step %scan3A_179  : i32 {
      %mul3A_439 = arith.constant 16 : i32
      %mul3A_440 = arith.muli %scan3A_438, %mul3A_439 : i32
      %add3A_441 = arith.constant 0 : i32
      %add3A_442 = arith.addi %add3A_441, %mul3A_440 : i32
      %add3A_443 = arith.constant 64 : i32
      %add3A_444 = arith.addi %add3A_443, %add3A_442 : i32
      %get3A = arith.constant 1 : i32
      %get3A_445 = arith.index_cast %get3A : i32 to index
      %get3A_446 = arith.index_cast %add3A_444 : i32 to index
      %get3A_447 = tpu.vector_load %arg6[%get3A_445, %get3A_446] {strides = array<i32>} : memref<80x128xi32, #tpu.memory_space<vmem>>, vector<1x16xi32>,
      %get3A_448 = vector.shape_cast %get3A_447 : vector<1x16xi32> to vector<16xi32>
      %and3A = arith.constant 16383 : i32
      %and3A_449 = vector.broadcast %and3A : i32 to vector<16xi32>
      %and3A_450 = arith.andi %get3A_448, %and3A_449 : vector<16xi32>
      %shift_right_logical3A = arith.constant 14 : i32
      %shift_right_logical3A_451 = vector.broadcast %shift_right_logical3A : i32 to vector<16xi32>
      %shift_right_logical3A_452 = arith.shrui %get3A_448, %shift_right_logical3A_451 : vector<16xi32>
      %swap3A = arith.constant 6 : i32
      %swap3A_453 = arith.index_cast %swap3A : i32 to index
      %swap3A_454 = arith.index_cast %add3A_442 : i32 to index
      %swap3A_455 = tpu.vector_load %arg7[%swap3A_453, %swap3A_454] {strides = array<i32>} : memref<8x32xi32, #tpu.memory_space<vmem>>, vector<1x16xi32>,
      %swap3A_456 = vector.shape_cast %swap3A_455 : vector<1x16xi32> to vector<16xi32>
      %swap3A_457 = vector.shape_cast %and3A_450 : vector<16xi32> to vector<1x16xi32>
      tpu.vector_store %arg7[%swap3A_453, %swap3A_454], %swap3A_457 {strides = array<i32>} : memref<8x32xi32, #tpu.memory_space<vmem>>, vector<1x16xi32>,
      %eq3A_458 = arith.cmpi eq, %shift_right_logical3A_452, %and3A_450 : vector<16xi32>
      %and3A_459 = arith.constant 63 : i32
      %and3A_460 = vector.broadcast %and3A_459 : i32 to vector<16xi32>
      %and3A_461 = arith.andi %shift_right_logical3A_452, %and3A_460 : vector<16xi32>
      %add3A_462 = arith.constant 10000 : i32
      %add3A_463 = vector.broadcast %add3A_462 : i32 to vector<16xi32>
      %add3A_464 = arith.addi %add3A_463, %and3A_461 : vector<16xi32>
      %select_n3A = arith.select %eq3A_458, %add3A_464, %shift_right_logical3A_452 : vector<16xi1>, vector<16xi32>
      %swap3A_465 = arith.constant 6 : i32
      %swap3A_466 = arith.index_cast %swap3A_465 : i32 to index
      %swap3A_467 = arith.index_cast %add3A_442 : i32 to index
      %swap3A_468 = tpu.vector_load %arg8[%swap3A_466, %swap3A_467] {strides = array<i32>} : memref<8x32xi32, #tpu.memory_space<vmem>>, vector<1x16xi32>,
      %swap3A_469 = vector.shape_cast %swap3A_468 : vector<1x16xi32> to vector<16xi32>
      %swap3A_470 = vector.shape_cast %select_n3A : vector<16xi32> to vector<1x16xi32>
      tpu.vector_store %arg8[%swap3A_466, %swap3A_467], %swap3A_470 {strides = array<i32>} : memref<8x32xi32, #tpu.memory_space<vmem>>, vector<1x16xi32>,
    }
    %scan3A_180 = arith.constant 2 : i32
    %dma_start3A_181 = arith.constant 6 : i32
    %dma_start3A_182 = arith.constant 6 : i32
    %dma_start3A_183 = arith.constant 0 : i32
    %dma_start3A_184 = arith.constant 0 : i32
    %dma_start3A_185 = tpu.memref_slice %arg9[%dma_start3A_182, %dma_start3A_183, %dma_start3A_184] : memref<8x32x128xf32, #tpu.memory_space<vmem>> -> memref<1x32x128xf32, #tpu.memory_space<vmem>>
    %dma_start3A_186 = tpu.memref_squeeze %dma_start3A_185 : memref<1x32x128xf32, #tpu.memory_space<vmem>> -> memref<32x128xf32, #tpu.memory_space<vmem>>
    %dma_start3A_187 = arith.constant 0 : i32
    %dma_start3A_188 = tpu.memref_slice %arg7[%dma_start3A_181, %dma_start3A_187] : memref<8x32xi32, #tpu.memory_space<vmem>> -> memref<1x32xi32, #tpu.memory_space<vmem>>
    %dma_start3A_189 = tpu.memref_squeeze %dma_start3A_188 : memref<1x32xi32, #tpu.memory_space<vmem>> -> memref<32xi32, #tpu.memory_space<vmem>>
    %dma_start3A_190 = arith.constant 0 : i32
    %dma_start3A_191 = arith.constant 0 : i32
    %dma_start3A_192 = tpu.memref_slice %arg2[%dma_start3A_190, %dma_start3A_191] : memref<10000x128xf32, #tpu.memory_space<hbm>> -> memref<10000x128xf32, #tpu.memory_space<hbm>>
    tpu.enqueue_indirect_dma source(%dma_start3A_192 : memref<10000x128xf32, #tpu.memory_space<hbm>>) target(%dma_start3A_186 : memref<32x128xf32, #tpu.memory_space<vmem>>) offsets(%dma_start3A_189 : memref<32xi32, #tpu.memory_space<vmem>>) semaphore(%arg17 : memref<!tpu.dma_semaphore, #tpu.memory_space<semaphore_mem>>)
    %dma_wait3A_193 = arith.constant 3 : i32
    %dma_wait3A_194 = arith.constant 3 : i32
    %dma_wait3A_195 = arith.constant 0 : i32
    %dma_wait3A_196 = arith.constant 0 : i32
    %dma_wait3A_197 = tpu.memref_slice %arg9[%dma_wait3A_194, %dma_wait3A_195, %dma_wait3A_196] : memref<8x32x128xf32, #tpu.memory_space<vmem>> -> memref<1x32x128xf32, #tpu.memory_space<vmem>>
    %dma_wait3A_198 = tpu.memref_squeeze %dma_wait3A_197 : memref<1x32x128xf32, #tpu.memory_space<vmem>> -> memref<32x128xf32, #tpu.memory_space<vmem>>
    %dma_wait3A_199 = arith.constant 0 : i32
    %dma_wait3A_200 = tpu.memref_slice %arg7[%dma_wait3A_193, %dma_wait3A_199] : memref<8x32xi32, #tpu.memory_space<vmem>> -> memref<1x32xi32, #tpu.memory_space<vmem>>
    %dma_wait3A_201 = tpu.memref_squeeze %dma_wait3A_200 : memref<1x32xi32, #tpu.memory_space<vmem>> -> memref<32xi32, #tpu.memory_space<vmem>>
    %dma_wait3A_202 = arith.constant 0 : i32
    %dma_wait3A_203 = arith.constant 0 : i32
    %dma_wait3A_204 = tpu.memref_slice %arg2[%dma_wait3A_202, %dma_wait3A_203] : memref<10000x128xf32, #tpu.memory_space<hbm>> -> memref<10000x128xf32, #tpu.memory_space<hbm>>
    tpu.wait_indirect_dma semaphore(%arg14 : memref<!tpu.dma_semaphore, #tpu.memory_space<semaphore_mem>>) src(%dma_wait3A_204 : memref<10000x128xf32, #tpu.memory_space<hbm>>) dst(%dma_wait3A_198 : memref<32x128xf32, #tpu.memory_space<vmem>>)
    %dma_start3A_205 = arith.constant 3 : i32
    %dma_start3A_206 = arith.constant 3 : i32
    %dma_start3A_207 = arith.constant 0 : i32
    %dma_start3A_208 = arith.constant 0 : i32
    %dma_start3A_209 = tpu.memref_slice %arg9[%dma_start3A_205, %dma_start3A_207, %dma_start3A_208] : memref<8x32x128xf32, #tpu.memory_space<vmem>> -> memref<1x32x128xf32, #tpu.memory_space<vmem>>
    %dma_start3A_210 = tpu.memref_squeeze %dma_start3A_209 : memref<1x32x128xf32, #tpu.memory_space<vmem>> -> memref<32x128xf32, #tpu.memory_space<vmem>>
    %dma_start3A_211 = arith.constant 0 : i32
    %dma_start3A_212 = tpu.memref_slice %arg8[%dma_start3A_206, %dma_start3A_211] : memref<8x32xi32, #tpu.memory_space<vmem>> -> memref<1x32xi32, #tpu.memory_space<vmem>>
    %dma_start3A_213 = tpu.memref_squeeze %dma_start3A_212 : memref<1x32xi32, #tpu.memory_space<vmem>> -> memref<32xi32, #tpu.memory_space<vmem>>
    %dma_start3A_214 = arith.constant 0 : i32
    %dma_start3A_215 = arith.constant 0 : i32
    %dma_start3A_216 = tpu.memref_slice %arg10[%dma_start3A_214, %dma_start3A_215] : memref<10112x128xf32, #tpu.memory_space<vmem_shared>> -> memref<10112x128xf32, #tpu.memory_space<vmem_shared>>
    tpu.enqueue_indirect_dma source(%dma_start3A_210 : memref<32x128xf32, #tpu.memory_space<vmem>>) target(%dma_start3A_216 : memref<10112x128xf32, #tpu.memory_space<vmem_shared>>) offsets(%dma_start3A_213 : memref<32xi32, #tpu.memory_space<vmem>>) semaphore(%arg22 : memref<!tpu.dma_semaphore, #tpu.memory_space<semaphore_mem>>) {add = true}
    %scan3A_217 = arith.constant 0 : i32
    %scan3A_218 = arith.constant 2 : i32
    %scan3A_219 = arith.addi %scan3A_217, %scan3A_218 : i32
    %scan3A_220 = arith.constant 1 : i32
    scf.for %scan3A_438 = %scan3A_217 to %scan3A_219 step %scan3A_220  : i32 {
      %mul3A_439 = arith.constant 16 : i32
      %mul3A_440 = arith.muli %scan3A_438, %mul3A_439 : i32
      %add3A_441 = arith.constant 0 : i32
      %add3A_442 = arith.addi %add3A_441, %mul3A_440 : i32
      %add3A_443 = arith.constant 96 : i32
      %add3A_444 = arith.addi %add3A_443, %add3A_442 : i32
      %get3A = arith.constant 1 : i32
      %get3A_445 = arith.index_cast %get3A : i32 to index
      %get3A_446 = arith.index_cast %add3A_444 : i32 to index
      %get3A_447 = tpu.vector_load %arg6[%get3A_445, %get3A_446] {strides = array<i32>} : memref<80x128xi32, #tpu.memory_space<vmem>>, vector<1x16xi32>,
      %get3A_448 = vector.shape_cast %get3A_447 : vector<1x16xi32> to vector<16xi32>
      %and3A = arith.constant 16383 : i32
      %and3A_449 = vector.broadcast %and3A : i32 to vector<16xi32>
      %and3A_450 = arith.andi %get3A_448, %and3A_449 : vector<16xi32>
      %shift_right_logical3A = arith.constant 14 : i32
      %shift_right_logical3A_451 = vector.broadcast %shift_right_logical3A : i32 to vector<16xi32>
      %shift_right_logical3A_452 = arith.shrui %get3A_448, %shift_right_logical3A_451 : vector<16xi32>
      %swap3A = arith.constant 7 : i32
      %swap3A_453 = arith.index_cast %swap3A : i32 to index
      %swap3A_454 = arith.index_cast %add3A_442 : i32 to index
      %swap3A_455 = tpu.vector_load %arg7[%swap3A_453, %swap3A_454] {strides = array<i32>} : memref<8x32xi32, #tpu.memory_space<vmem>>, vector<1x16xi32>,
      %swap3A_456 = vector.shape_cast %swap3A_455 : vector<1x16xi32> to vector<16xi32>
      %swap3A_457 = vector.shape_cast %and3A_450 : vector<16xi32> to vector<1x16xi32>
      tpu.vector_store %arg7[%swap3A_453, %swap3A_454], %swap3A_457 {strides = array<i32>} : memref<8x32xi32, #tpu.memory_space<vmem>>, vector<1x16xi32>,
      %eq3A_458 = arith.cmpi eq, %shift_right_logical3A_452, %and3A_450 : vector<16xi32>
      %and3A_459 = arith.constant 63 : i32
      %and3A_460 = vector.broadcast %and3A_459 : i32 to vector<16xi32>
      %and3A_461 = arith.andi %shift_right_logical3A_452, %and3A_460 : vector<16xi32>
      %add3A_462 = arith.constant 10000 : i32
      %add3A_463 = vector.broadcast %add3A_462 : i32 to vector<16xi32>
      %add3A_464 = arith.addi %add3A_463, %and3A_461 : vector<16xi32>
      %select_n3A = arith.select %eq3A_458, %add3A_464, %shift_right_logical3A_452 : vector<16xi1>, vector<16xi32>
      %swap3A_465 = arith.constant 7 : i32
      %swap3A_466 = arith.index_cast %swap3A_465 : i32 to index
      %swap3A_467 = arith.index_cast %add3A_442 : i32 to index
      %swap3A_468 = tpu.vector_load %arg8[%swap3A_466, %swap3A_467] {strides = array<i32>} : memref<8x32xi32, #tpu.memory_space<vmem>>, vector<1x16xi32>,
      %swap3A_469 = vector.shape_cast %swap3A_468 : vector<1x16xi32> to vector<16xi32>
      %swap3A_470 = vector.shape_cast %select_n3A : vector<16xi32> to vector<1x16xi32>
      tpu.vector_store %arg8[%swap3A_466, %swap3A_467], %swap3A_470 {strides = array<i32>} : memref<8x32xi32, #tpu.memory_space<vmem>>, vector<1x16xi32>,
    }
    %scan3A_221 = arith.constant 2 : i32
    %dma_start3A_222 = arith.constant 7 : i32
    %dma_start3A_223 = arith.constant 7 : i32
    %dma_start3A_224 = arith.constant 0 : i32
    %dma_start3A_225 = arith.constant 0 : i32
    %dma_start3A_226 = tpu.memref_slice %arg9[%dma_start3A_223, %dma_start3A_224, %dma_start3A_225] : memref<8x32x128xf32, #tpu.memory_space<vmem>> -> memref<1x32x128xf32, #tpu.memory_space<vmem>>
    %dma_start3A_227 = tpu.memref_squeeze %dma_start3A_226 : memref<1x32x128xf32, #tpu.memory_space<vmem>> -> memref<32x128xf32, #tpu.memory_space<vmem>>
    %dma_start3A_228 = arith.constant 0 : i32
    %dma_start3A_229 = tpu.memref_slice %arg7[%dma_start3A_222, %dma_start3A_228] : memref<8x32xi32, #tpu.memory_space<vmem>> -> memref<1x32xi32, #tpu.memory_space<vmem>>
    %dma_start3A_230 = tpu.memref_squeeze %dma_start3A_229 : memref<1x32xi32, #tpu.memory_space<vmem>> -> memref<32xi32, #tpu.memory_space<vmem>>
    %dma_start3A_231 = arith.constant 0 : i32
    %dma_start3A_232 = arith.constant 0 : i32
    %dma_start3A_233 = tpu.memref_slice %arg2[%dma_start3A_231, %dma_start3A_232] : memref<10000x128xf32, #tpu.memory_space<hbm>> -> memref<10000x128xf32, #tpu.memory_space<hbm>>
    tpu.enqueue_indirect_dma source(%dma_start3A_233 : memref<10000x128xf32, #tpu.memory_space<hbm>>) target(%dma_start3A_227 : memref<32x128xf32, #tpu.memory_space<vmem>>) offsets(%dma_start3A_230 : memref<32xi32, #tpu.memory_space<vmem>>) semaphore(%arg18 : memref<!tpu.dma_semaphore, #tpu.memory_space<semaphore_mem>>)
    %scan3A_234 = arith.constant 0 : i32
    %scan3A_235 = arith.constant 39 : i32
    %scan3A_236 = arith.addi %scan3A_234, %scan3A_235 : i32
    %scan3A_237 = arith.constant 1 : i32
    scf.for %scan3A_438 = %scan3A_234 to %scan3A_236 step %scan3A_237  : i32 {
      %mul3A_439 = arith.constant 8 : i32
      %mul3A_440 = arith.muli %scan3A_438, %mul3A_439 : i32
      %add3A_441 = arith.constant 4 : i32
      %add3A_442 = arith.addi %add3A_441, %mul3A_440 : i32
      %add3A_443 = arith.constant 0 : i32
      %add3A_444 = arith.addi %add3A_442, %add3A_443 : i32
      %sub3A = arith.constant 4 : i32
      %sub3A_445 = arith.subi %add3A_444, %sub3A : i32
      %dma_wait3A_446 = arith.constant 0 : i32
      %dma_wait3A_447 = arith.constant 0 : i32
      %dma_wait3A_448 = arith.constant 0 : i32
      %dma_wait3A_449 = arith.constant 0 : i32
      %dma_wait3A_450 = tpu.memref_slice %arg9[%dma_wait3A_446, %dma_wait3A_448, %dma_wait3A_449] : memref<8x32x128xf32, #tpu.memory_space<vmem>> -> memref<1x32x128xf32, #tpu.memory_space<vmem>>
      %dma_wait3A_451 = tpu.memref_squeeze %dma_wait3A_450 : memref<1x32x128xf32, #tpu.memory_space<vmem>> -> memref<32x128xf32, #tpu.memory_space<vmem>>
      %dma_wait3A_452 = arith.constant 0 : i32
      %dma_wait3A_453 = tpu.memref_slice %arg8[%dma_wait3A_447, %dma_wait3A_452] : memref<8x32xi32, #tpu.memory_space<vmem>> -> memref<1x32xi32, #tpu.memory_space<vmem>>
      %dma_wait3A_454 = tpu.memref_squeeze %dma_wait3A_453 : memref<1x32xi32, #tpu.memory_space<vmem>> -> memref<32xi32, #tpu.memory_space<vmem>>
      %dma_wait3A_455 = arith.constant 0 : i32
      %dma_wait3A_456 = arith.constant 0 : i32
      %dma_wait3A_457 = tpu.memref_slice %arg10[%dma_wait3A_455, %dma_wait3A_456] : memref<10112x128xf32, #tpu.memory_space<vmem_shared>> -> memref<10112x128xf32, #tpu.memory_space<vmem_shared>>
      tpu.wait_indirect_dma semaphore(%arg19 : memref<!tpu.dma_semaphore, #tpu.memory_space<semaphore_mem>>) src(%dma_wait3A_451 : memref<32x128xf32, #tpu.memory_space<vmem>>) dst(%dma_wait3A_457 : memref<10112x128xf32, #tpu.memory_space<vmem_shared>>)
      %add3A_458 = arith.constant 0 : i32
      %add3A_459 = arith.addi %add3A_442, %add3A_458 : i32
      %add3A_460 = arith.constant 4 : i32
      %add3A_461 = arith.addi %add3A_459, %add3A_460 : i32
      %scan3A_462 = arith.constant 0 : i32
      %scan3A_463 = arith.constant 2 : i32
      %scan3A_464 = arith.addi %scan3A_462, %scan3A_463 : i32
      %scan3A_465 = arith.constant 1 : i32
      scf.for %scan3A_994 = %scan3A_462 to %scan3A_464 step %scan3A_465  : i32 {
        %mul3A_995 = arith.constant 16 : i32
        %mul3A_996 = arith.muli %scan3A_994, %mul3A_995 : i32
        %add3A_997 = arith.constant 0 : i32
        %add3A_998 = arith.addi %add3A_997, %mul3A_996 : i32
        %jit3A = arith.constant 4 : i32
        %div3A = arith.divsi %add3A_461, %jit3A : i32
        %sign3A = arith.constant 0 : i32
        %sign3A_999 = arith.cmpi sgt, %add3A_461, %sign3A : i32
        %sign3A_1000 = arith.extui %sign3A_999 : i1 to i32
        %sign3A_1001 = arith.constant 0 : i32
        %sign3A_1002 = arith.cmpi slt, %add3A_461, %sign3A_1001 : i32
        %sign3A_1003 = arith.extui %sign3A_1002 : i1 to i32
        %sign3A_1004 = arith.subi %sign3A_1000, %sign3A_1003 : i32
        %sign3A_1005 = arith.constant 0 : i32
        %sign3A_1006 = arith.cmpi sgt, %jit3A, %sign3A_1005 : i32
        %sign3A_1007 = arith.extui %sign3A_1006 : i1 to i32
        %sign3A_1008 = arith.constant 0 : i32
        %sign3A_1009 = arith.cmpi slt, %jit3A, %sign3A_1008 : i32
        %sign3A_1010 = arith.extui %sign3A_1009 : i1 to i32
        %sign3A_1011 = arith.subi %sign3A_1007, %sign3A_1010 : i32
        %ne3A = arith.cmpi ne, %sign3A_1004, %sign3A_1011 : i32
        %rem3A = arith.remsi %add3A_461, %jit3A : i32
        %ne3A_1012 = arith.constant 0 : i32
        %ne3A_1013 = arith.cmpi ne, %rem3A, %ne3A_1012 : i32
        %and3A = arith.andi %ne3A, %ne3A_1013 : i1
        %sub3A_1014 = arith.constant 1 : i32
        %sub3A_1015 = arith.subi %div3A, %sub3A_1014 : i32
        %select_n3A = arith.select %and3A, %sub3A_1015, %div3A : i32
        %jit3A_1016 = arith.constant 4 : i32
        %eq3A_1017 = arith.constant 0 : i32
        %eq3A_1018 = arith.cmpi eq, %jit3A_1016, %eq3A_1017 : i32
        %jit3A_1019 = arith.constant 1 : i32
        %select_n3A_1020 = arith.select %eq3A_1018, %jit3A_1019, %jit3A_1016 : i32
        %rem3A_1021 = arith.remsi %add3A_461, %select_n3A_1020 : i32
        %ne3A_1022 = arith.constant 0 : i32
        %ne3A_1023 = arith.cmpi ne, %rem3A_1021, %ne3A_1022 : i32
        %lt3A = arith.constant 0 : i32
        %lt3A_1024 = arith.cmpi slt, %rem3A_1021, %lt3A : i32
        %lt3A_1025 = arith.constant 0 : i32
        %lt3A_1026 = arith.cmpi slt, %select_n3A_1020, %lt3A_1025 : i32
        %ne3A_1027 = arith.xori %lt3A_1024, %lt3A_1026 : i1
        %and3A_1028 = arith.andi %ne3A_1027, %ne3A_1023 : i1
        %add3A_1029 = arith.addi %rem3A_1021, %select_n3A_1020 : i32
        %select_n3A_1030 = arith.select %and3A_1028, %add3A_1029, %rem3A_1021 : i32
        %mul3A_1031 = arith.constant 32 : i32
        %mul3A_1032 = arith.muli %select_n3A_1030, %mul3A_1031 : i32
        %add3A_1033 = arith.addi %mul3A_1032, %add3A_998 : i32
        %get3A = arith.index_cast %select_n3A : i32 to index
        %get3A_1034 = arith.index_cast %add3A_1033 : i32 to index
        %get3A_1035 = tpu.vector_load %arg6[%get3A, %get3A_1034] {strides = array<i32>} : memref<80x128xi32, #tpu.memory_space<vmem>>, vector<1x16xi32>,
        %get3A_1036 = vector.shape_cast %get3A_1035 : vector<1x16xi32> to vector<16xi32>
        %and3A_1037 = arith.constant 16383 : i32
        %and3A_1038 = vector.broadcast %and3A_1037 : i32 to vector<16xi32>
        %and3A_1039 = arith.andi %get3A_1036, %and3A_1038 : vector<16xi32>
        %shift_right_logical3A = arith.constant 14 : i32
        %shift_right_logical3A_1040 = vector.broadcast %shift_right_logical3A : i32 to vector<16xi32>
        %shift_right_logical3A_1041 = arith.shrui %get3A_1036, %shift_right_logical3A_1040 : vector<16xi32>
        %swap3A = arith.constant 0 : i32
        %swap3A_1042 = arith.index_cast %swap3A : i32 to index
        %swap3A_1043 = arith.index_cast %add3A_998 : i32 to index
        %swap3A_1044 = tpu.vector_load %arg7[%swap3A_1042, %swap3A_1043] {strides = array<i32>} : memref<8x32xi32, #tpu.memory_space<vmem>>, vector<1x16xi32>,
        %swap3A_1045 = vector.shape_cast %swap3A_1044 : vector<1x16xi32> to vector<16xi32>
        %swap3A_1046 = vector.shape_cast %and3A_1039 : vector<16xi32> to vector<1x16xi32>
        tpu.vector_store %arg7[%swap3A_1042, %swap3A_1043], %swap3A_1046 {strides = array<i32>} : memref<8x32xi32, #tpu.memory_space<vmem>>, vector<1x16xi32>,
        %eq3A_1047 = arith.cmpi eq, %shift_right_logical3A_1041, %and3A_1039 : vector<16xi32>
        %and3A_1048 = arith.constant 63 : i32
        %and3A_1049 = vector.broadcast %and3A_1048 : i32 to vector<16xi32>
        %and3A_1050 = arith.andi %shift_right_logical3A_1041, %and3A_1049 : vector<16xi32>
        %add3A_1051 = arith.constant 10000 : i32
        %add3A_1052 = vector.broadcast %add3A_1051 : i32 to vector<16xi32>
        %add3A_1053 = arith.addi %add3A_1052, %and3A_1050 : vector<16xi32>
        %select_n3A_1054 = arith.select %eq3A_1047, %add3A_1053, %shift_right_logical3A_1041 : vector<16xi1>, vector<16xi32>
        %swap3A_1055 = arith.constant 0 : i32
        %swap3A_1056 = arith.index_cast %swap3A_1055 : i32 to index
        %swap3A_1057 = arith.index_cast %add3A_998 : i32 to index
        %swap3A_1058 = tpu.vector_load %arg8[%swap3A_1056, %swap3A_1057] {strides = array<i32>} : memref<8x32xi32, #tpu.memory_space<vmem>>, vector<1x16xi32>,
        %swap3A_1059 = vector.shape_cast %swap3A_1058 : vector<1x16xi32> to vector<16xi32>
        %swap3A_1060 = vector.shape_cast %select_n3A_1054 : vector<16xi32> to vector<1x16xi32>
        tpu.vector_store %arg8[%swap3A_1056, %swap3A_1057], %swap3A_1060 {strides = array<i32>} : memref<8x32xi32, #tpu.memory_space<vmem>>, vector<1x16xi32>,
      }
      %scan3A_466 = arith.constant 2 : i32
      %add3A_467 = arith.constant 0 : i32
      %add3A_468 = arith.addi %add3A_442, %add3A_467 : i32
      %add3A_469 = arith.constant 4 : i32
      %add3A_470 = arith.addi %add3A_468, %add3A_469 : i32
      %dma_start3A_471 = arith.constant 0 : i32
      %dma_start3A_472 = arith.constant 0 : i32
      %dma_start3A_473 = arith.constant 0 : i32
      %dma_start3A_474 = arith.constant 0 : i32
      %dma_start3A_475 = tpu.memref_slice %arg9[%dma_start3A_472, %dma_start3A_473, %dma_start3A_474] : memref<8x32x128xf32, #tpu.memory_space<vmem>> -> memref<1x32x128xf32, #tpu.memory_space<vmem>>
      %dma_start3A_476 = tpu.memref_squeeze %dma_start3A_475 : memref<1x32x128xf32, #tpu.memory_space<vmem>> -> memref<32x128xf32, #tpu.memory_space<vmem>>
      %dma_start3A_477 = arith.constant 0 : i32
      %dma_start3A_478 = tpu.memref_slice %arg7[%dma_start3A_471, %dma_start3A_477] : memref<8x32xi32, #tpu.memory_space<vmem>> -> memref<1x32xi32, #tpu.memory_space<vmem>>
      %dma_start3A_479 = tpu.memref_squeeze %dma_start3A_478 : memref<1x32xi32, #tpu.memory_space<vmem>> -> memref<32xi32, #tpu.memory_space<vmem>>
      %dma_start3A_480 = arith.constant 0 : i32
      %dma_start3A_481 = arith.constant 0 : i32
      %dma_start3A_482 = tpu.memref_slice %arg2[%dma_start3A_480, %dma_start3A_481] : memref<10000x128xf32, #tpu.memory_space<hbm>> -> memref<10000x128xf32, #tpu.memory_space<hbm>>
      tpu.enqueue_indirect_dma source(%dma_start3A_482 : memref<10000x128xf32, #tpu.memory_space<hbm>>) target(%dma_start3A_476 : memref<32x128xf32, #tpu.memory_space<vmem>>) offsets(%dma_start3A_479 : memref<32xi32, #tpu.memory_space<vmem>>) semaphore(%arg11 : memref<!tpu.dma_semaphore, #tpu.memory_space<semaphore_mem>>)
      %add3A_483 = arith.constant 0 : i32
      %add3A_484 = arith.addi %add3A_442, %add3A_483 : i32
      %dma_wait3A_485 = arith.constant 4 : i32
      %dma_wait3A_486 = arith.constant 4 : i32
      %dma_wait3A_487 = arith.constant 0 : i32
      %dma_wait3A_488 = arith.constant 0 : i32
      %dma_wait3A_489 = tpu.memref_slice %arg9[%dma_wait3A_486, %dma_wait3A_487, %dma_wait3A_488] : memref<8x32x128xf32, #tpu.memory_space<vmem>> -> memref<1x32x128xf32, #tpu.memory_space<vmem>>
      %dma_wait3A_490 = tpu.memref_squeeze %dma_wait3A_489 : memref<1x32x128xf32, #tpu.memory_space<vmem>> -> memref<32x128xf32, #tpu.memory_space<vmem>>
      %dma_wait3A_491 = arith.constant 0 : i32
      %dma_wait3A_492 = tpu.memref_slice %arg7[%dma_wait3A_485, %dma_wait3A_491] : memref<8x32xi32, #tpu.memory_space<vmem>> -> memref<1x32xi32, #tpu.memory_space<vmem>>
      %dma_wait3A_493 = tpu.memref_squeeze %dma_wait3A_492 : memref<1x32xi32, #tpu.memory_space<vmem>> -> memref<32xi32, #tpu.memory_space<vmem>>
      %dma_wait3A_494 = arith.constant 0 : i32
      %dma_wait3A_495 = arith.constant 0 : i32
      %dma_wait3A_496 = tpu.memref_slice %arg2[%dma_wait3A_494, %dma_wait3A_495] : memref<10000x128xf32, #tpu.memory_space<hbm>> -> memref<10000x128xf32, #tpu.memory_space<hbm>>
      tpu.wait_indirect_dma semaphore(%arg15 : memref<!tpu.dma_semaphore, #tpu.memory_space<semaphore_mem>>) src(%dma_wait3A_496 : memref<10000x128xf32, #tpu.memory_space<hbm>>) dst(%dma_wait3A_490 : memref<32x128xf32, #tpu.memory_space<vmem>>)
      %add3A_497 = arith.constant 0 : i32
      %add3A_498 = arith.addi %add3A_442, %add3A_497 : i32
      %dma_start3A_499 = arith.constant 4 : i32
      %dma_start3A_500 = arith.constant 4 : i32
      %dma_start3A_501 = arith.constant 0 : i32
      %dma_start3A_502 = arith.constant 0 : i32
      %dma_start3A_503 = tpu.memref_slice %arg9[%dma_start3A_499, %dma_start3A_501, %dma_start3A_502] : memref<8x32x128xf32, #tpu.memory_space<vmem>> -> memref<1x32x128xf32, #tpu.memory_space<vmem>>
      %dma_start3A_504 = tpu.memref_squeeze %dma_start3A_503 : memref<1x32x128xf32, #tpu.memory_space<vmem>> -> memref<32x128xf32, #tpu.memory_space<vmem>>
      %dma_start3A_505 = arith.constant 0 : i32
      %dma_start3A_506 = tpu.memref_slice %arg8[%dma_start3A_500, %dma_start3A_505] : memref<8x32xi32, #tpu.memory_space<vmem>> -> memref<1x32xi32, #tpu.memory_space<vmem>>
      %dma_start3A_507 = tpu.memref_squeeze %dma_start3A_506 : memref<1x32xi32, #tpu.memory_space<vmem>> -> memref<32xi32, #tpu.memory_space<vmem>>
      %dma_start3A_508 = arith.constant 0 : i32
      %dma_start3A_509 = arith.constant 0 : i32
      %dma_start3A_510 = tpu.memref_slice %arg10[%dma_start3A_508, %dma_start3A_509] : memref<10112x128xf32, #tpu.memory_space<vmem_shared>> -> memref<10112x128xf32, #tpu.memory_space<vmem_shared>>
      tpu.enqueue_indirect_dma source(%dma_start3A_504 : memref<32x128xf32, #tpu.memory_space<vmem>>) target(%dma_start3A_510 : memref<10112x128xf32, #tpu.memory_space<vmem_shared>>) offsets(%dma_start3A_507 : memref<32xi32, #tpu.memory_space<vmem>>) semaphore(%arg23 : memref<!tpu.dma_semaphore, #tpu.memory_space<semaphore_mem>>) {add = true}
      %add3A_511 = arith.constant 1 : i32
      %add3A_512 = arith.addi %add3A_442, %add3A_511 : i32
      %sub3A_513 = arith.constant 4 : i32
      %sub3A_514 = arith.subi %add3A_512, %sub3A_513 : i32
      %dma_wait3A_515 = arith.constant 1 : i32
      %dma_wait3A_516 = arith.constant 1 : i32
      %dma_wait3A_517 = arith.constant 0 : i32
      %dma_wait3A_518 = arith.constant 0 : i32
      %dma_wait3A_519 = tpu.memref_slice %arg9[%dma_wait3A_515, %dma_wait3A_517, %dma_wait3A_518] : memref<8x32x128xf32, #tpu.memory_space<vmem>> -> memref<1x32x128xf32, #tpu.memory_space<vmem>>
      %dma_wait3A_520 = tpu.memref_squeeze %dma_wait3A_519 : memref<1x32x128xf32, #tpu.memory_space<vmem>> -> memref<32x128xf32, #tpu.memory_space<vmem>>
      %dma_wait3A_521 = arith.constant 0 : i32
      %dma_wait3A_522 = tpu.memref_slice %arg8[%dma_wait3A_516, %dma_wait3A_521] : memref<8x32xi32, #tpu.memory_space<vmem>> -> memref<1x32xi32, #tpu.memory_space<vmem>>
      %dma_wait3A_523 = tpu.memref_squeeze %dma_wait3A_522 : memref<1x32xi32, #tpu.memory_space<vmem>> -> memref<32xi32, #tpu.memory_space<vmem>>
      %dma_wait3A_524 = arith.constant 0 : i32
      %dma_wait3A_525 = arith.constant 0 : i32
      %dma_wait3A_526 = tpu.memref_slice %arg10[%dma_wait3A_524, %dma_wait3A_525] : memref<10112x128xf32, #tpu.memory_space<vmem_shared>> -> memref<10112x128xf32, #tpu.memory_space<vmem_shared>>
      tpu.wait_indirect_dma semaphore(%arg20 : memref<!tpu.dma_semaphore, #tpu.memory_space<semaphore_mem>>) src(%dma_wait3A_520 : memref<32x128xf32, #tpu.memory_space<vmem>>) dst(%dma_wait3A_526 : memref<10112x128xf32, #tpu.memory_space<vmem_shared>>)
      %add3A_527 = arith.constant 1 : i32
      %add3A_528 = arith.addi %add3A_442, %add3A_527 : i32
      %add3A_529 = arith.constant 4 : i32
      %add3A_530 = arith.addi %add3A_528, %add3A_529 : i32
      %scan3A_531 = arith.constant 0 : i32
      %scan3A_532 = arith.constant 2 : i32
      %scan3A_533 = arith.addi %scan3A_531, %scan3A_532 : i32
      %scan3A_534 = arith.constant 1 : i32
      scf.for %scan3A_994 = %scan3A_531 to %scan3A_533 step %scan3A_534  : i32 {
        %mul3A_995 = arith.constant 16 : i32
        %mul3A_996 = arith.muli %scan3A_994, %mul3A_995 : i32
        %add3A_997 = arith.constant 0 : i32
        %add3A_998 = arith.addi %add3A_997, %mul3A_996 : i32
        %jit3A = arith.constant 4 : i32
        %div3A = arith.divsi %add3A_530, %jit3A : i32
        %sign3A = arith.constant 0 : i32
        %sign3A_999 = arith.cmpi sgt, %add3A_530, %sign3A : i32
        %sign3A_1000 = arith.extui %sign3A_999 : i1 to i32
        %sign3A_1001 = arith.constant 0 : i32
        %sign3A_1002 = arith.cmpi slt, %add3A_530, %sign3A_1001 : i32
        %sign3A_1003 = arith.extui %sign3A_1002 : i1 to i32
        %sign3A_1004 = arith.subi %sign3A_1000, %sign3A_1003 : i32
        %sign3A_1005 = arith.constant 0 : i32
        %sign3A_1006 = arith.cmpi sgt, %jit3A, %sign3A_1005 : i32
        %sign3A_1007 = arith.extui %sign3A_1006 : i1 to i32
        %sign3A_1008 = arith.constant 0 : i32
        %sign3A_1009 = arith.cmpi slt, %jit3A, %sign3A_1008 : i32
        %sign3A_1010 = arith.extui %sign3A_1009 : i1 to i32
        %sign3A_1011 = arith.subi %sign3A_1007, %sign3A_1010 : i32
        %ne3A = arith.cmpi ne, %sign3A_1004, %sign3A_1011 : i32
        %rem3A = arith.remsi %add3A_530, %jit3A : i32
        %ne3A_1012 = arith.constant 0 : i32
        %ne3A_1013 = arith.cmpi ne, %rem3A, %ne3A_1012 : i32
        %and3A = arith.andi %ne3A, %ne3A_1013 : i1
        %sub3A_1014 = arith.constant 1 : i32
        %sub3A_1015 = arith.subi %div3A, %sub3A_1014 : i32
        %select_n3A = arith.select %and3A, %sub3A_1015, %div3A : i32
        %jit3A_1016 = arith.constant 4 : i32
        %eq3A_1017 = arith.constant 0 : i32
        %eq3A_1018 = arith.cmpi eq, %jit3A_1016, %eq3A_1017 : i32
        %jit3A_1019 = arith.constant 1 : i32
        %select_n3A_1020 = arith.select %eq3A_1018, %jit3A_1019, %jit3A_1016 : i32
        %rem3A_1021 = arith.remsi %add3A_530, %select_n3A_1020 : i32
        %ne3A_1022 = arith.constant 0 : i32
        %ne3A_1023 = arith.cmpi ne, %rem3A_1021, %ne3A_1022 : i32
        %lt3A = arith.constant 0 : i32
        %lt3A_1024 = arith.cmpi slt, %rem3A_1021, %lt3A : i32
        %lt3A_1025 = arith.constant 0 : i32
        %lt3A_1026 = arith.cmpi slt, %select_n3A_1020, %lt3A_1025 : i32
        %ne3A_1027 = arith.xori %lt3A_1024, %lt3A_1026 : i1
        %and3A_1028 = arith.andi %ne3A_1027, %ne3A_1023 : i1
        %add3A_1029 = arith.addi %rem3A_1021, %select_n3A_1020 : i32
        %select_n3A_1030 = arith.select %and3A_1028, %add3A_1029, %rem3A_1021 : i32
        %mul3A_1031 = arith.constant 32 : i32
        %mul3A_1032 = arith.muli %select_n3A_1030, %mul3A_1031 : i32
        %add3A_1033 = arith.addi %mul3A_1032, %add3A_998 : i32
        %get3A = arith.index_cast %select_n3A : i32 to index
        %get3A_1034 = arith.index_cast %add3A_1033 : i32 to index
        %get3A_1035 = tpu.vector_load %arg6[%get3A, %get3A_1034] {strides = array<i32>} : memref<80x128xi32, #tpu.memory_space<vmem>>, vector<1x16xi32>,
        %get3A_1036 = vector.shape_cast %get3A_1035 : vector<1x16xi32> to vector<16xi32>
        %and3A_1037 = arith.constant 16383 : i32
        %and3A_1038 = vector.broadcast %and3A_1037 : i32 to vector<16xi32>
        %and3A_1039 = arith.andi %get3A_1036, %and3A_1038 : vector<16xi32>
        %shift_right_logical3A = arith.constant 14 : i32
        %shift_right_logical3A_1040 = vector.broadcast %shift_right_logical3A : i32 to vector<16xi32>
        %shift_right_logical3A_1041 = arith.shrui %get3A_1036, %shift_right_logical3A_1040 : vector<16xi32>
        %swap3A = arith.constant 1 : i32
        %swap3A_1042 = arith.index_cast %swap3A : i32 to index
        %swap3A_1043 = arith.index_cast %add3A_998 : i32 to index
        %swap3A_1044 = tpu.vector_load %arg7[%swap3A_1042, %swap3A_1043] {strides = array<i32>} : memref<8x32xi32, #tpu.memory_space<vmem>>, vector<1x16xi32>,
        %swap3A_1045 = vector.shape_cast %swap3A_1044 : vector<1x16xi32> to vector<16xi32>
        %swap3A_1046 = vector.shape_cast %and3A_1039 : vector<16xi32> to vector<1x16xi32>
        tpu.vector_store %arg7[%swap3A_1042, %swap3A_1043], %swap3A_1046 {strides = array<i32>} : memref<8x32xi32, #tpu.memory_space<vmem>>, vector<1x16xi32>,
        %eq3A_1047 = arith.cmpi eq, %shift_right_logical3A_1041, %and3A_1039 : vector<16xi32>
        %and3A_1048 = arith.constant 63 : i32
        %and3A_1049 = vector.broadcast %and3A_1048 : i32 to vector<16xi32>
        %and3A_1050 = arith.andi %shift_right_logical3A_1041, %and3A_1049 : vector<16xi32>
        %add3A_1051 = arith.constant 10000 : i32
        %add3A_1052 = vector.broadcast %add3A_1051 : i32 to vector<16xi32>
        %add3A_1053 = arith.addi %add3A_1052, %and3A_1050 : vector<16xi32>
        %select_n3A_1054 = arith.select %eq3A_1047, %add3A_1053, %shift_right_logical3A_1041 : vector<16xi1>, vector<16xi32>
        %swap3A_1055 = arith.constant 1 : i32
        %swap3A_1056 = arith.index_cast %swap3A_1055 : i32 to index
        %swap3A_1057 = arith.index_cast %add3A_998 : i32 to index
        %swap3A_1058 = tpu.vector_load %arg8[%swap3A_1056, %swap3A_1057] {strides = array<i32>} : memref<8x32xi32, #tpu.memory_space<vmem>>, vector<1x16xi32>,
        %swap3A_1059 = vector.shape_cast %swap3A_1058 : vector<1x16xi32> to vector<16xi32>
        %swap3A_1060 = vector.shape_cast %select_n3A_1054 : vector<16xi32> to vector<1x16xi32>
        tpu.vector_store %arg8[%swap3A_1056, %swap3A_1057], %swap3A_1060 {strides = array<i32>} : memref<8x32xi32, #tpu.memory_space<vmem>>, vector<1x16xi32>,
      }
      %scan3A_535 = arith.constant 2 : i32
      %add3A_536 = arith.constant 1 : i32
      %add3A_537 = arith.addi %add3A_442, %add3A_536 : i32
      %add3A_538 = arith.constant 4 : i32
      %add3A_539 = arith.addi %add3A_537, %add3A_538 : i32
      %dma_start3A_540 = arith.constant 1 : i32
      %dma_start3A_541 = arith.constant 1 : i32
      %dma_start3A_542 = arith.constant 0 : i32
      %dma_start3A_543 = arith.constant 0 : i32
      %dma_start3A_544 = tpu.memref_slice %arg9[%dma_start3A_541, %dma_start3A_542, %dma_start3A_543] : memref<8x32x128xf32, #tpu.memory_space<vmem>> -> memref<1x32x128xf32, #tpu.memory_space<vmem>>
      %dma_start3A_545 = tpu.memref_squeeze %dma_start3A_544 : memref<1x32x128xf32, #tpu.memory_space<vmem>> -> memref<32x128xf32, #tpu.memory_space<vmem>>
      %dma_start3A_546 = arith.constant 0 : i32
      %dma_start3A_547 = tpu.memref_slice %arg7[%dma_start3A_540, %dma_start3A_546] : memref<8x32xi32, #tpu.memory_space<vmem>> -> memref<1x32xi32, #tpu.memory_space<vmem>>
      %dma_start3A_548 = tpu.memref_squeeze %dma_start3A_547 : memref<1x32xi32, #tpu.memory_space<vmem>> -> memref<32xi32, #tpu.memory_space<vmem>>
      %dma_start3A_549 = arith.constant 0 : i32
      %dma_start3A_550 = arith.constant 0 : i32
      %dma_start3A_551 = tpu.memref_slice %arg2[%dma_start3A_549, %dma_start3A_550] : memref<10000x128xf32, #tpu.memory_space<hbm>> -> memref<10000x128xf32, #tpu.memory_space<hbm>>
      tpu.enqueue_indirect_dma source(%dma_start3A_551 : memref<10000x128xf32, #tpu.memory_space<hbm>>) target(%dma_start3A_545 : memref<32x128xf32, #tpu.memory_space<vmem>>) offsets(%dma_start3A_548 : memref<32xi32, #tpu.memory_space<vmem>>) semaphore(%arg12 : memref<!tpu.dma_semaphore, #tpu.memory_space<semaphore_mem>>)
      %add3A_552 = arith.constant 1 : i32
      %add3A_553 = arith.addi %add3A_442, %add3A_552 : i32
      %dma_wait3A_554 = arith.constant 5 : i32
      %dma_wait3A_555 = arith.constant 5 : i32
      %dma_wait3A_556 = arith.constant 0 : i32
      %dma_wait3A_557 = arith.constant 0 : i32
      %dma_wait3A_558 = tpu.memref_slice %arg9[%dma_wait3A_555, %dma_wait3A_556, %dma_wait3A_557] : memref<8x32x128xf32, #tpu.memory_space<vmem>> -> memref<1x32x128xf32, #tpu.memory_space<vmem>>
      %dma_wait3A_559 = tpu.memref_squeeze %dma_wait3A_558 : memref<1x32x128xf32, #tpu.memory_space<vmem>> -> memref<32x128xf32, #tpu.memory_space<vmem>>
      %dma_wait3A_560 = arith.constant 0 : i32
      %dma_wait3A_561 = tpu.memref_slice %arg7[%dma_wait3A_554, %dma_wait3A_560] : memref<8x32xi32, #tpu.memory_space<vmem>> -> memref<1x32xi32, #tpu.memory_space<vmem>>
      %dma_wait3A_562 = tpu.memref_squeeze %dma_wait3A_561 : memref<1x32xi32, #tpu.memory_space<vmem>> -> memref<32xi32, #tpu.memory_space<vmem>>
      %dma_wait3A_563 = arith.constant 0 : i32
      %dma_wait3A_564 = arith.constant 0 : i32
      %dma_wait3A_565 = tpu.memref_slice %arg2[%dma_wait3A_563, %dma_wait3A_564] : memref<10000x128xf32, #tpu.memory_space<hbm>> -> memref<10000x128xf32, #tpu.memory_space<hbm>>
      tpu.wait_indirect_dma semaphore(%arg16 : memref<!tpu.dma_semaphore, #tpu.memory_space<semaphore_mem>>) src(%dma_wait3A_565 : memref<10000x128xf32, #tpu.memory_space<hbm>>) dst(%dma_wait3A_559 : memref<32x128xf32, #tpu.memory_space<vmem>>)
      %add3A_566 = arith.constant 1 : i32
      %add3A_567 = arith.addi %add3A_442, %add3A_566 : i32
      %dma_start3A_568 = arith.constant 5 : i32
      %dma_start3A_569 = arith.constant 5 : i32
      %dma_start3A_570 = arith.constant 0 : i32
      %dma_start3A_571 = arith.constant 0 : i32
      %dma_start3A_572 = tpu.memref_slice %arg9[%dma_start3A_568, %dma_start3A_570, %dma_start3A_571] : memref<8x32x128xf32, #tpu.memory_space<vmem>> -> memref<1x32x128xf32, #tpu.memory_space<vmem>>
      %dma_start3A_573 = tpu.memref_squeeze %dma_start3A_572 : memref<1x32x128xf32, #tpu.memory_space<vmem>> -> memref<32x128xf32, #tpu.memory_space<vmem>>
      %dma_start3A_574 = arith.constant 0 : i32
      %dma_start3A_575 = tpu.memref_slice %arg8[%dma_start3A_569, %dma_start3A_574] : memref<8x32xi32, #tpu.memory_space<vmem>> -> memref<1x32xi32, #tpu.memory_space<vmem>>
      %dma_start3A_576 = tpu.memref_squeeze %dma_start3A_575 : memref<1x32xi32, #tpu.memory_space<vmem>> -> memref<32xi32, #tpu.memory_space<vmem>>
      %dma_start3A_577 = arith.constant 0 : i32
      %dma_start3A_578 = arith.constant 0 : i32
      %dma_start3A_579 = tpu.memref_slice %arg10[%dma_start3A_577, %dma_start3A_578] : memref<10112x128xf32, #tpu.memory_space<vmem_shared>> -> memref<10112x128xf32, #tpu.memory_space<vmem_shared>>
      tpu.enqueue_indirect_dma source(%dma_start3A_573 : memref<32x128xf32, #tpu.memory_space<vmem>>) target(%dma_start3A_579 : memref<10112x128xf32, #tpu.memory_space<vmem_shared>>) offsets(%dma_start3A_576 : memref<32xi32, #tpu.memory_space<vmem>>) semaphore(%arg24 : memref<!tpu.dma_semaphore, #tpu.memory_space<semaphore_mem>>) {add = true}
      %add3A_580 = arith.constant 2 : i32
      %add3A_581 = arith.addi %add3A_442, %add3A_580 : i32
      %sub3A_582 = arith.constant 4 : i32
      %sub3A_583 = arith.subi %add3A_581, %sub3A_582 : i32
      %dma_wait3A_584 = arith.constant 2 : i32
      %dma_wait3A_585 = arith.constant 2 : i32
      %dma_wait3A_586 = arith.constant 0 : i32
      %dma_wait3A_587 = arith.constant 0 : i32
      %dma_wait3A_588 = tpu.memref_slice %arg9[%dma_wait3A_584, %dma_wait3A_586, %dma_wait3A_587] : memref<8x32x128xf32, #tpu.memory_space<vmem>> -> memref<1x32x128xf32, #tpu.memory_space<vmem>>
      %dma_wait3A_589 = tpu.memref_squeeze %dma_wait3A_588 : memref<1x32x128xf32, #tpu.memory_space<vmem>> -> memref<32x128xf32, #tpu.memory_space<vmem>>
      %dma_wait3A_590 = arith.constant 0 : i32
      %dma_wait3A_591 = tpu.memref_slice %arg8[%dma_wait3A_585, %dma_wait3A_590] : memref<8x32xi32, #tpu.memory_space<vmem>> -> memref<1x32xi32, #tpu.memory_space<vmem>>
      %dma_wait3A_592 = tpu.memref_squeeze %dma_wait3A_591 : memref<1x32xi32, #tpu.memory_space<vmem>> -> memref<32xi32, #tpu.memory_space<vmem>>
      %dma_wait3A_593 = arith.constant 0 : i32
      %dma_wait3A_594 = arith.constant 0 : i32
      %dma_wait3A_595 = tpu.memref_slice %arg10[%dma_wait3A_593, %dma_wait3A_594] : memref<10112x128xf32, #tpu.memory_space<vmem_shared>> -> memref<10112x128xf32, #tpu.memory_space<vmem_shared>>
      tpu.wait_indirect_dma semaphore(%arg21 : memref<!tpu.dma_semaphore, #tpu.memory_space<semaphore_mem>>) src(%dma_wait3A_589 : memref<32x128xf32, #tpu.memory_space<vmem>>) dst(%dma_wait3A_595 : memref<10112x128xf32, #tpu.memory_space<vmem_shared>>)
      %add3A_596 = arith.constant 2 : i32
      %add3A_597 = arith.addi %add3A_442, %add3A_596 : i32
      %add3A_598 = arith.constant 4 : i32
      %add3A_599 = arith.addi %add3A_597, %add3A_598 : i32
      %scan3A_600 = arith.constant 0 : i32
      %scan3A_601 = arith.constant 2 : i32
      %scan3A_602 = arith.addi %scan3A_600, %scan3A_601 : i32
      %scan3A_603 = arith.constant 1 : i32
      scf.for %scan3A_994 = %scan3A_600 to %scan3A_602 step %scan3A_603  : i32 {
        %mul3A_995 = arith.constant 16 : i32
        %mul3A_996 = arith.muli %scan3A_994, %mul3A_995 : i32
        %add3A_997 = arith.constant 0 : i32
        %add3A_998 = arith.addi %add3A_997, %mul3A_996 : i32
        %jit3A = arith.constant 4 : i32
        %div3A = arith.divsi %add3A_599, %jit3A : i32
        %sign3A = arith.constant 0 : i32
        %sign3A_999 = arith.cmpi sgt, %add3A_599, %sign3A : i32
        %sign3A_1000 = arith.extui %sign3A_999 : i1 to i32
        %sign3A_1001 = arith.constant 0 : i32
        %sign3A_1002 = arith.cmpi slt, %add3A_599, %sign3A_1001 : i32
        %sign3A_1003 = arith.extui %sign3A_1002 : i1 to i32
        %sign3A_1004 = arith.subi %sign3A_1000, %sign3A_1003 : i32
        %sign3A_1005 = arith.constant 0 : i32
        %sign3A_1006 = arith.cmpi sgt, %jit3A, %sign3A_1005 : i32
        %sign3A_1007 = arith.extui %sign3A_1006 : i1 to i32
        %sign3A_1008 = arith.constant 0 : i32
        %sign3A_1009 = arith.cmpi slt, %jit3A, %sign3A_1008 : i32
        %sign3A_1010 = arith.extui %sign3A_1009 : i1 to i32
        %sign3A_1011 = arith.subi %sign3A_1007, %sign3A_1010 : i32
        %ne3A = arith.cmpi ne, %sign3A_1004, %sign3A_1011 : i32
        %rem3A = arith.remsi %add3A_599, %jit3A : i32
        %ne3A_1012 = arith.constant 0 : i32
        %ne3A_1013 = arith.cmpi ne, %rem3A, %ne3A_1012 : i32
        %and3A = arith.andi %ne3A, %ne3A_1013 : i1
        %sub3A_1014 = arith.constant 1 : i32
        %sub3A_1015 = arith.subi %div3A, %sub3A_1014 : i32
        %select_n3A = arith.select %and3A, %sub3A_1015, %div3A : i32
        %jit3A_1016 = arith.constant 4 : i32
        %eq3A_1017 = arith.constant 0 : i32
        %eq3A_1018 = arith.cmpi eq, %jit3A_1016, %eq3A_1017 : i32
        %jit3A_1019 = arith.constant 1 : i32
        %select_n3A_1020 = arith.select %eq3A_1018, %jit3A_1019, %jit3A_1016 : i32
        %rem3A_1021 = arith.remsi %add3A_599, %select_n3A_1020 : i32
        %ne3A_1022 = arith.constant 0 : i32
        %ne3A_1023 = arith.cmpi ne, %rem3A_1021, %ne3A_1022 : i32
        %lt3A = arith.constant 0 : i32
        %lt3A_1024 = arith.cmpi slt, %rem3A_1021, %lt3A : i32
        %lt3A_1025 = arith.constant 0 : i32
        %lt3A_1026 = arith.cmpi slt, %select_n3A_1020, %lt3A_1025 : i32
        %ne3A_1027 = arith.xori %lt3A_1024, %lt3A_1026 : i1
        %and3A_1028 = arith.andi %ne3A_1027, %ne3A_1023 : i1
        %add3A_1029 = arith.addi %rem3A_1021, %select_n3A_1020 : i32
        %select_n3A_1030 = arith.select %and3A_1028, %add3A_1029, %rem3A_1021 : i32
        %mul3A_1031 = arith.constant 32 : i32
        %mul3A_1032 = arith.muli %select_n3A_1030, %mul3A_1031 : i32
        %add3A_1033 = arith.addi %mul3A_1032, %add3A_998 : i32
        %get3A = arith.index_cast %select_n3A : i32 to index
        %get3A_1034 = arith.index_cast %add3A_1033 : i32 to index
        %get3A_1035 = tpu.vector_load %arg6[%get3A, %get3A_1034] {strides = array<i32>} : memref<80x128xi32, #tpu.memory_space<vmem>>, vector<1x16xi32>,
        %get3A_1036 = vector.shape_cast %get3A_1035 : vector<1x16xi32> to vector<16xi32>
        %and3A_1037 = arith.constant 16383 : i32
        %and3A_1038 = vector.broadcast %and3A_1037 : i32 to vector<16xi32>
        %and3A_1039 = arith.andi %get3A_1036, %and3A_1038 : vector<16xi32>
        %shift_right_logical3A = arith.constant 14 : i32
        %shift_right_logical3A_1040 = vector.broadcast %shift_right_logical3A : i32 to vector<16xi32>
        %shift_right_logical3A_1041 = arith.shrui %get3A_1036, %shift_right_logical3A_1040 : vector<16xi32>
        %swap3A = arith.constant 2 : i32
        %swap3A_1042 = arith.index_cast %swap3A : i32 to index
        %swap3A_1043 = arith.index_cast %add3A_998 : i32 to index
        %swap3A_1044 = tpu.vector_load %arg7[%swap3A_1042, %swap3A_1043] {strides = array<i32>} : memref<8x32xi32, #tpu.memory_space<vmem>>, vector<1x16xi32>,
        %swap3A_1045 = vector.shape_cast %swap3A_1044 : vector<1x16xi32> to vector<16xi32>
        %swap3A_1046 = vector.shape_cast %and3A_1039 : vector<16xi32> to vector<1x16xi32>
        tpu.vector_store %arg7[%swap3A_1042, %swap3A_1043], %swap3A_1046 {strides = array<i32>} : memref<8x32xi32, #tpu.memory_space<vmem>>, vector<1x16xi32>,
        %eq3A_1047 = arith.cmpi eq, %shift_right_logical3A_1041, %and3A_1039 : vector<16xi32>
        %and3A_1048 = arith.constant 63 : i32
        %and3A_1049 = vector.broadcast %and3A_1048 : i32 to vector<16xi32>
        %and3A_1050 = arith.andi %shift_right_logical3A_1041, %and3A_1049 : vector<16xi32>
        %add3A_1051 = arith.constant 10000 : i32
        %add3A_1052 = vector.broadcast %add3A_1051 : i32 to vector<16xi32>
        %add3A_1053 = arith.addi %add3A_1052, %and3A_1050 : vector<16xi32>
        %select_n3A_1054 = arith.select %eq3A_1047, %add3A_1053, %shift_right_logical3A_1041 : vector<16xi1>, vector<16xi32>
        %swap3A_1055 = arith.constant 2 : i32
        %swap3A_1056 = arith.index_cast %swap3A_1055 : i32 to index
        %swap3A_1057 = arith.index_cast %add3A_998 : i32 to index
        %swap3A_1058 = tpu.vector_load %arg8[%swap3A_1056, %swap3A_1057] {strides = array<i32>} : memref<8x32xi32, #tpu.memory_space<vmem>>, vector<1x16xi32>,
        %swap3A_1059 = vector.shape_cast %swap3A_1058 : vector<1x16xi32> to vector<16xi32>
        %swap3A_1060 = vector.shape_cast %select_n3A_1054 : vector<16xi32> to vector<1x16xi32>
        tpu.vector_store %arg8[%swap3A_1056, %swap3A_1057], %swap3A_1060 {strides = array<i32>} : memref<8x32xi32, #tpu.memory_space<vmem>>, vector<1x16xi32>,
      }
      %scan3A_604 = arith.constant 2 : i32
      %add3A_605 = arith.constant 2 : i32
      %add3A_606 = arith.addi %add3A_442, %add3A_605 : i32
      %add3A_607 = arith.constant 4 : i32
      %add3A_608 = arith.addi %add3A_606, %add3A_607 : i32
      %dma_start3A_609 = arith.constant 2 : i32
      %dma_start3A_610 = arith.constant 2 : i32
      %dma_start3A_611 = arith.constant 0 : i32
      %dma_start3A_612 = arith.constant 0 : i32
      %dma_start3A_613 = tpu.memref_slice %arg9[%dma_start3A_610, %dma_start3A_611, %dma_start3A_612] : memref<8x32x128xf32, #tpu.memory_space<vmem>> -> memref<1x32x128xf32, #tpu.memory_space<vmem>>
      %dma_start3A_614 = tpu.memref_squeeze %dma_start3A_613 : memref<1x32x128xf32, #tpu.memory_space<vmem>> -> memref<32x128xf32, #tpu.memory_space<vmem>>
      %dma_start3A_615 = arith.constant 0 : i32
      %dma_start3A_616 = tpu.memref_slice %arg7[%dma_start3A_609, %dma_start3A_615] : memref<8x32xi32, #tpu.memory_space<vmem>> -> memref<1x32xi32, #tpu.memory_space<vmem>>
      %dma_start3A_617 = tpu.memref_squeeze %dma_start3A_616 : memref<1x32xi32, #tpu.memory_space<vmem>> -> memref<32xi32, #tpu.memory_space<vmem>>
      %dma_start3A_618 = arith.constant 0 : i32
      %dma_start3A_619 = arith.constant 0 : i32
      %dma_start3A_620 = tpu.memref_slice %arg2[%dma_start3A_618, %dma_start3A_619] : memref<10000x128xf32, #tpu.memory_space<hbm>> -> memref<10000x128xf32, #tpu.memory_space<hbm>>
      tpu.enqueue_indirect_dma source(%dma_start3A_620 : memref<10000x128xf32, #tpu.memory_space<hbm>>) target(%dma_start3A_614 : memref<32x128xf32, #tpu.memory_space<vmem>>) offsets(%dma_start3A_617 : memref<32xi32, #tpu.memory_space<vmem>>) semaphore(%arg13 : memref<!tpu.dma_semaphore, #tpu.memory_space<semaphore_mem>>)
      %add3A_621 = arith.constant 2 : i32
      %add3A_622 = arith.addi %add3A_442, %add3A_621 : i32
      %dma_wait3A_623 = arith.constant 6 : i32
      %dma_wait3A_624 = arith.constant 6 : i32
      %dma_wait3A_625 = arith.constant 0 : i32
      %dma_wait3A_626 = arith.constant 0 : i32
      %dma_wait3A_627 = tpu.memref_slice %arg9[%dma_wait3A_624, %dma_wait3A_625, %dma_wait3A_626] : memref<8x32x128xf32, #tpu.memory_space<vmem>> -> memref<1x32x128xf32, #tpu.memory_space<vmem>>
      %dma_wait3A_628 = tpu.memref_squeeze %dma_wait3A_627 : memref<1x32x128xf32, #tpu.memory_space<vmem>> -> memref<32x128xf32, #tpu.memory_space<vmem>>
      %dma_wait3A_629 = arith.constant 0 : i32
      %dma_wait3A_630 = tpu.memref_slice %arg7[%dma_wait3A_623, %dma_wait3A_629] : memref<8x32xi32, #tpu.memory_space<vmem>> -> memref<1x32xi32, #tpu.memory_space<vmem>>
      %dma_wait3A_631 = tpu.memref_squeeze %dma_wait3A_630 : memref<1x32xi32, #tpu.memory_space<vmem>> -> memref<32xi32, #tpu.memory_space<vmem>>
      %dma_wait3A_632 = arith.constant 0 : i32
      %dma_wait3A_633 = arith.constant 0 : i32
      %dma_wait3A_634 = tpu.memref_slice %arg2[%dma_wait3A_632, %dma_wait3A_633] : memref<10000x128xf32, #tpu.memory_space<hbm>> -> memref<10000x128xf32, #tpu.memory_space<hbm>>
      tpu.wait_indirect_dma semaphore(%arg17 : memref<!tpu.dma_semaphore, #tpu.memory_space<semaphore_mem>>) src(%dma_wait3A_634 : memref<10000x128xf32, #tpu.memory_space<hbm>>) dst(%dma_wait3A_628 : memref<32x128xf32, #tpu.memory_space<vmem>>)
      %add3A_635 = arith.constant 2 : i32
      %add3A_636 = arith.addi %add3A_442, %add3A_635 : i32
      %dma_start3A_637 = arith.constant 6 : i32
      %dma_start3A_638 = arith.constant 6 : i32
      %dma_start3A_639 = arith.constant 0 : i32
      %dma_start3A_640 = arith.constant 0 : i32
      %dma_start3A_641 = tpu.memref_slice %arg9[%dma_start3A_637, %dma_start3A_639, %dma_start3A_640] : memref<8x32x128xf32, #tpu.memory_space<vmem>> -> memref<1x32x128xf32, #tpu.memory_space<vmem>>
      %dma_start3A_642 = tpu.memref_squeeze %dma_start3A_641 : memref<1x32x128xf32, #tpu.memory_space<vmem>> -> memref<32x128xf32, #tpu.memory_space<vmem>>
      %dma_start3A_643 = arith.constant 0 : i32
      %dma_start3A_644 = tpu.memref_slice %arg8[%dma_start3A_638, %dma_start3A_643] : memref<8x32xi32, #tpu.memory_space<vmem>> -> memref<1x32xi32, #tpu.memory_space<vmem>>
      %dma_start3A_645 = tpu.memref_squeeze %dma_start3A_644 : memref<1x32xi32, #tpu.memory_space<vmem>> -> memref<32xi32, #tpu.memory_space<vmem>>
      %dma_start3A_646 = arith.constant 0 : i32
      %dma_start3A_647 = arith.constant 0 : i32
      %dma_start3A_648 = tpu.memref_slice %arg10[%dma_start3A_646, %dma_start3A_647] : memref<10112x128xf32, #tpu.memory_space<vmem_shared>> -> memref<10112x128xf32, #tpu.memory_space<vmem_shared>>
      tpu.enqueue_indirect_dma source(%dma_start3A_642 : memref<32x128xf32, #tpu.memory_space<vmem>>) target(%dma_start3A_648 : memref<10112x128xf32, #tpu.memory_space<vmem_shared>>) offsets(%dma_start3A_645 : memref<32xi32, #tpu.memory_space<vmem>>) semaphore(%arg25 : memref<!tpu.dma_semaphore, #tpu.memory_space<semaphore_mem>>) {add = true}
      %add3A_649 = arith.constant 3 : i32
      %add3A_650 = arith.addi %add3A_442, %add3A_649 : i32
      %sub3A_651 = arith.constant 4 : i32
      %sub3A_652 = arith.subi %add3A_650, %sub3A_651 : i32
      %dma_wait3A_653 = arith.constant 3 : i32
      %dma_wait3A_654 = arith.constant 3 : i32
      %dma_wait3A_655 = arith.constant 0 : i32
      %dma_wait3A_656 = arith.constant 0 : i32
      %dma_wait3A_657 = tpu.memref_slice %arg9[%dma_wait3A_653, %dma_wait3A_655, %dma_wait3A_656] : memref<8x32x128xf32, #tpu.memory_space<vmem>> -> memref<1x32x128xf32, #tpu.memory_space<vmem>>
      %dma_wait3A_658 = tpu.memref_squeeze %dma_wait3A_657 : memref<1x32x128xf32, #tpu.memory_space<vmem>> -> memref<32x128xf32, #tpu.memory_space<vmem>>
      %dma_wait3A_659 = arith.constant 0 : i32
      %dma_wait3A_660 = tpu.memref_slice %arg8[%dma_wait3A_654, %dma_wait3A_659] : memref<8x32xi32, #tpu.memory_space<vmem>> -> memref<1x32xi32, #tpu.memory_space<vmem>>
      %dma_wait3A_661 = tpu.memref_squeeze %dma_wait3A_660 : memref<1x32xi32, #tpu.memory_space<vmem>> -> memref<32xi32, #tpu.memory_space<vmem>>
      %dma_wait3A_662 = arith.constant 0 : i32
      %dma_wait3A_663 = arith.constant 0 : i32
      %dma_wait3A_664 = tpu.memref_slice %arg10[%dma_wait3A_662, %dma_wait3A_663] : memref<10112x128xf32, #tpu.memory_space<vmem_shared>> -> memref<10112x128xf32, #tpu.memory_space<vmem_shared>>
      tpu.wait_indirect_dma semaphore(%arg22 : memref<!tpu.dma_semaphore, #tpu.memory_space<semaphore_mem>>) src(%dma_wait3A_658 : memref<32x128xf32, #tpu.memory_space<vmem>>) dst(%dma_wait3A_664 : memref<10112x128xf32, #tpu.memory_space<vmem_shared>>)
      %add3A_665 = arith.constant 3 : i32
      %add3A_666 = arith.addi %add3A_442, %add3A_665 : i32
      %add3A_667 = arith.constant 4 : i32
      %add3A_668 = arith.addi %add3A_666, %add3A_667 : i32
      %scan3A_669 = arith.constant 0 : i32
      %scan3A_670 = arith.constant 2 : i32
      %scan3A_671 = arith.addi %scan3A_669, %scan3A_670 : i32
      %scan3A_672 = arith.constant 1 : i32
      scf.for %scan3A_994 = %scan3A_669 to %scan3A_671 step %scan3A_672  : i32 {
        %mul3A_995 = arith.constant 16 : i32
        %mul3A_996 = arith.muli %scan3A_994, %mul3A_995 : i32
        %add3A_997 = arith.constant 0 : i32
        %add3A_998 = arith.addi %add3A_997, %mul3A_996 : i32
        %jit3A = arith.constant 4 : i32
        %div3A = arith.divsi %add3A_668, %jit3A : i32
        %sign3A = arith.constant 0 : i32
        %sign3A_999 = arith.cmpi sgt, %add3A_668, %sign3A : i32
        %sign3A_1000 = arith.extui %sign3A_999 : i1 to i32
        %sign3A_1001 = arith.constant 0 : i32
        %sign3A_1002 = arith.cmpi slt, %add3A_668, %sign3A_1001 : i32
        %sign3A_1003 = arith.extui %sign3A_1002 : i1 to i32
        %sign3A_1004 = arith.subi %sign3A_1000, %sign3A_1003 : i32
        %sign3A_1005 = arith.constant 0 : i32
        %sign3A_1006 = arith.cmpi sgt, %jit3A, %sign3A_1005 : i32
        %sign3A_1007 = arith.extui %sign3A_1006 : i1 to i32
        %sign3A_1008 = arith.constant 0 : i32
        %sign3A_1009 = arith.cmpi slt, %jit3A, %sign3A_1008 : i32
        %sign3A_1010 = arith.extui %sign3A_1009 : i1 to i32
        %sign3A_1011 = arith.subi %sign3A_1007, %sign3A_1010 : i32
        %ne3A = arith.cmpi ne, %sign3A_1004, %sign3A_1011 : i32
        %rem3A = arith.remsi %add3A_668, %jit3A : i32
        %ne3A_1012 = arith.constant 0 : i32
        %ne3A_1013 = arith.cmpi ne, %rem3A, %ne3A_1012 : i32
        %and3A = arith.andi %ne3A, %ne3A_1013 : i1
        %sub3A_1014 = arith.constant 1 : i32
        %sub3A_1015 = arith.subi %div3A, %sub3A_1014 : i32
        %select_n3A = arith.select %and3A, %sub3A_1015, %div3A : i32
        %jit3A_1016 = arith.constant 4 : i32
        %eq3A_1017 = arith.constant 0 : i32
        %eq3A_1018 = arith.cmpi eq, %jit3A_1016, %eq3A_1017 : i32
        %jit3A_1019 = arith.constant 1 : i32
        %select_n3A_1020 = arith.select %eq3A_1018, %jit3A_1019, %jit3A_1016 : i32
        %rem3A_1021 = arith.remsi %add3A_668, %select_n3A_1020 : i32
        %ne3A_1022 = arith.constant 0 : i32
        %ne3A_1023 = arith.cmpi ne, %rem3A_1021, %ne3A_1022 : i32
        %lt3A = arith.constant 0 : i32
        %lt3A_1024 = arith.cmpi slt, %rem3A_1021, %lt3A : i32
        %lt3A_1025 = arith.constant 0 : i32
        %lt3A_1026 = arith.cmpi slt, %select_n3A_1020, %lt3A_1025 : i32
        %ne3A_1027 = arith.xori %lt3A_1024, %lt3A_1026 : i1
        %and3A_1028 = arith.andi %ne3A_1027, %ne3A_1023 : i1
        %add3A_1029 = arith.addi %rem3A_1021, %select_n3A_1020 : i32
        %select_n3A_1030 = arith.select %and3A_1028, %add3A_1029, %rem3A_1021 : i32
        %mul3A_1031 = arith.constant 32 : i32
        %mul3A_1032 = arith.muli %select_n3A_1030, %mul3A_1031 : i32
        %add3A_1033 = arith.addi %mul3A_1032, %add3A_998 : i32
        %get3A = arith.index_cast %select_n3A : i32 to index
        %get3A_1034 = arith.index_cast %add3A_1033 : i32 to index
        %get3A_1035 = tpu.vector_load %arg6[%get3A, %get3A_1034] {strides = array<i32>} : memref<80x128xi32, #tpu.memory_space<vmem>>, vector<1x16xi32>,
        %get3A_1036 = vector.shape_cast %get3A_1035 : vector<1x16xi32> to vector<16xi32>
        %and3A_1037 = arith.constant 16383 : i32
        %and3A_1038 = vector.broadcast %and3A_1037 : i32 to vector<16xi32>
        %and3A_1039 = arith.andi %get3A_1036, %and3A_1038 : vector<16xi32>
        %shift_right_logical3A = arith.constant 14 : i32
        %shift_right_logical3A_1040 = vector.broadcast %shift_right_logical3A : i32 to vector<16xi32>
        %shift_right_logical3A_1041 = arith.shrui %get3A_1036, %shift_right_logical3A_1040 : vector<16xi32>
        %swap3A = arith.constant 3 : i32
        %swap3A_1042 = arith.index_cast %swap3A : i32 to index
        %swap3A_1043 = arith.index_cast %add3A_998 : i32 to index
        %swap3A_1044 = tpu.vector_load %arg7[%swap3A_1042, %swap3A_1043] {strides = array<i32>} : memref<8x32xi32, #tpu.memory_space<vmem>>, vector<1x16xi32>,
        %swap3A_1045 = vector.shape_cast %swap3A_1044 : vector<1x16xi32> to vector<16xi32>
        %swap3A_1046 = vector.shape_cast %and3A_1039 : vector<16xi32> to vector<1x16xi32>
        tpu.vector_store %arg7[%swap3A_1042, %swap3A_1043], %swap3A_1046 {strides = array<i32>} : memref<8x32xi32, #tpu.memory_space<vmem>>, vector<1x16xi32>,
        %eq3A_1047 = arith.cmpi eq, %shift_right_logical3A_1041, %and3A_1039 : vector<16xi32>
        %and3A_1048 = arith.constant 63 : i32
        %and3A_1049 = vector.broadcast %and3A_1048 : i32 to vector<16xi32>
        %and3A_1050 = arith.andi %shift_right_logical3A_1041, %and3A_1049 : vector<16xi32>
        %add3A_1051 = arith.constant 10000 : i32
        %add3A_1052 = vector.broadcast %add3A_1051 : i32 to vector<16xi32>
        %add3A_1053 = arith.addi %add3A_1052, %and3A_1050 : vector<16xi32>
        %select_n3A_1054 = arith.select %eq3A_1047, %add3A_1053, %shift_right_logical3A_1041 : vector<16xi1>, vector<16xi32>
        %swap3A_1055 = arith.constant 3 : i32
        %swap3A_1056 = arith.index_cast %swap3A_1055 : i32 to index
        %swap3A_1057 = arith.index_cast %add3A_998 : i32 to index
        %swap3A_1058 = tpu.vector_load %arg8[%swap3A_1056, %swap3A_1057] {strides = array<i32>} : memref<8x32xi32, #tpu.memory_space<vmem>>, vector<1x16xi32>,
        %swap3A_1059 = vector.shape_cast %swap3A_1058 : vector<1x16xi32> to vector<16xi32>
        %swap3A_1060 = vector.shape_cast %select_n3A_1054 : vector<16xi32> to vector<1x16xi32>
        tpu.vector_store %arg8[%swap3A_1056, %swap3A_1057], %swap3A_1060 {strides = array<i32>} : memref<8x32xi32, #tpu.memory_space<vmem>>, vector<1x16xi32>,
      }
      %scan3A_673 = arith.constant 2 : i32
      %add3A_674 = arith.constant 3 : i32
      %add3A_675 = arith.addi %add3A_442, %add3A_674 : i32
      %add3A_676 = arith.constant 4 : i32
      %add3A_677 = arith.addi %add3A_675, %add3A_676 : i32
      %dma_start3A_678 = arith.constant 3 : i32
      %dma_start3A_679 = arith.constant 3 : i32
      %dma_start3A_680 = arith.constant 0 : i32
      %dma_start3A_681 = arith.constant 0 : i32
      %dma_start3A_682 = tpu.memref_slice %arg9[%dma_start3A_679, %dma_start3A_680, %dma_start3A_681] : memref<8x32x128xf32, #tpu.memory_space<vmem>> -> memref<1x32x128xf32, #tpu.memory_space<vmem>>
      %dma_start3A_683 = tpu.memref_squeeze %dma_start3A_682 : memref<1x32x128xf32, #tpu.memory_space<vmem>> -> memref<32x128xf32, #tpu.memory_space<vmem>>
      %dma_start3A_684 = arith.constant 0 : i32
      %dma_start3A_685 = tpu.memref_slice %arg7[%dma_start3A_678, %dma_start3A_684] : memref<8x32xi32, #tpu.memory_space<vmem>> -> memref<1x32xi32, #tpu.memory_space<vmem>>
      %dma_start3A_686 = tpu.memref_squeeze %dma_start3A_685 : memref<1x32xi32, #tpu.memory_space<vmem>> -> memref<32xi32, #tpu.memory_space<vmem>>
      %dma_start3A_687 = arith.constant 0 : i32
      %dma_start3A_688 = arith.constant 0 : i32
      %dma_start3A_689 = tpu.memref_slice %arg2[%dma_start3A_687, %dma_start3A_688] : memref<10000x128xf32, #tpu.memory_space<hbm>> -> memref<10000x128xf32, #tpu.memory_space<hbm>>
      tpu.enqueue_indirect_dma source(%dma_start3A_689 : memref<10000x128xf32, #tpu.memory_space<hbm>>) target(%dma_start3A_683 : memref<32x128xf32, #tpu.memory_space<vmem>>) offsets(%dma_start3A_686 : memref<32xi32, #tpu.memory_space<vmem>>) semaphore(%arg14 : memref<!tpu.dma_semaphore, #tpu.memory_space<semaphore_mem>>)
      %add3A_690 = arith.constant 3 : i32
      %add3A_691 = arith.addi %add3A_442, %add3A_690 : i32
      %dma_wait3A_692 = arith.constant 7 : i32
      %dma_wait3A_693 = arith.constant 7 : i32
      %dma_wait3A_694 = arith.constant 0 : i32
      %dma_wait3A_695 = arith.constant 0 : i32
      %dma_wait3A_696 = tpu.memref_slice %arg9[%dma_wait3A_693, %dma_wait3A_694, %dma_wait3A_695] : memref<8x32x128xf32, #tpu.memory_space<vmem>> -> memref<1x32x128xf32, #tpu.memory_space<vmem>>
      %dma_wait3A_697 = tpu.memref_squeeze %dma_wait3A_696 : memref<1x32x128xf32, #tpu.memory_space<vmem>> -> memref<32x128xf32, #tpu.memory_space<vmem>>
      %dma_wait3A_698 = arith.constant 0 : i32
      %dma_wait3A_699 = tpu.memref_slice %arg7[%dma_wait3A_692, %dma_wait3A_698] : memref<8x32xi32, #tpu.memory_space<vmem>> -> memref<1x32xi32, #tpu.memory_space<vmem>>
      %dma_wait3A_700 = tpu.memref_squeeze %dma_wait3A_699 : memref<1x32xi32, #tpu.memory_space<vmem>> -> memref<32xi32, #tpu.memory_space<vmem>>
      %dma_wait3A_701 = arith.constant 0 : i32
      %dma_wait3A_702 = arith.constant 0 : i32
      %dma_wait3A_703 = tpu.memref_slice %arg2[%dma_wait3A_701, %dma_wait3A_702] : memref<10000x128xf32, #tpu.memory_space<hbm>> -> memref<10000x128xf32, #tpu.memory_space<hbm>>
      tpu.wait_indirect_dma semaphore(%arg18 : memref<!tpu.dma_semaphore, #tpu.memory_space<semaphore_mem>>) src(%dma_wait3A_703 : memref<10000x128xf32, #tpu.memory_space<hbm>>) dst(%dma_wait3A_697 : memref<32x128xf32, #tpu.memory_space<vmem>>)
      %add3A_704 = arith.constant 3 : i32
      %add3A_705 = arith.addi %add3A_442, %add3A_704 : i32
      %dma_start3A_706 = arith.constant 7 : i32
      %dma_start3A_707 = arith.constant 7 : i32
      %dma_start3A_708 = arith.constant 0 : i32
      %dma_start3A_709 = arith.constant 0 : i32
      %dma_start3A_710 = tpu.memref_slice %arg9[%dma_start3A_706, %dma_start3A_708, %dma_start3A_709] : memref<8x32x128xf32, #tpu.memory_space<vmem>> -> memref<1x32x128xf32, #tpu.memory_space<vmem>>
      %dma_start3A_711 = tpu.memref_squeeze %dma_start3A_710 : memref<1x32x128xf32, #tpu.memory_space<vmem>> -> memref<32x128xf32, #tpu.memory_space<vmem>>
      %dma_start3A_712 = arith.constant 0 : i32
      %dma_start3A_713 = tpu.memref_slice %arg8[%dma_start3A_707, %dma_start3A_712] : memref<8x32xi32, #tpu.memory_space<vmem>> -> memref<1x32xi32, #tpu.memory_space<vmem>>
      %dma_start3A_714 = tpu.memref_squeeze %dma_start3A_713 : memref<1x32xi32, #tpu.memory_space<vmem>> -> memref<32xi32, #tpu.memory_space<vmem>>
      %dma_start3A_715 = arith.constant 0 : i32
      %dma_start3A_716 = arith.constant 0 : i32
      %dma_start3A_717 = tpu.memref_slice %arg10[%dma_start3A_715, %dma_start3A_716] : memref<10112x128xf32, #tpu.memory_space<vmem_shared>> -> memref<10112x128xf32, #tpu.memory_space<vmem_shared>>
      tpu.enqueue_indirect_dma source(%dma_start3A_711 : memref<32x128xf32, #tpu.memory_space<vmem>>) target(%dma_start3A_717 : memref<10112x128xf32, #tpu.memory_space<vmem_shared>>) offsets(%dma_start3A_714 : memref<32xi32, #tpu.memory_space<vmem>>) semaphore(%arg26 : memref<!tpu.dma_semaphore, #tpu.memory_space<semaphore_mem>>) {add = true}
      %add3A_718 = arith.constant 4 : i32
      %add3A_719 = arith.addi %add3A_442, %add3A_718 : i32
      %sub3A_720 = arith.constant 4 : i32
      %sub3A_721 = arith.subi %add3A_719, %sub3A_720 : i32
      %dma_wait3A_722 = arith.constant 4 : i32
      %dma_wait3A_723 = arith.constant 4 : i32
      %dma_wait3A_724 = arith.constant 0 : i32
      %dma_wait3A_725 = arith.constant 0 : i32
      %dma_wait3A_726 = tpu.memref_slice %arg9[%dma_wait3A_722, %dma_wait3A_724, %dma_wait3A_725] : memref<8x32x128xf32, #tpu.memory_space<vmem>> -> memref<1x32x128xf32, #tpu.memory_space<vmem>>
      %dma_wait3A_727 = tpu.memref_squeeze %dma_wait3A_726 : memref<1x32x128xf32, #tpu.memory_space<vmem>> -> memref<32x128xf32, #tpu.memory_space<vmem>>
      %dma_wait3A_728 = arith.constant 0 : i32
      %dma_wait3A_729 = tpu.memref_slice %arg8[%dma_wait3A_723, %dma_wait3A_728] : memref<8x32xi32, #tpu.memory_space<vmem>> -> memref<1x32xi32, #tpu.memory_space<vmem>>
      %dma_wait3A_730 = tpu.memref_squeeze %dma_wait3A_729 : memref<1x32xi32, #tpu.memory_space<vmem>> -> memref<32xi32, #tpu.memory_space<vmem>>
      %dma_wait3A_731 = arith.constant 0 : i32
      %dma_wait3A_732 = arith.constant 0 : i32
      %dma_wait3A_733 = tpu.memref_slice %arg10[%dma_wait3A_731, %dma_wait3A_732] : memref<10112x128xf32, #tpu.memory_space<vmem_shared>> -> memref<10112x128xf32, #tpu.memory_space<vmem_shared>>
      tpu.wait_indirect_dma semaphore(%arg23 : memref<!tpu.dma_semaphore, #tpu.memory_space<semaphore_mem>>) src(%dma_wait3A_727 : memref<32x128xf32, #tpu.memory_space<vmem>>) dst(%dma_wait3A_733 : memref<10112x128xf32, #tpu.memory_space<vmem_shared>>)
      %add3A_734 = arith.constant 4 : i32
      %add3A_735 = arith.addi %add3A_442, %add3A_734 : i32
      %add3A_736 = arith.constant 4 : i32
      %add3A_737 = arith.addi %add3A_735, %add3A_736 : i32
      %scan3A_738 = arith.constant 0 : i32
      %scan3A_739 = arith.constant 2 : i32
      %scan3A_740 = arith.addi %scan3A_738, %scan3A_739 : i32
      %scan3A_741 = arith.constant 1 : i32
      scf.for %scan3A_994 = %scan3A_738 to %scan3A_740 step %scan3A_741  : i32 {
        %mul3A_995 = arith.constant 16 : i32
        %mul3A_996 = arith.muli %scan3A_994, %mul3A_995 : i32
        %add3A_997 = arith.constant 0 : i32
        %add3A_998 = arith.addi %add3A_997, %mul3A_996 : i32
        %jit3A = arith.constant 4 : i32
        %div3A = arith.divsi %add3A_737, %jit3A : i32
        %sign3A = arith.constant 0 : i32
        %sign3A_999 = arith.cmpi sgt, %add3A_737, %sign3A : i32
        %sign3A_1000 = arith.extui %sign3A_999 : i1 to i32
        %sign3A_1001 = arith.constant 0 : i32
        %sign3A_1002 = arith.cmpi slt, %add3A_737, %sign3A_1001 : i32
        %sign3A_1003 = arith.extui %sign3A_1002 : i1 to i32
        %sign3A_1004 = arith.subi %sign3A_1000, %sign3A_1003 : i32
        %sign3A_1005 = arith.constant 0 : i32
        %sign3A_1006 = arith.cmpi sgt, %jit3A, %sign3A_1005 : i32
        %sign3A_1007 = arith.extui %sign3A_1006 : i1 to i32
        %sign3A_1008 = arith.constant 0 : i32
        %sign3A_1009 = arith.cmpi slt, %jit3A, %sign3A_1008 : i32
        %sign3A_1010 = arith.extui %sign3A_1009 : i1 to i32
        %sign3A_1011 = arith.subi %sign3A_1007, %sign3A_1010 : i32
        %ne3A = arith.cmpi ne, %sign3A_1004, %sign3A_1011 : i32
        %rem3A = arith.remsi %add3A_737, %jit3A : i32
        %ne3A_1012 = arith.constant 0 : i32
        %ne3A_1013 = arith.cmpi ne, %rem3A, %ne3A_1012 : i32
        %and3A = arith.andi %ne3A, %ne3A_1013 : i1
        %sub3A_1014 = arith.constant 1 : i32
        %sub3A_1015 = arith.subi %div3A, %sub3A_1014 : i32
        %select_n3A = arith.select %and3A, %sub3A_1015, %div3A : i32
        %jit3A_1016 = arith.constant 4 : i32
        %eq3A_1017 = arith.constant 0 : i32
        %eq3A_1018 = arith.cmpi eq, %jit3A_1016, %eq3A_1017 : i32
        %jit3A_1019 = arith.constant 1 : i32
        %select_n3A_1020 = arith.select %eq3A_1018, %jit3A_1019, %jit3A_1016 : i32
        %rem3A_1021 = arith.remsi %add3A_737, %select_n3A_1020 : i32
        %ne3A_1022 = arith.constant 0 : i32
        %ne3A_1023 = arith.cmpi ne, %rem3A_1021, %ne3A_1022 : i32
        %lt3A = arith.constant 0 : i32
        %lt3A_1024 = arith.cmpi slt, %rem3A_1021, %lt3A : i32
        %lt3A_1025 = arith.constant 0 : i32
        %lt3A_1026 = arith.cmpi slt, %select_n3A_1020, %lt3A_1025 : i32
        %ne3A_1027 = arith.xori %lt3A_1024, %lt3A_1026 : i1
        %and3A_1028 = arith.andi %ne3A_1027, %ne3A_1023 : i1
        %add3A_1029 = arith.addi %rem3A_1021, %select_n3A_1020 : i32
        %select_n3A_1030 = arith.select %and3A_1028, %add3A_1029, %rem3A_1021 : i32
        %mul3A_1031 = arith.constant 32 : i32
        %mul3A_1032 = arith.muli %select_n3A_1030, %mul3A_1031 : i32
        %add3A_1033 = arith.addi %mul3A_1032, %add3A_998 : i32
        %get3A = arith.index_cast %select_n3A : i32 to index
        %get3A_1034 = arith.index_cast %add3A_1033 : i32 to index
        %get3A_1035 = tpu.vector_load %arg6[%get3A, %get3A_1034] {strides = array<i32>} : memref<80x128xi32, #tpu.memory_space<vmem>>, vector<1x16xi32>,
        %get3A_1036 = vector.shape_cast %get3A_1035 : vector<1x16xi32> to vector<16xi32>
        %and3A_1037 = arith.constant 16383 : i32
        %and3A_1038 = vector.broadcast %and3A_1037 : i32 to vector<16xi32>
        %and3A_1039 = arith.andi %get3A_1036, %and3A_1038 : vector<16xi32>
        %shift_right_logical3A = arith.constant 14 : i32
        %shift_right_logical3A_1040 = vector.broadcast %shift_right_logical3A : i32 to vector<16xi32>
        %shift_right_logical3A_1041 = arith.shrui %get3A_1036, %shift_right_logical3A_1040 : vector<16xi32>
        %swap3A = arith.constant 4 : i32
        %swap3A_1042 = arith.index_cast %swap3A : i32 to index
        %swap3A_1043 = arith.index_cast %add3A_998 : i32 to index
        %swap3A_1044 = tpu.vector_load %arg7[%swap3A_1042, %swap3A_1043] {strides = array<i32>} : memref<8x32xi32, #tpu.memory_space<vmem>>, vector<1x16xi32>,
        %swap3A_1045 = vector.shape_cast %swap3A_1044 : vector<1x16xi32> to vector<16xi32>
        %swap3A_1046 = vector.shape_cast %and3A_1039 : vector<16xi32> to vector<1x16xi32>
        tpu.vector_store %arg7[%swap3A_1042, %swap3A_1043], %swap3A_1046 {strides = array<i32>} : memref<8x32xi32, #tpu.memory_space<vmem>>, vector<1x16xi32>,
        %eq3A_1047 = arith.cmpi eq, %shift_right_logical3A_1041, %and3A_1039 : vector<16xi32>
        %and3A_1048 = arith.constant 63 : i32
        %and3A_1049 = vector.broadcast %and3A_1048 : i32 to vector<16xi32>
        %and3A_1050 = arith.andi %shift_right_logical3A_1041, %and3A_1049 : vector<16xi32>
        %add3A_1051 = arith.constant 10000 : i32
        %add3A_1052 = vector.broadcast %add3A_1051 : i32 to vector<16xi32>
        %add3A_1053 = arith.addi %add3A_1052, %and3A_1050 : vector<16xi32>
        %select_n3A_1054 = arith.select %eq3A_1047, %add3A_1053, %shift_right_logical3A_1041 : vector<16xi1>, vector<16xi32>
        %swap3A_1055 = arith.constant 4 : i32
        %swap3A_1056 = arith.index_cast %swap3A_1055 : i32 to index
        %swap3A_1057 = arith.index_cast %add3A_998 : i32 to index
        %swap3A_1058 = tpu.vector_load %arg8[%swap3A_1056, %swap3A_1057] {strides = array<i32>} : memref<8x32xi32, #tpu.memory_space<vmem>>, vector<1x16xi32>,
        %swap3A_1059 = vector.shape_cast %swap3A_1058 : vector<1x16xi32> to vector<16xi32>
        %swap3A_1060 = vector.shape_cast %select_n3A_1054 : vector<16xi32> to vector<1x16xi32>
        tpu.vector_store %arg8[%swap3A_1056, %swap3A_1057], %swap3A_1060 {strides = array<i32>} : memref<8x32xi32, #tpu.memory_space<vmem>>, vector<1x16xi32>,
      }
      %scan3A_742 = arith.constant 2 : i32
      %add3A_743 = arith.constant 4 : i32
      %add3A_744 = arith.addi %add3A_442, %add3A_743 : i32
      %add3A_745 = arith.constant 4 : i32
      %add3A_746 = arith.addi %add3A_744, %add3A_745 : i32
      %dma_start3A_747 = arith.constant 4 : i32
      %dma_start3A_748 = arith.constant 4 : i32
      %dma_start3A_749 = arith.constant 0 : i32
      %dma_start3A_750 = arith.constant 0 : i32
      %dma_start3A_751 = tpu.memref_slice %arg9[%dma_start3A_748, %dma_start3A_749, %dma_start3A_750] : memref<8x32x128xf32, #tpu.memory_space<vmem>> -> memref<1x32x128xf32, #tpu.memory_space<vmem>>
      %dma_start3A_752 = tpu.memref_squeeze %dma_start3A_751 : memref<1x32x128xf32, #tpu.memory_space<vmem>> -> memref<32x128xf32, #tpu.memory_space<vmem>>
      %dma_start3A_753 = arith.constant 0 : i32
      %dma_start3A_754 = tpu.memref_slice %arg7[%dma_start3A_747, %dma_start3A_753] : memref<8x32xi32, #tpu.memory_space<vmem>> -> memref<1x32xi32, #tpu.memory_space<vmem>>
      %dma_start3A_755 = tpu.memref_squeeze %dma_start3A_754 : memref<1x32xi32, #tpu.memory_space<vmem>> -> memref<32xi32, #tpu.memory_space<vmem>>
      %dma_start3A_756 = arith.constant 0 : i32
      %dma_start3A_757 = arith.constant 0 : i32
      %dma_start3A_758 = tpu.memref_slice %arg2[%dma_start3A_756, %dma_start3A_757] : memref<10000x128xf32, #tpu.memory_space<hbm>> -> memref<10000x128xf32, #tpu.memory_space<hbm>>
      tpu.enqueue_indirect_dma source(%dma_start3A_758 : memref<10000x128xf32, #tpu.memory_space<hbm>>) target(%dma_start3A_752 : memref<32x128xf32, #tpu.memory_space<vmem>>) offsets(%dma_start3A_755 : memref<32xi32, #tpu.memory_space<vmem>>) semaphore(%arg15 : memref<!tpu.dma_semaphore, #tpu.memory_space<semaphore_mem>>)
      %add3A_759 = arith.constant 4 : i32
      %add3A_760 = arith.addi %add3A_442, %add3A_759 : i32
      %dma_wait3A_761 = arith.constant 0 : i32
      %dma_wait3A_762 = arith.constant 0 : i32
      %dma_wait3A_763 = arith.constant 0 : i32
      %dma_wait3A_764 = arith.constant 0 : i32
      %dma_wait3A_765 = tpu.memref_slice %arg9[%dma_wait3A_762, %dma_wait3A_763, %dma_wait3A_764] : memref<8x32x128xf32, #tpu.memory_space<vmem>> -> memref<1x32x128xf32, #tpu.memory_space<vmem>>
      %dma_wait3A_766 = tpu.memref_squeeze %dma_wait3A_765 : memref<1x32x128xf32, #tpu.memory_space<vmem>> -> memref<32x128xf32, #tpu.memory_space<vmem>>
      %dma_wait3A_767 = arith.constant 0 : i32
      %dma_wait3A_768 = tpu.memref_slice %arg7[%dma_wait3A_761, %dma_wait3A_767] : memref<8x32xi32, #tpu.memory_space<vmem>> -> memref<1x32xi32, #tpu.memory_space<vmem>>
      %dma_wait3A_769 = tpu.memref_squeeze %dma_wait3A_768 : memref<1x32xi32, #tpu.memory_space<vmem>> -> memref<32xi32, #tpu.memory_space<vmem>>
      %dma_wait3A_770 = arith.constant 0 : i32
      %dma_wait3A_771 = arith.constant 0 : i32
      %dma_wait3A_772 = tpu.memref_slice %arg2[%dma_wait3A_770, %dma_wait3A_771] : memref<10000x128xf32, #tpu.memory_space<hbm>> -> memref<10000x128xf32, #tpu.memory_space<hbm>>
      tpu.wait_indirect_dma semaphore(%arg11 : memref<!tpu.dma_semaphore, #tpu.memory_space<semaphore_mem>>) src(%dma_wait3A_772 : memref<10000x128xf32, #tpu.memory_space<hbm>>) dst(%dma_wait3A_766 : memref<32x128xf32, #tpu.memory_space<vmem>>)
      %add3A_773 = arith.constant 4 : i32
      %add3A_774 = arith.addi %add3A_442, %add3A_773 : i32
      %dma_start3A_775 = arith.constant 0 : i32
      %dma_start3A_776 = arith.constant 0 : i32
      %dma_start3A_777 = arith.constant 0 : i32
      %dma_start3A_778 = arith.constant 0 : i32
      %dma_start3A_779 = tpu.memref_slice %arg9[%dma_start3A_775, %dma_start3A_777, %dma_start3A_778] : memref<8x32x128xf32, #tpu.memory_space<vmem>> -> memref<1x32x128xf32, #tpu.memory_space<vmem>>
      %dma_start3A_780 = tpu.memref_squeeze %dma_start3A_779 : memref<1x32x128xf32, #tpu.memory_space<vmem>> -> memref<32x128xf32, #tpu.memory_space<vmem>>
      %dma_start3A_781 = arith.constant 0 : i32
      %dma_start3A_782 = tpu.memref_slice %arg8[%dma_start3A_776, %dma_start3A_781] : memref<8x32xi32, #tpu.memory_space<vmem>> -> memref<1x32xi32, #tpu.memory_space<vmem>>
      %dma_start3A_783 = tpu.memref_squeeze %dma_start3A_782 : memref<1x32xi32, #tpu.memory_space<vmem>> -> memref<32xi32, #tpu.memory_space<vmem>>
      %dma_start3A_784 = arith.constant 0 : i32
      %dma_start3A_785 = arith.constant 0 : i32
      %dma_start3A_786 = tpu.memref_slice %arg10[%dma_start3A_784, %dma_start3A_785] : memref<10112x128xf32, #tpu.memory_space<vmem_shared>> -> memref<10112x128xf32, #tpu.memory_space<vmem_shared>>
      tpu.enqueue_indirect_dma source(%dma_start3A_780 : memref<32x128xf32, #tpu.memory_space<vmem>>) target(%dma_start3A_786 : memref<10112x128xf32, #tpu.memory_space<vmem_shared>>) offsets(%dma_start3A_783 : memref<32xi32, #tpu.memory_space<vmem>>) semaphore(%arg19 : memref<!tpu.dma_semaphore, #tpu.memory_space<semaphore_mem>>) {add = true}
      %add3A_787 = arith.constant 5 : i32
      %add3A_788 = arith.addi %add3A_442, %add3A_787 : i32
      %sub3A_789 = arith.constant 4 : i32
      %sub3A_790 = arith.subi %add3A_788, %sub3A_789 : i32
      %dma_wait3A_791 = arith.constant 5 : i32
      %dma_wait3A_792 = arith.constant 5 : i32
      %dma_wait3A_793 = arith.constant 0 : i32
      %dma_wait3A_794 = arith.constant 0 : i32
      %dma_wait3A_795 = tpu.memref_slice %arg9[%dma_wait3A_791, %dma_wait3A_793, %dma_wait3A_794] : memref<8x32x128xf32, #tpu.memory_space<vmem>> -> memref<1x32x128xf32, #tpu.memory_space<vmem>>
      %dma_wait3A_796 = tpu.memref_squeeze %dma_wait3A_795 : memref<1x32x128xf32, #tpu.memory_space<vmem>> -> memref<32x128xf32, #tpu.memory_space<vmem>>
      %dma_wait3A_797 = arith.constant 0 : i32
      %dma_wait3A_798 = tpu.memref_slice %arg8[%dma_wait3A_792, %dma_wait3A_797] : memref<8x32xi32, #tpu.memory_space<vmem>> -> memref<1x32xi32, #tpu.memory_space<vmem>>
      %dma_wait3A_799 = tpu.memref_squeeze %dma_wait3A_798 : memref<1x32xi32, #tpu.memory_space<vmem>> -> memref<32xi32, #tpu.memory_space<vmem>>
      %dma_wait3A_800 = arith.constant 0 : i32
      %dma_wait3A_801 = arith.constant 0 : i32
      %dma_wait3A_802 = tpu.memref_slice %arg10[%dma_wait3A_800, %dma_wait3A_801] : memref<10112x128xf32, #tpu.memory_space<vmem_shared>> -> memref<10112x128xf32, #tpu.memory_space<vmem_shared>>
      tpu.wait_indirect_dma semaphore(%arg24 : memref<!tpu.dma_semaphore, #tpu.memory_space<semaphore_mem>>) src(%dma_wait3A_796 : memref<32x128xf32, #tpu.memory_space<vmem>>) dst(%dma_wait3A_802 : memref<10112x128xf32, #tpu.memory_space<vmem_shared>>)
      %add3A_803 = arith.constant 5 : i32
      %add3A_804 = arith.addi %add3A_442, %add3A_803 : i32
      %add3A_805 = arith.constant 4 : i32
      %add3A_806 = arith.addi %add3A_804, %add3A_805 : i32
      %scan3A_807 = arith.constant 0 : i32
      %scan3A_808 = arith.constant 2 : i32
      %scan3A_809 = arith.addi %scan3A_807, %scan3A_808 : i32
      %scan3A_810 = arith.constant 1 : i32
      scf.for %scan3A_994 = %scan3A_807 to %scan3A_809 step %scan3A_810  : i32 {
        %mul3A_995 = arith.constant 16 : i32
        %mul3A_996 = arith.muli %scan3A_994, %mul3A_995 : i32
        %add3A_997 = arith.constant 0 : i32
        %add3A_998 = arith.addi %add3A_997, %mul3A_996 : i32
        %jit3A = arith.constant 4 : i32
        %div3A = arith.divsi %add3A_806, %jit3A : i32
        %sign3A = arith.constant 0 : i32
        %sign3A_999 = arith.cmpi sgt, %add3A_806, %sign3A : i32
        %sign3A_1000 = arith.extui %sign3A_999 : i1 to i32
        %sign3A_1001 = arith.constant 0 : i32
        %sign3A_1002 = arith.cmpi slt, %add3A_806, %sign3A_1001 : i32
        %sign3A_1003 = arith.extui %sign3A_1002 : i1 to i32
        %sign3A_1004 = arith.subi %sign3A_1000, %sign3A_1003 : i32
        %sign3A_1005 = arith.constant 0 : i32
        %sign3A_1006 = arith.cmpi sgt, %jit3A, %sign3A_1005 : i32
        %sign3A_1007 = arith.extui %sign3A_1006 : i1 to i32
        %sign3A_1008 = arith.constant 0 : i32
        %sign3A_1009 = arith.cmpi slt, %jit3A, %sign3A_1008 : i32
        %sign3A_1010 = arith.extui %sign3A_1009 : i1 to i32
        %sign3A_1011 = arith.subi %sign3A_1007, %sign3A_1010 : i32
        %ne3A = arith.cmpi ne, %sign3A_1004, %sign3A_1011 : i32
        %rem3A = arith.remsi %add3A_806, %jit3A : i32
        %ne3A_1012 = arith.constant 0 : i32
        %ne3A_1013 = arith.cmpi ne, %rem3A, %ne3A_1012 : i32
        %and3A = arith.andi %ne3A, %ne3A_1013 : i1
        %sub3A_1014 = arith.constant 1 : i32
        %sub3A_1015 = arith.subi %div3A, %sub3A_1014 : i32
        %select_n3A = arith.select %and3A, %sub3A_1015, %div3A : i32
        %jit3A_1016 = arith.constant 4 : i32
        %eq3A_1017 = arith.constant 0 : i32
        %eq3A_1018 = arith.cmpi eq, %jit3A_1016, %eq3A_1017 : i32
        %jit3A_1019 = arith.constant 1 : i32
        %select_n3A_1020 = arith.select %eq3A_1018, %jit3A_1019, %jit3A_1016 : i32
        %rem3A_1021 = arith.remsi %add3A_806, %select_n3A_1020 : i32
        %ne3A_1022 = arith.constant 0 : i32
        %ne3A_1023 = arith.cmpi ne, %rem3A_1021, %ne3A_1022 : i32
        %lt3A = arith.constant 0 : i32
        %lt3A_1024 = arith.cmpi slt, %rem3A_1021, %lt3A : i32
        %lt3A_1025 = arith.constant 0 : i32
        %lt3A_1026 = arith.cmpi slt, %select_n3A_1020, %lt3A_1025 : i32
        %ne3A_1027 = arith.xori %lt3A_1024, %lt3A_1026 : i1
        %and3A_1028 = arith.andi %ne3A_1027, %ne3A_1023 : i1
        %add3A_1029 = arith.addi %rem3A_1021, %select_n3A_1020 : i32
        %select_n3A_1030 = arith.select %and3A_1028, %add3A_1029, %rem3A_1021 : i32
        %mul3A_1031 = arith.constant 32 : i32
        %mul3A_1032 = arith.muli %select_n3A_1030, %mul3A_1031 : i32
        %add3A_1033 = arith.addi %mul3A_1032, %add3A_998 : i32
        %get3A = arith.index_cast %select_n3A : i32 to index
        %get3A_1034 = arith.index_cast %add3A_1033 : i32 to index
        %get3A_1035 = tpu.vector_load %arg6[%get3A, %get3A_1034] {strides = array<i32>} : memref<80x128xi32, #tpu.memory_space<vmem>>, vector<1x16xi32>,
        %get3A_1036 = vector.shape_cast %get3A_1035 : vector<1x16xi32> to vector<16xi32>
        %and3A_1037 = arith.constant 16383 : i32
        %and3A_1038 = vector.broadcast %and3A_1037 : i32 to vector<16xi32>
        %and3A_1039 = arith.andi %get3A_1036, %and3A_1038 : vector<16xi32>
        %shift_right_logical3A = arith.constant 14 : i32
        %shift_right_logical3A_1040 = vector.broadcast %shift_right_logical3A : i32 to vector<16xi32>
        %shift_right_logical3A_1041 = arith.shrui %get3A_1036, %shift_right_logical3A_1040 : vector<16xi32>
        %swap3A = arith.constant 5 : i32
        %swap3A_1042 = arith.index_cast %swap3A : i32 to index
        %swap3A_1043 = arith.index_cast %add3A_998 : i32 to index
        %swap3A_1044 = tpu.vector_load %arg7[%swap3A_1042, %swap3A_1043] {strides = array<i32>} : memref<8x32xi32, #tpu.memory_space<vmem>>, vector<1x16xi32>,
        %swap3A_1045 = vector.shape_cast %swap3A_1044 : vector<1x16xi32> to vector<16xi32>
        %swap3A_1046 = vector.shape_cast %and3A_1039 : vector<16xi32> to vector<1x16xi32>
        tpu.vector_store %arg7[%swap3A_1042, %swap3A_1043], %swap3A_1046 {strides = array<i32>} : memref<8x32xi32, #tpu.memory_space<vmem>>, vector<1x16xi32>,
        %eq3A_1047 = arith.cmpi eq, %shift_right_logical3A_1041, %and3A_1039 : vector<16xi32>
        %and3A_1048 = arith.constant 63 : i32
        %and3A_1049 = vector.broadcast %and3A_1048 : i32 to vector<16xi32>
        %and3A_1050 = arith.andi %shift_right_logical3A_1041, %and3A_1049 : vector<16xi32>
        %add3A_1051 = arith.constant 10000 : i32
        %add3A_1052 = vector.broadcast %add3A_1051 : i32 to vector<16xi32>
        %add3A_1053 = arith.addi %add3A_1052, %and3A_1050 : vector<16xi32>
        %select_n3A_1054 = arith.select %eq3A_1047, %add3A_1053, %shift_right_logical3A_1041 : vector<16xi1>, vector<16xi32>
        %swap3A_1055 = arith.constant 5 : i32
        %swap3A_1056 = arith.index_cast %swap3A_1055 : i32 to index
        %swap3A_1057 = arith.index_cast %add3A_998 : i32 to index
        %swap3A_1058 = tpu.vector_load %arg8[%swap3A_1056, %swap3A_1057] {strides = array<i32>} : memref<8x32xi32, #tpu.memory_space<vmem>>, vector<1x16xi32>,
        %swap3A_1059 = vector.shape_cast %swap3A_1058 : vector<1x16xi32> to vector<16xi32>
        %swap3A_1060 = vector.shape_cast %select_n3A_1054 : vector<16xi32> to vector<1x16xi32>
        tpu.vector_store %arg8[%swap3A_1056, %swap3A_1057], %swap3A_1060 {strides = array<i32>} : memref<8x32xi32, #tpu.memory_space<vmem>>, vector<1x16xi32>,
      }
      %scan3A_811 = arith.constant 2 : i32
      %add3A_812 = arith.constant 5 : i32
      %add3A_813 = arith.addi %add3A_442, %add3A_812 : i32
      %add3A_814 = arith.constant 4 : i32
      %add3A_815 = arith.addi %add3A_813, %add3A_814 : i32
      %dma_start3A_816 = arith.constant 5 : i32
      %dma_start3A_817 = arith.constant 5 : i32
      %dma_start3A_818 = arith.constant 0 : i32
      %dma_start3A_819 = arith.constant 0 : i32
      %dma_start3A_820 = tpu.memref_slice %arg9[%dma_start3A_817, %dma_start3A_818, %dma_start3A_819] : memref<8x32x128xf32, #tpu.memory_space<vmem>> -> memref<1x32x128xf32, #tpu.memory_space<vmem>>
      %dma_start3A_821 = tpu.memref_squeeze %dma_start3A_820 : memref<1x32x128xf32, #tpu.memory_space<vmem>> -> memref<32x128xf32, #tpu.memory_space<vmem>>
      %dma_start3A_822 = arith.constant 0 : i32
      %dma_start3A_823 = tpu.memref_slice %arg7[%dma_start3A_816, %dma_start3A_822] : memref<8x32xi32, #tpu.memory_space<vmem>> -> memref<1x32xi32, #tpu.memory_space<vmem>>
      %dma_start3A_824 = tpu.memref_squeeze %dma_start3A_823 : memref<1x32xi32, #tpu.memory_space<vmem>> -> memref<32xi32, #tpu.memory_space<vmem>>
      %dma_start3A_825 = arith.constant 0 : i32
      %dma_start3A_826 = arith.constant 0 : i32
      %dma_start3A_827 = tpu.memref_slice %arg2[%dma_start3A_825, %dma_start3A_826] : memref<10000x128xf32, #tpu.memory_space<hbm>> -> memref<10000x128xf32, #tpu.memory_space<hbm>>
      tpu.enqueue_indirect_dma source(%dma_start3A_827 : memref<10000x128xf32, #tpu.memory_space<hbm>>) target(%dma_start3A_821 : memref<32x128xf32, #tpu.memory_space<vmem>>) offsets(%dma_start3A_824 : memref<32xi32, #tpu.memory_space<vmem>>) semaphore(%arg16 : memref<!tpu.dma_semaphore, #tpu.memory_space<semaphore_mem>>)
      %add3A_828 = arith.constant 5 : i32
      %add3A_829 = arith.addi %add3A_442, %add3A_828 : i32
      %dma_wait3A_830 = arith.constant 1 : i32
      %dma_wait3A_831 = arith.constant 1 : i32
      %dma_wait3A_832 = arith.constant 0 : i32
      %dma_wait3A_833 = arith.constant 0 : i32
      %dma_wait3A_834 = tpu.memref_slice %arg9[%dma_wait3A_831, %dma_wait3A_832, %dma_wait3A_833] : memref<8x32x128xf32, #tpu.memory_space<vmem>> -> memref<1x32x128xf32, #tpu.memory_space<vmem>>
      %dma_wait3A_835 = tpu.memref_squeeze %dma_wait3A_834 : memref<1x32x128xf32, #tpu.memory_space<vmem>> -> memref<32x128xf32, #tpu.memory_space<vmem>>
      %dma_wait3A_836 = arith.constant 0 : i32
      %dma_wait3A_837 = tpu.memref_slice %arg7[%dma_wait3A_830, %dma_wait3A_836] : memref<8x32xi32, #tpu.memory_space<vmem>> -> memref<1x32xi32, #tpu.memory_space<vmem>>
      %dma_wait3A_838 = tpu.memref_squeeze %dma_wait3A_837 : memref<1x32xi32, #tpu.memory_space<vmem>> -> memref<32xi32, #tpu.memory_space<vmem>>
      %dma_wait3A_839 = arith.constant 0 : i32
      %dma_wait3A_840 = arith.constant 0 : i32
      %dma_wait3A_841 = tpu.memref_slice %arg2[%dma_wait3A_839, %dma_wait3A_840] : memref<10000x128xf32, #tpu.memory_space<hbm>> -> memref<10000x128xf32, #tpu.memory_space<hbm>>
      tpu.wait_indirect_dma semaphore(%arg12 : memref<!tpu.dma_semaphore, #tpu.memory_space<semaphore_mem>>) src(%dma_wait3A_841 : memref<10000x128xf32, #tpu.memory_space<hbm>>) dst(%dma_wait3A_835 : memref<32x128xf32, #tpu.memory_space<vmem>>)
      %add3A_842 = arith.constant 5 : i32
      %add3A_843 = arith.addi %add3A_442, %add3A_842 : i32
      %dma_start3A_844 = arith.constant 1 : i32
      %dma_start3A_845 = arith.constant 1 : i32
      %dma_start3A_846 = arith.constant 0 : i32
      %dma_start3A_847 = arith.constant 0 : i32
      %dma_start3A_848 = tpu.memref_slice %arg9[%dma_start3A_844, %dma_start3A_846, %dma_start3A_847] : memref<8x32x128xf32, #tpu.memory_space<vmem>> -> memref<1x32x128xf32, #tpu.memory_space<vmem>>
      %dma_start3A_849 = tpu.memref_squeeze %dma_start3A_848 : memref<1x32x128xf32, #tpu.memory_space<vmem>> -> memref<32x128xf32, #tpu.memory_space<vmem>>
      %dma_start3A_850 = arith.constant 0 : i32
      %dma_start3A_851 = tpu.memref_slice %arg8[%dma_start3A_845, %dma_start3A_850] : memref<8x32xi32, #tpu.memory_space<vmem>> -> memref<1x32xi32, #tpu.memory_space<vmem>>
      %dma_start3A_852 = tpu.memref_squeeze %dma_start3A_851 : memref<1x32xi32, #tpu.memory_space<vmem>> -> memref<32xi32, #tpu.memory_space<vmem>>
      %dma_start3A_853 = arith.constant 0 : i32
      %dma_start3A_854 = arith.constant 0 : i32
      %dma_start3A_855 = tpu.memref_slice %arg10[%dma_start3A_853, %dma_start3A_854] : memref<10112x128xf32, #tpu.memory_space<vmem_shared>> -> memref<10112x128xf32, #tpu.memory_space<vmem_shared>>
      tpu.enqueue_indirect_dma source(%dma_start3A_849 : memref<32x128xf32, #tpu.memory_space<vmem>>) target(%dma_start3A_855 : memref<10112x128xf32, #tpu.memory_space<vmem_shared>>) offsets(%dma_start3A_852 : memref<32xi32, #tpu.memory_space<vmem>>) semaphore(%arg20 : memref<!tpu.dma_semaphore, #tpu.memory_space<semaphore_mem>>) {add = true}
      %add3A_856 = arith.constant 6 : i32
      %add3A_857 = arith.addi %add3A_442, %add3A_856 : i32
      %sub3A_858 = arith.constant 4 : i32
      %sub3A_859 = arith.subi %add3A_857, %sub3A_858 : i32
      %dma_wait3A_860 = arith.constant 6 : i32
      %dma_wait3A_861 = arith.constant 6 : i32
      %dma_wait3A_862 = arith.constant 0 : i32
      %dma_wait3A_863 = arith.constant 0 : i32
      %dma_wait3A_864 = tpu.memref_slice %arg9[%dma_wait3A_860, %dma_wait3A_862, %dma_wait3A_863] : memref<8x32x128xf32, #tpu.memory_space<vmem>> -> memref<1x32x128xf32, #tpu.memory_space<vmem>>
      %dma_wait3A_865 = tpu.memref_squeeze %dma_wait3A_864 : memref<1x32x128xf32, #tpu.memory_space<vmem>> -> memref<32x128xf32, #tpu.memory_space<vmem>>
      %dma_wait3A_866 = arith.constant 0 : i32
      %dma_wait3A_867 = tpu.memref_slice %arg8[%dma_wait3A_861, %dma_wait3A_866] : memref<8x32xi32, #tpu.memory_space<vmem>> -> memref<1x32xi32, #tpu.memory_space<vmem>>
      %dma_wait3A_868 = tpu.memref_squeeze %dma_wait3A_867 : memref<1x32xi32, #tpu.memory_space<vmem>> -> memref<32xi32, #tpu.memory_space<vmem>>
      %dma_wait3A_869 = arith.constant 0 : i32
      %dma_wait3A_870 = arith.constant 0 : i32
      %dma_wait3A_871 = tpu.memref_slice %arg10[%dma_wait3A_869, %dma_wait3A_870] : memref<10112x128xf32, #tpu.memory_space<vmem_shared>> -> memref<10112x128xf32, #tpu.memory_space<vmem_shared>>
      tpu.wait_indirect_dma semaphore(%arg25 : memref<!tpu.dma_semaphore, #tpu.memory_space<semaphore_mem>>) src(%dma_wait3A_865 : memref<32x128xf32, #tpu.memory_space<vmem>>) dst(%dma_wait3A_871 : memref<10112x128xf32, #tpu.memory_space<vmem_shared>>)
      %add3A_872 = arith.constant 6 : i32
      %add3A_873 = arith.addi %add3A_442, %add3A_872 : i32
      %add3A_874 = arith.constant 4 : i32
      %add3A_875 = arith.addi %add3A_873, %add3A_874 : i32
      %scan3A_876 = arith.constant 0 : i32
      %scan3A_877 = arith.constant 2 : i32
      %scan3A_878 = arith.addi %scan3A_876, %scan3A_877 : i32
      %scan3A_879 = arith.constant 1 : i32
      scf.for %scan3A_994 = %scan3A_876 to %scan3A_878 step %scan3A_879  : i32 {
        %mul3A_995 = arith.constant 16 : i32
        %mul3A_996 = arith.muli %scan3A_994, %mul3A_995 : i32
        %add3A_997 = arith.constant 0 : i32
        %add3A_998 = arith.addi %add3A_997, %mul3A_996 : i32
        %jit3A = arith.constant 4 : i32
        %div3A = arith.divsi %add3A_875, %jit3A : i32
        %sign3A = arith.constant 0 : i32
        %sign3A_999 = arith.cmpi sgt, %add3A_875, %sign3A : i32
        %sign3A_1000 = arith.extui %sign3A_999 : i1 to i32
        %sign3A_1001 = arith.constant 0 : i32
        %sign3A_1002 = arith.cmpi slt, %add3A_875, %sign3A_1001 : i32
        %sign3A_1003 = arith.extui %sign3A_1002 : i1 to i32
        %sign3A_1004 = arith.subi %sign3A_1000, %sign3A_1003 : i32
        %sign3A_1005 = arith.constant 0 : i32
        %sign3A_1006 = arith.cmpi sgt, %jit3A, %sign3A_1005 : i32
        %sign3A_1007 = arith.extui %sign3A_1006 : i1 to i32
        %sign3A_1008 = arith.constant 0 : i32
        %sign3A_1009 = arith.cmpi slt, %jit3A, %sign3A_1008 : i32
        %sign3A_1010 = arith.extui %sign3A_1009 : i1 to i32
        %sign3A_1011 = arith.subi %sign3A_1007, %sign3A_1010 : i32
        %ne3A = arith.cmpi ne, %sign3A_1004, %sign3A_1011 : i32
        %rem3A = arith.remsi %add3A_875, %jit3A : i32
        %ne3A_1012 = arith.constant 0 : i32
        %ne3A_1013 = arith.cmpi ne, %rem3A, %ne3A_1012 : i32
        %and3A = arith.andi %ne3A, %ne3A_1013 : i1
        %sub3A_1014 = arith.constant 1 : i32
        %sub3A_1015 = arith.subi %div3A, %sub3A_1014 : i32
        %select_n3A = arith.select %and3A, %sub3A_1015, %div3A : i32
        %jit3A_1016 = arith.constant 4 : i32
        %eq3A_1017 = arith.constant 0 : i32
        %eq3A_1018 = arith.cmpi eq, %jit3A_1016, %eq3A_1017 : i32
        %jit3A_1019 = arith.constant 1 : i32
        %select_n3A_1020 = arith.select %eq3A_1018, %jit3A_1019, %jit3A_1016 : i32
        %rem3A_1021 = arith.remsi %add3A_875, %select_n3A_1020 : i32
        %ne3A_1022 = arith.constant 0 : i32
        %ne3A_1023 = arith.cmpi ne, %rem3A_1021, %ne3A_1022 : i32
        %lt3A = arith.constant 0 : i32
        %lt3A_1024 = arith.cmpi slt, %rem3A_1021, %lt3A : i32
        %lt3A_1025 = arith.constant 0 : i32
        %lt3A_1026 = arith.cmpi slt, %select_n3A_1020, %lt3A_1025 : i32
        %ne3A_1027 = arith.xori %lt3A_1024, %lt3A_1026 : i1
        %and3A_1028 = arith.andi %ne3A_1027, %ne3A_1023 : i1
        %add3A_1029 = arith.addi %rem3A_1021, %select_n3A_1020 : i32
        %select_n3A_1030 = arith.select %and3A_1028, %add3A_1029, %rem3A_1021 : i32
        %mul3A_1031 = arith.constant 32 : i32
        %mul3A_1032 = arith.muli %select_n3A_1030, %mul3A_1031 : i32
        %add3A_1033 = arith.addi %mul3A_1032, %add3A_998 : i32
        %get3A = arith.index_cast %select_n3A : i32 to index
        %get3A_1034 = arith.index_cast %add3A_1033 : i32 to index
        %get3A_1035 = tpu.vector_load %arg6[%get3A, %get3A_1034] {strides = array<i32>} : memref<80x128xi32, #tpu.memory_space<vmem>>, vector<1x16xi32>,
        %get3A_1036 = vector.shape_cast %get3A_1035 : vector<1x16xi32> to vector<16xi32>
        %and3A_1037 = arith.constant 16383 : i32
        %and3A_1038 = vector.broadcast %and3A_1037 : i32 to vector<16xi32>
        %and3A_1039 = arith.andi %get3A_1036, %and3A_1038 : vector<16xi32>
        %shift_right_logical3A = arith.constant 14 : i32
        %shift_right_logical3A_1040 = vector.broadcast %shift_right_logical3A : i32 to vector<16xi32>
        %shift_right_logical3A_1041 = arith.shrui %get3A_1036, %shift_right_logical3A_1040 : vector<16xi32>
        %swap3A = arith.constant 6 : i32
        %swap3A_1042 = arith.index_cast %swap3A : i32 to index
        %swap3A_1043 = arith.index_cast %add3A_998 : i32 to index
        %swap3A_1044 = tpu.vector_load %arg7[%swap3A_1042, %swap3A_1043] {strides = array<i32>} : memref<8x32xi32, #tpu.memory_space<vmem>>, vector<1x16xi32>,
        %swap3A_1045 = vector.shape_cast %swap3A_1044 : vector<1x16xi32> to vector<16xi32>
        %swap3A_1046 = vector.shape_cast %and3A_1039 : vector<16xi32> to vector<1x16xi32>
        tpu.vector_store %arg7[%swap3A_1042, %swap3A_1043], %swap3A_1046 {strides = array<i32>} : memref<8x32xi32, #tpu.memory_space<vmem>>, vector<1x16xi32>,
        %eq3A_1047 = arith.cmpi eq, %shift_right_logical3A_1041, %and3A_1039 : vector<16xi32>
        %and3A_1048 = arith.constant 63 : i32
        %and3A_1049 = vector.broadcast %and3A_1048 : i32 to vector<16xi32>
        %and3A_1050 = arith.andi %shift_right_logical3A_1041, %and3A_1049 : vector<16xi32>
        %add3A_1051 = arith.constant 10000 : i32
        %add3A_1052 = vector.broadcast %add3A_1051 : i32 to vector<16xi32>
        %add3A_1053 = arith.addi %add3A_1052, %and3A_1050 : vector<16xi32>
        %select_n3A_1054 = arith.select %eq3A_1047, %add3A_1053, %shift_right_logical3A_1041 : vector<16xi1>, vector<16xi32>
        %swap3A_1055 = arith.constant 6 : i32
        %swap3A_1056 = arith.index_cast %swap3A_1055 : i32 to index
        %swap3A_1057 = arith.index_cast %add3A_998 : i32 to index
        %swap3A_1058 = tpu.vector_load %arg8[%swap3A_1056, %swap3A_1057] {strides = array<i32>} : memref<8x32xi32, #tpu.memory_space<vmem>>, vector<1x16xi32>,
        %swap3A_1059 = vector.shape_cast %swap3A_1058 : vector<1x16xi32> to vector<16xi32>
        %swap3A_1060 = vector.shape_cast %select_n3A_1054 : vector<16xi32> to vector<1x16xi32>
        tpu.vector_store %arg8[%swap3A_1056, %swap3A_1057], %swap3A_1060 {strides = array<i32>} : memref<8x32xi32, #tpu.memory_space<vmem>>, vector<1x16xi32>,
      }
      %scan3A_880 = arith.constant 2 : i32
      %add3A_881 = arith.constant 6 : i32
      %add3A_882 = arith.addi %add3A_442, %add3A_881 : i32
      %add3A_883 = arith.constant 4 : i32
      %add3A_884 = arith.addi %add3A_882, %add3A_883 : i32
      %dma_start3A_885 = arith.constant 6 : i32
      %dma_start3A_886 = arith.constant 6 : i32
      %dma_start3A_887 = arith.constant 0 : i32
      %dma_start3A_888 = arith.constant 0 : i32
      %dma_start3A_889 = tpu.memref_slice %arg9[%dma_start3A_886, %dma_start3A_887, %dma_start3A_888] : memref<8x32x128xf32, #tpu.memory_space<vmem>> -> memref<1x32x128xf32, #tpu.memory_space<vmem>>
      %dma_start3A_890 = tpu.memref_squeeze %dma_start3A_889 : memref<1x32x128xf32, #tpu.memory_space<vmem>> -> memref<32x128xf32, #tpu.memory_space<vmem>>
      %dma_start3A_891 = arith.constant 0 : i32
      %dma_start3A_892 = tpu.memref_slice %arg7[%dma_start3A_885, %dma_start3A_891] : memref<8x32xi32, #tpu.memory_space<vmem>> -> memref<1x32xi32, #tpu.memory_space<vmem>>
      %dma_start3A_893 = tpu.memref_squeeze %dma_start3A_892 : memref<1x32xi32, #tpu.memory_space<vmem>> -> memref<32xi32, #tpu.memory_space<vmem>>
      %dma_start3A_894 = arith.constant 0 : i32
      %dma_start3A_895 = arith.constant 0 : i32
      %dma_start3A_896 = tpu.memref_slice %arg2[%dma_start3A_894, %dma_start3A_895] : memref<10000x128xf32, #tpu.memory_space<hbm>> -> memref<10000x128xf32, #tpu.memory_space<hbm>>
      tpu.enqueue_indirect_dma source(%dma_start3A_896 : memref<10000x128xf32, #tpu.memory_space<hbm>>) target(%dma_start3A_890 : memref<32x128xf32, #tpu.memory_space<vmem>>) offsets(%dma_start3A_893 : memref<32xi32, #tpu.memory_space<vmem>>) semaphore(%arg17 : memref<!tpu.dma_semaphore, #tpu.memory_space<semaphore_mem>>)
      %add3A_897 = arith.constant 6 : i32
      %add3A_898 = arith.addi %add3A_442, %add3A_897 : i32
      %dma_wait3A_899 = arith.constant 2 : i32
      %dma_wait3A_900 = arith.constant 2 : i32
      %dma_wait3A_901 = arith.constant 0 : i32
      %dma_wait3A_902 = arith.constant 0 : i32
      %dma_wait3A_903 = tpu.memref_slice %arg9[%dma_wait3A_900, %dma_wait3A_901, %dma_wait3A_902] : memref<8x32x128xf32, #tpu.memory_space<vmem>> -> memref<1x32x128xf32, #tpu.memory_space<vmem>>
      %dma_wait3A_904 = tpu.memref_squeeze %dma_wait3A_903 : memref<1x32x128xf32, #tpu.memory_space<vmem>> -> memref<32x128xf32, #tpu.memory_space<vmem>>
      %dma_wait3A_905 = arith.constant 0 : i32
      %dma_wait3A_906 = tpu.memref_slice %arg7[%dma_wait3A_899, %dma_wait3A_905] : memref<8x32xi32, #tpu.memory_space<vmem>> -> memref<1x32xi32, #tpu.memory_space<vmem>>
      %dma_wait3A_907 = tpu.memref_squeeze %dma_wait3A_906 : memref<1x32xi32, #tpu.memory_space<vmem>> -> memref<32xi32, #tpu.memory_space<vmem>>
      %dma_wait3A_908 = arith.constant 0 : i32
      %dma_wait3A_909 = arith.constant 0 : i32
      %dma_wait3A_910 = tpu.memref_slice %arg2[%dma_wait3A_908, %dma_wait3A_909] : memref<10000x128xf32, #tpu.memory_space<hbm>> -> memref<10000x128xf32, #tpu.memory_space<hbm>>
      tpu.wait_indirect_dma semaphore(%arg13 : memref<!tpu.dma_semaphore, #tpu.memory_space<semaphore_mem>>) src(%dma_wait3A_910 : memref<10000x128xf32, #tpu.memory_space<hbm>>) dst(%dma_wait3A_904 : memref<32x128xf32, #tpu.memory_space<vmem>>)
      %add3A_911 = arith.constant 6 : i32
      %add3A_912 = arith.addi %add3A_442, %add3A_911 : i32
      %dma_start3A_913 = arith.constant 2 : i32
      %dma_start3A_914 = arith.constant 2 : i32
      %dma_start3A_915 = arith.constant 0 : i32
      %dma_start3A_916 = arith.constant 0 : i32
      %dma_start3A_917 = tpu.memref_slice %arg9[%dma_start3A_913, %dma_start3A_915, %dma_start3A_916] : memref<8x32x128xf32, #tpu.memory_space<vmem>> -> memref<1x32x128xf32, #tpu.memory_space<vmem>>
      %dma_start3A_918 = tpu.memref_squeeze %dma_start3A_917 : memref<1x32x128xf32, #tpu.memory_space<vmem>> -> memref<32x128xf32, #tpu.memory_space<vmem>>
      %dma_start3A_919 = arith.constant 0 : i32
      %dma_start3A_920 = tpu.memref_slice %arg8[%dma_start3A_914, %dma_start3A_919] : memref<8x32xi32, #tpu.memory_space<vmem>> -> memref<1x32xi32, #tpu.memory_space<vmem>>
      %dma_start3A_921 = tpu.memref_squeeze %dma_start3A_920 : memref<1x32xi32, #tpu.memory_space<vmem>> -> memref<32xi32, #tpu.memory_space<vmem>>
      %dma_start3A_922 = arith.constant 0 : i32
      %dma_start3A_923 = arith.constant 0 : i32
      %dma_start3A_924 = tpu.memref_slice %arg10[%dma_start3A_922, %dma_start3A_923] : memref<10112x128xf32, #tpu.memory_space<vmem_shared>> -> memref<10112x128xf32, #tpu.memory_space<vmem_shared>>
      tpu.enqueue_indirect_dma source(%dma_start3A_918 : memref<32x128xf32, #tpu.memory_space<vmem>>) target(%dma_start3A_924 : memref<10112x128xf32, #tpu.memory_space<vmem_shared>>) offsets(%dma_start3A_921 : memref<32xi32, #tpu.memory_space<vmem>>) semaphore(%arg21 : memref<!tpu.dma_semaphore, #tpu.memory_space<semaphore_mem>>) {add = true}
      %add3A_925 = arith.constant 7 : i32
      %add3A_926 = arith.addi %add3A_442, %add3A_925 : i32
      %sub3A_927 = arith.constant 4 : i32
      %sub3A_928 = arith.subi %add3A_926, %sub3A_927 : i32
      %dma_wait3A_929 = arith.constant 7 : i32
      %dma_wait3A_930 = arith.constant 7 : i32
      %dma_wait3A_931 = arith.constant 0 : i32
      %dma_wait3A_932 = arith.constant 0 : i32
      %dma_wait3A_933 = tpu.memref_slice %arg9[%dma_wait3A_929, %dma_wait3A_931, %dma_wait3A_932] : memref<8x32x128xf32, #tpu.memory_space<vmem>> -> memref<1x32x128xf32, #tpu.memory_space<vmem>>
      %dma_wait3A_934 = tpu.memref_squeeze %dma_wait3A_933 : memref<1x32x128xf32, #tpu.memory_space<vmem>> -> memref<32x128xf32, #tpu.memory_space<vmem>>
      %dma_wait3A_935 = arith.constant 0 : i32
      %dma_wait3A_936 = tpu.memref_slice %arg8[%dma_wait3A_930, %dma_wait3A_935] : memref<8x32xi32, #tpu.memory_space<vmem>> -> memref<1x32xi32, #tpu.memory_space<vmem>>
      %dma_wait3A_937 = tpu.memref_squeeze %dma_wait3A_936 : memref<1x32xi32, #tpu.memory_space<vmem>> -> memref<32xi32, #tpu.memory_space<vmem>>
      %dma_wait3A_938 = arith.constant 0 : i32
      %dma_wait3A_939 = arith.constant 0 : i32
      %dma_wait3A_940 = tpu.memref_slice %arg10[%dma_wait3A_938, %dma_wait3A_939] : memref<10112x128xf32, #tpu.memory_space<vmem_shared>> -> memref<10112x128xf32, #tpu.memory_space<vmem_shared>>
      tpu.wait_indirect_dma semaphore(%arg26 : memref<!tpu.dma_semaphore, #tpu.memory_space<semaphore_mem>>) src(%dma_wait3A_934 : memref<32x128xf32, #tpu.memory_space<vmem>>) dst(%dma_wait3A_940 : memref<10112x128xf32, #tpu.memory_space<vmem_shared>>)
      %add3A_941 = arith.constant 7 : i32
      %add3A_942 = arith.addi %add3A_442, %add3A_941 : i32
      %add3A_943 = arith.constant 4 : i32
      %add3A_944 = arith.addi %add3A_942, %add3A_943 : i32
      %scan3A_945 = arith.constant 0 : i32
      %scan3A_946 = arith.constant 2 : i32
      %scan3A_947 = arith.addi %scan3A_945, %scan3A_946 : i32
      %scan3A_948 = arith.constant 1 : i32
      scf.for %scan3A_994 = %scan3A_945 to %scan3A_947 step %scan3A_948  : i32 {
        %mul3A_995 = arith.constant 16 : i32
        %mul3A_996 = arith.muli %scan3A_994, %mul3A_995 : i32
        %add3A_997 = arith.constant 0 : i32
        %add3A_998 = arith.addi %add3A_997, %mul3A_996 : i32
        %jit3A = arith.constant 4 : i32
        %div3A = arith.divsi %add3A_944, %jit3A : i32
        %sign3A = arith.constant 0 : i32
        %sign3A_999 = arith.cmpi sgt, %add3A_944, %sign3A : i32
        %sign3A_1000 = arith.extui %sign3A_999 : i1 to i32
        %sign3A_1001 = arith.constant 0 : i32
        %sign3A_1002 = arith.cmpi slt, %add3A_944, %sign3A_1001 : i32
        %sign3A_1003 = arith.extui %sign3A_1002 : i1 to i32
        %sign3A_1004 = arith.subi %sign3A_1000, %sign3A_1003 : i32
        %sign3A_1005 = arith.constant 0 : i32
        %sign3A_1006 = arith.cmpi sgt, %jit3A, %sign3A_1005 : i32
        %sign3A_1007 = arith.extui %sign3A_1006 : i1 to i32
        %sign3A_1008 = arith.constant 0 : i32
        %sign3A_1009 = arith.cmpi slt, %jit3A, %sign3A_1008 : i32
        %sign3A_1010 = arith.extui %sign3A_1009 : i1 to i32
        %sign3A_1011 = arith.subi %sign3A_1007, %sign3A_1010 : i32
        %ne3A = arith.cmpi ne, %sign3A_1004, %sign3A_1011 : i32
        %rem3A = arith.remsi %add3A_944, %jit3A : i32
        %ne3A_1012 = arith.constant 0 : i32
        %ne3A_1013 = arith.cmpi ne, %rem3A, %ne3A_1012 : i32
        %and3A = arith.andi %ne3A, %ne3A_1013 : i1
        %sub3A_1014 = arith.constant 1 : i32
        %sub3A_1015 = arith.subi %div3A, %sub3A_1014 : i32
        %select_n3A = arith.select %and3A, %sub3A_1015, %div3A : i32
        %jit3A_1016 = arith.constant 4 : i32
        %eq3A_1017 = arith.constant 0 : i32
        %eq3A_1018 = arith.cmpi eq, %jit3A_1016, %eq3A_1017 : i32
        %jit3A_1019 = arith.constant 1 : i32
        %select_n3A_1020 = arith.select %eq3A_1018, %jit3A_1019, %jit3A_1016 : i32
        %rem3A_1021 = arith.remsi %add3A_944, %select_n3A_1020 : i32
        %ne3A_1022 = arith.constant 0 : i32
        %ne3A_1023 = arith.cmpi ne, %rem3A_1021, %ne3A_1022 : i32
        %lt3A = arith.constant 0 : i32
        %lt3A_1024 = arith.cmpi slt, %rem3A_1021, %lt3A : i32
        %lt3A_1025 = arith.constant 0 : i32
        %lt3A_1026 = arith.cmpi slt, %select_n3A_1020, %lt3A_1025 : i32
        %ne3A_1027 = arith.xori %lt3A_1024, %lt3A_1026 : i1
        %and3A_1028 = arith.andi %ne3A_1027, %ne3A_1023 : i1
        %add3A_1029 = arith.addi %rem3A_1021, %select_n3A_1020 : i32
        %select_n3A_1030 = arith.select %and3A_1028, %add3A_1029, %rem3A_1021 : i32
        %mul3A_1031 = arith.constant 32 : i32
        %mul3A_1032 = arith.muli %select_n3A_1030, %mul3A_1031 : i32
        %add3A_1033 = arith.addi %mul3A_1032, %add3A_998 : i32
        %get3A = arith.index_cast %select_n3A : i32 to index
        %get3A_1034 = arith.index_cast %add3A_1033 : i32 to index
        %get3A_1035 = tpu.vector_load %arg6[%get3A, %get3A_1034] {strides = array<i32>} : memref<80x128xi32, #tpu.memory_space<vmem>>, vector<1x16xi32>,
        %get3A_1036 = vector.shape_cast %get3A_1035 : vector<1x16xi32> to vector<16xi32>
        %and3A_1037 = arith.constant 16383 : i32
        %and3A_1038 = vector.broadcast %and3A_1037 : i32 to vector<16xi32>
        %and3A_1039 = arith.andi %get3A_1036, %and3A_1038 : vector<16xi32>
        %shift_right_logical3A = arith.constant 14 : i32
        %shift_right_logical3A_1040 = vector.broadcast %shift_right_logical3A : i32 to vector<16xi32>
        %shift_right_logical3A_1041 = arith.shrui %get3A_1036, %shift_right_logical3A_1040 : vector<16xi32>
        %swap3A = arith.constant 7 : i32
        %swap3A_1042 = arith.index_cast %swap3A : i32 to index
        %swap3A_1043 = arith.index_cast %add3A_998 : i32 to index
        %swap3A_1044 = tpu.vector_load %arg7[%swap3A_1042, %swap3A_1043] {strides = array<i32>} : memref<8x32xi32, #tpu.memory_space<vmem>>, vector<1x16xi32>,
        %swap3A_1045 = vector.shape_cast %swap3A_1044 : vector<1x16xi32> to vector<16xi32>
        %swap3A_1046 = vector.shape_cast %and3A_1039 : vector<16xi32> to vector<1x16xi32>
        tpu.vector_store %arg7[%swap3A_1042, %swap3A_1043], %swap3A_1046 {strides = array<i32>} : memref<8x32xi32, #tpu.memory_space<vmem>>, vector<1x16xi32>,
        %eq3A_1047 = arith.cmpi eq, %shift_right_logical3A_1041, %and3A_1039 : vector<16xi32>
        %and3A_1048 = arith.constant 63 : i32
        %and3A_1049 = vector.broadcast %and3A_1048 : i32 to vector<16xi32>
        %and3A_1050 = arith.andi %shift_right_logical3A_1041, %and3A_1049 : vector<16xi32>
        %add3A_1051 = arith.constant 10000 : i32
        %add3A_1052 = vector.broadcast %add3A_1051 : i32 to vector<16xi32>
        %add3A_1053 = arith.addi %add3A_1052, %and3A_1050 : vector<16xi32>
        %select_n3A_1054 = arith.select %eq3A_1047, %add3A_1053, %shift_right_logical3A_1041 : vector<16xi1>, vector<16xi32>
        %swap3A_1055 = arith.constant 7 : i32
        %swap3A_1056 = arith.index_cast %swap3A_1055 : i32 to index
        %swap3A_1057 = arith.index_cast %add3A_998 : i32 to index
        %swap3A_1058 = tpu.vector_load %arg8[%swap3A_1056, %swap3A_1057] {strides = array<i32>} : memref<8x32xi32, #tpu.memory_space<vmem>>, vector<1x16xi32>,
        %swap3A_1059 = vector.shape_cast %swap3A_1058 : vector<1x16xi32> to vector<16xi32>
        %swap3A_1060 = vector.shape_cast %select_n3A_1054 : vector<16xi32> to vector<1x16xi32>
        tpu.vector_store %arg8[%swap3A_1056, %swap3A_1057], %swap3A_1060 {strides = array<i32>} : memref<8x32xi32, #tpu.memory_space<vmem>>, vector<1x16xi32>,
      }
      %scan3A_949 = arith.constant 2 : i32
      %add3A_950 = arith.constant 7 : i32
      %add3A_951 = arith.addi %add3A_442, %add3A_950 : i32
      %add3A_952 = arith.constant 4 : i32
      %add3A_953 = arith.addi %add3A_951, %add3A_952 : i32
      %dma_start3A_954 = arith.constant 7 : i32
      %dma_start3A_955 = arith.constant 7 : i32
      %dma_start3A_956 = arith.constant 0 : i32
      %dma_start3A_957 = arith.constant 0 : i32
      %dma_start3A_958 = tpu.memref_slice %arg9[%dma_start3A_955, %dma_start3A_956, %dma_start3A_957] : memref<8x32x128xf32, #tpu.memory_space<vmem>> -> memref<1x32x128xf32, #tpu.memory_space<vmem>>
      %dma_start3A_959 = tpu.memref_squeeze %dma_start3A_958 : memref<1x32x128xf32, #tpu.memory_space<vmem>> -> memref<32x128xf32, #tpu.memory_space<vmem>>
      %dma_start3A_960 = arith.constant 0 : i32
      %dma_start3A_961 = tpu.memref_slice %arg7[%dma_start3A_954, %dma_start3A_960] : memref<8x32xi32, #tpu.memory_space<vmem>> -> memref<1x32xi32, #tpu.memory_space<vmem>>
      %dma_start3A_962 = tpu.memref_squeeze %dma_start3A_961 : memref<1x32xi32, #tpu.memory_space<vmem>> -> memref<32xi32, #tpu.memory_space<vmem>>
      %dma_start3A_963 = arith.constant 0 : i32
      %dma_start3A_964 = arith.constant 0 : i32
      %dma_start3A_965 = tpu.memref_slice %arg2[%dma_start3A_963, %dma_start3A_964] : memref<10000x128xf32, #tpu.memory_space<hbm>> -> memref<10000x128xf32, #tpu.memory_space<hbm>>
      tpu.enqueue_indirect_dma source(%dma_start3A_965 : memref<10000x128xf32, #tpu.memory_space<hbm>>) target(%dma_start3A_959 : memref<32x128xf32, #tpu.memory_space<vmem>>) offsets(%dma_start3A_962 : memref<32xi32, #tpu.memory_space<vmem>>) semaphore(%arg18 : memref<!tpu.dma_semaphore, #tpu.memory_space<semaphore_mem>>)
      %add3A_966 = arith.constant 7 : i32
      %add3A_967 = arith.addi %add3A_442, %add3A_966 : i32
      %dma_wait3A_968 = arith.constant 3 : i32
      %dma_wait3A_969 = arith.constant 3 : i32
      %dma_wait3A_970 = arith.constant 0 : i32
      %dma_wait3A_971 = arith.constant 0 : i32
      %dma_wait3A_972 = tpu.memref_slice %arg9[%dma_wait3A_969, %dma_wait3A_970, %dma_wait3A_971] : memref<8x32x128xf32, #tpu.memory_space<vmem>> -> memref<1x32x128xf32, #tpu.memory_space<vmem>>
      %dma_wait3A_973 = tpu.memref_squeeze %dma_wait3A_972 : memref<1x32x128xf32, #tpu.memory_space<vmem>> -> memref<32x128xf32, #tpu.memory_space<vmem>>
      %dma_wait3A_974 = arith.constant 0 : i32
      %dma_wait3A_975 = tpu.memref_slice %arg7[%dma_wait3A_968, %dma_wait3A_974] : memref<8x32xi32, #tpu.memory_space<vmem>> -> memref<1x32xi32, #tpu.memory_space<vmem>>
      %dma_wait3A_976 = tpu.memref_squeeze %dma_wait3A_975 : memref<1x32xi32, #tpu.memory_space<vmem>> -> memref<32xi32, #tpu.memory_space<vmem>>
      %dma_wait3A_977 = arith.constant 0 : i32
      %dma_wait3A_978 = arith.constant 0 : i32
      %dma_wait3A_979 = tpu.memref_slice %arg2[%dma_wait3A_977, %dma_wait3A_978] : memref<10000x128xf32, #tpu.memory_space<hbm>> -> memref<10000x128xf32, #tpu.memory_space<hbm>>
      tpu.wait_indirect_dma semaphore(%arg14 : memref<!tpu.dma_semaphore, #tpu.memory_space<semaphore_mem>>) src(%dma_wait3A_979 : memref<10000x128xf32, #tpu.memory_space<hbm>>) dst(%dma_wait3A_973 : memref<32x128xf32, #tpu.memory_space<vmem>>)
      %add3A_980 = arith.constant 7 : i32
      %add3A_981 = arith.addi %add3A_442, %add3A_980 : i32
      %dma_start3A_982 = arith.constant 3 : i32
      %dma_start3A_983 = arith.constant 3 : i32
      %dma_start3A_984 = arith.constant 0 : i32
      %dma_start3A_985 = arith.constant 0 : i32
      %dma_start3A_986 = tpu.memref_slice %arg9[%dma_start3A_982, %dma_start3A_984, %dma_start3A_985] : memref<8x32x128xf32, #tpu.memory_space<vmem>> -> memref<1x32x128xf32, #tpu.memory_space<vmem>>
      %dma_start3A_987 = tpu.memref_squeeze %dma_start3A_986 : memref<1x32x128xf32, #tpu.memory_space<vmem>> -> memref<32x128xf32, #tpu.memory_space<vmem>>
      %dma_start3A_988 = arith.constant 0 : i32
      %dma_start3A_989 = tpu.memref_slice %arg8[%dma_start3A_983, %dma_start3A_988] : memref<8x32xi32, #tpu.memory_space<vmem>> -> memref<1x32xi32, #tpu.memory_space<vmem>>
      %dma_start3A_990 = tpu.memref_squeeze %dma_start3A_989 : memref<1x32xi32, #tpu.memory_space<vmem>> -> memref<32xi32, #tpu.memory_space<vmem>>
      %dma_start3A_991 = arith.constant 0 : i32
      %dma_start3A_992 = arith.constant 0 : i32
      %dma_start3A_993 = tpu.memref_slice %arg10[%dma_start3A_991, %dma_start3A_992] : memref<10112x128xf32, #tpu.memory_space<vmem_shared>> -> memref<10112x128xf32, #tpu.memory_space<vmem_shared>>
      tpu.enqueue_indirect_dma source(%dma_start3A_987 : memref<32x128xf32, #tpu.memory_space<vmem>>) target(%dma_start3A_993 : memref<10112x128xf32, #tpu.memory_space<vmem_shared>>) offsets(%dma_start3A_990 : memref<32xi32, #tpu.memory_space<vmem>>) semaphore(%arg22 : memref<!tpu.dma_semaphore, #tpu.memory_space<semaphore_mem>>) {add = true}
    }
    %scan3A_238 = arith.constant 39 : i32
    %dma_wait3A_239 = arith.constant 4 : i32
    %dma_wait3A_240 = arith.constant 4 : i32
    %dma_wait3A_241 = arith.constant 0 : i32
    %dma_wait3A_242 = arith.constant 0 : i32
    %dma_wait3A_243 = tpu.memref_slice %arg9[%dma_wait3A_240, %dma_wait3A_241, %dma_wait3A_242] : memref<8x32x128xf32, #tpu.memory_space<vmem>> -> memref<1x32x128xf32, #tpu.memory_space<vmem>>
    %dma_wait3A_244 = tpu.memref_squeeze %dma_wait3A_243 : memref<1x32x128xf32, #tpu.memory_space<vmem>> -> memref<32x128xf32, #tpu.memory_space<vmem>>
    %dma_wait3A_245 = arith.constant 0 : i32
    %dma_wait3A_246 = tpu.memref_slice %arg7[%dma_wait3A_239, %dma_wait3A_245] : memref<8x32xi32, #tpu.memory_space<vmem>> -> memref<1x32xi32, #tpu.memory_space<vmem>>
    %dma_wait3A_247 = tpu.memref_squeeze %dma_wait3A_246 : memref<1x32xi32, #tpu.memory_space<vmem>> -> memref<32xi32, #tpu.memory_space<vmem>>
    %dma_wait3A_248 = arith.constant 0 : i32
    %dma_wait3A_249 = arith.constant 0 : i32
    %dma_wait3A_250 = tpu.memref_slice %arg2[%dma_wait3A_248, %dma_wait3A_249] : memref<10000x128xf32, #tpu.memory_space<hbm>> -> memref<10000x128xf32, #tpu.memory_space<hbm>>
    tpu.wait_indirect_dma semaphore(%arg15 : memref<!tpu.dma_semaphore, #tpu.memory_space<semaphore_mem>>) src(%dma_wait3A_250 : memref<10000x128xf32, #tpu.memory_space<hbm>>) dst(%dma_wait3A_244 : memref<32x128xf32, #tpu.memory_space<vmem>>)
    %dma_start3A_251 = arith.constant 4 : i32
    %dma_start3A_252 = arith.constant 4 : i32
    %dma_start3A_253 = arith.constant 0 : i32
    %dma_start3A_254 = arith.constant 0 : i32
    %dma_start3A_255 = tpu.memref_slice %arg9[%dma_start3A_251, %dma_start3A_253, %dma_start3A_254] : memref<8x32x128xf32, #tpu.memory_space<vmem>> -> memref<1x32x128xf32, #tpu.memory_space<vmem>>
    %dma_start3A_256 = tpu.memref_squeeze %dma_start3A_255 : memref<1x32x128xf32, #tpu.memory_space<vmem>> -> memref<32x128xf32, #tpu.memory_space<vmem>>
    %dma_start3A_257 = arith.constant 0 : i32
    %dma_start3A_258 = tpu.memref_slice %arg8[%dma_start3A_252, %dma_start3A_257] : memref<8x32xi32, #tpu.memory_space<vmem>> -> memref<1x32xi32, #tpu.memory_space<vmem>>
    %dma_start3A_259 = tpu.memref_squeeze %dma_start3A_258 : memref<1x32xi32, #tpu.memory_space<vmem>> -> memref<32xi32, #tpu.memory_space<vmem>>
    %dma_start3A_260 = arith.constant 0 : i32
    %dma_start3A_261 = arith.constant 0 : i32
    %dma_start3A_262 = tpu.memref_slice %arg10[%dma_start3A_260, %dma_start3A_261] : memref<10112x128xf32, #tpu.memory_space<vmem_shared>> -> memref<10112x128xf32, #tpu.memory_space<vmem_shared>>
    tpu.enqueue_indirect_dma source(%dma_start3A_256 : memref<32x128xf32, #tpu.memory_space<vmem>>) target(%dma_start3A_262 : memref<10112x128xf32, #tpu.memory_space<vmem_shared>>) offsets(%dma_start3A_259 : memref<32xi32, #tpu.memory_space<vmem>>) semaphore(%arg23 : memref<!tpu.dma_semaphore, #tpu.memory_space<semaphore_mem>>) {add = true}
    %dma_wait3A_263 = arith.constant 5 : i32
    %dma_wait3A_264 = arith.constant 5 : i32
    %dma_wait3A_265 = arith.constant 0 : i32
    %dma_wait3A_266 = arith.constant 0 : i32
    %dma_wait3A_267 = tpu.memref_slice %arg9[%dma_wait3A_264, %dma_wait3A_265, %dma_wait3A_266] : memref<8x32x128xf32, #tpu.memory_space<vmem>> -> memref<1x32x128xf32, #tpu.memory_space<vmem>>
    %dma_wait3A_268 = tpu.memref_squeeze %dma_wait3A_267 : memref<1x32x128xf32, #tpu.memory_space<vmem>> -> memref<32x128xf32, #tpu.memory_space<vmem>>
    %dma_wait3A_269 = arith.constant 0 : i32
    %dma_wait3A_270 = tpu.memref_slice %arg7[%dma_wait3A_263, %dma_wait3A_269] : memref<8x32xi32, #tpu.memory_space<vmem>> -> memref<1x32xi32, #tpu.memory_space<vmem>>
    %dma_wait3A_271 = tpu.memref_squeeze %dma_wait3A_270 : memref<1x32xi32, #tpu.memory_space<vmem>> -> memref<32xi32, #tpu.memory_space<vmem>>
    %dma_wait3A_272 = arith.constant 0 : i32
    %dma_wait3A_273 = arith.constant 0 : i32
    %dma_wait3A_274 = tpu.memref_slice %arg2[%dma_wait3A_272, %dma_wait3A_273] : memref<10000x128xf32, #tpu.memory_space<hbm>> -> memref<10000x128xf32, #tpu.memory_space<hbm>>
    tpu.wait_indirect_dma semaphore(%arg16 : memref<!tpu.dma_semaphore, #tpu.memory_space<semaphore_mem>>) src(%dma_wait3A_274 : memref<10000x128xf32, #tpu.memory_space<hbm>>) dst(%dma_wait3A_268 : memref<32x128xf32, #tpu.memory_space<vmem>>)
    %dma_start3A_275 = arith.constant 5 : i32
    %dma_start3A_276 = arith.constant 5 : i32
    %dma_start3A_277 = arith.constant 0 : i32
    %dma_start3A_278 = arith.constant 0 : i32
    %dma_start3A_279 = tpu.memref_slice %arg9[%dma_start3A_275, %dma_start3A_277, %dma_start3A_278] : memref<8x32x128xf32, #tpu.memory_space<vmem>> -> memref<1x32x128xf32, #tpu.memory_space<vmem>>
    %dma_start3A_280 = tpu.memref_squeeze %dma_start3A_279 : memref<1x32x128xf32, #tpu.memory_space<vmem>> -> memref<32x128xf32, #tpu.memory_space<vmem>>
    %dma_start3A_281 = arith.constant 0 : i32
    %dma_start3A_282 = tpu.memref_slice %arg8[%dma_start3A_276, %dma_start3A_281] : memref<8x32xi32, #tpu.memory_space<vmem>> -> memref<1x32xi32, #tpu.memory_space<vmem>>
    %dma_start3A_283 = tpu.memref_squeeze %dma_start3A_282 : memref<1x32xi32, #tpu.memory_space<vmem>> -> memref<32xi32, #tpu.memory_space<vmem>>
    %dma_start3A_284 = arith.constant 0 : i32
    %dma_start3A_285 = arith.constant 0 : i32
    %dma_start3A_286 = tpu.memref_slice %arg10[%dma_start3A_284, %dma_start3A_285] : memref<10112x128xf32, #tpu.memory_space<vmem_shared>> -> memref<10112x128xf32, #tpu.memory_space<vmem_shared>>
    tpu.enqueue_indirect_dma source(%dma_start3A_280 : memref<32x128xf32, #tpu.memory_space<vmem>>) target(%dma_start3A_286 : memref<10112x128xf32, #tpu.memory_space<vmem_shared>>) offsets(%dma_start3A_283 : memref<32xi32, #tpu.memory_space<vmem>>) semaphore(%arg24 : memref<!tpu.dma_semaphore, #tpu.memory_space<semaphore_mem>>) {add = true}
    %dma_wait3A_287 = arith.constant 6 : i32
    %dma_wait3A_288 = arith.constant 6 : i32
    %dma_wait3A_289 = arith.constant 0 : i32
    %dma_wait3A_290 = arith.constant 0 : i32
    %dma_wait3A_291 = tpu.memref_slice %arg9[%dma_wait3A_288, %dma_wait3A_289, %dma_wait3A_290] : memref<8x32x128xf32, #tpu.memory_space<vmem>> -> memref<1x32x128xf32, #tpu.memory_space<vmem>>
    %dma_wait3A_292 = tpu.memref_squeeze %dma_wait3A_291 : memref<1x32x128xf32, #tpu.memory_space<vmem>> -> memref<32x128xf32, #tpu.memory_space<vmem>>
    %dma_wait3A_293 = arith.constant 0 : i32
    %dma_wait3A_294 = tpu.memref_slice %arg7[%dma_wait3A_287, %dma_wait3A_293] : memref<8x32xi32, #tpu.memory_space<vmem>> -> memref<1x32xi32, #tpu.memory_space<vmem>>
    %dma_wait3A_295 = tpu.memref_squeeze %dma_wait3A_294 : memref<1x32xi32, #tpu.memory_space<vmem>> -> memref<32xi32, #tpu.memory_space<vmem>>
    %dma_wait3A_296 = arith.constant 0 : i32
    %dma_wait3A_297 = arith.constant 0 : i32
    %dma_wait3A_298 = tpu.memref_slice %arg2[%dma_wait3A_296, %dma_wait3A_297] : memref<10000x128xf32, #tpu.memory_space<hbm>> -> memref<10000x128xf32, #tpu.memory_space<hbm>>
    tpu.wait_indirect_dma semaphore(%arg17 : memref<!tpu.dma_semaphore, #tpu.memory_space<semaphore_mem>>) src(%dma_wait3A_298 : memref<10000x128xf32, #tpu.memory_space<hbm>>) dst(%dma_wait3A_292 : memref<32x128xf32, #tpu.memory_space<vmem>>)
    %dma_start3A_299 = arith.constant 6 : i32
    %dma_start3A_300 = arith.constant 6 : i32
    %dma_start3A_301 = arith.constant 0 : i32
    %dma_start3A_302 = arith.constant 0 : i32
    %dma_start3A_303 = tpu.memref_slice %arg9[%dma_start3A_299, %dma_start3A_301, %dma_start3A_302] : memref<8x32x128xf32, #tpu.memory_space<vmem>> -> memref<1x32x128xf32, #tpu.memory_space<vmem>>
    %dma_start3A_304 = tpu.memref_squeeze %dma_start3A_303 : memref<1x32x128xf32, #tpu.memory_space<vmem>> -> memref<32x128xf32, #tpu.memory_space<vmem>>
    %dma_start3A_305 = arith.constant 0 : i32
    %dma_start3A_306 = tpu.memref_slice %arg8[%dma_start3A_300, %dma_start3A_305] : memref<8x32xi32, #tpu.memory_space<vmem>> -> memref<1x32xi32, #tpu.memory_space<vmem>>
    %dma_start3A_307 = tpu.memref_squeeze %dma_start3A_306 : memref<1x32xi32, #tpu.memory_space<vmem>> -> memref<32xi32, #tpu.memory_space<vmem>>
    %dma_start3A_308 = arith.constant 0 : i32
    %dma_start3A_309 = arith.constant 0 : i32
    %dma_start3A_310 = tpu.memref_slice %arg10[%dma_start3A_308, %dma_start3A_309] : memref<10112x128xf32, #tpu.memory_space<vmem_shared>> -> memref<10112x128xf32, #tpu.memory_space<vmem_shared>>
    tpu.enqueue_indirect_dma source(%dma_start3A_304 : memref<32x128xf32, #tpu.memory_space<vmem>>) target(%dma_start3A_310 : memref<10112x128xf32, #tpu.memory_space<vmem_shared>>) offsets(%dma_start3A_307 : memref<32xi32, #tpu.memory_space<vmem>>) semaphore(%arg25 : memref<!tpu.dma_semaphore, #tpu.memory_space<semaphore_mem>>) {add = true}
    %dma_wait3A_311 = arith.constant 7 : i32
    %dma_wait3A_312 = arith.constant 7 : i32
    %dma_wait3A_313 = arith.constant 0 : i32
    %dma_wait3A_314 = arith.constant 0 : i32
    %dma_wait3A_315 = tpu.memref_slice %arg9[%dma_wait3A_312, %dma_wait3A_313, %dma_wait3A_314] : memref<8x32x128xf32, #tpu.memory_space<vmem>> -> memref<1x32x128xf32, #tpu.memory_space<vmem>>
    %dma_wait3A_316 = tpu.memref_squeeze %dma_wait3A_315 : memref<1x32x128xf32, #tpu.memory_space<vmem>> -> memref<32x128xf32, #tpu.memory_space<vmem>>
    %dma_wait3A_317 = arith.constant 0 : i32
    %dma_wait3A_318 = tpu.memref_slice %arg7[%dma_wait3A_311, %dma_wait3A_317] : memref<8x32xi32, #tpu.memory_space<vmem>> -> memref<1x32xi32, #tpu.memory_space<vmem>>
    %dma_wait3A_319 = tpu.memref_squeeze %dma_wait3A_318 : memref<1x32xi32, #tpu.memory_space<vmem>> -> memref<32xi32, #tpu.memory_space<vmem>>
    %dma_wait3A_320 = arith.constant 0 : i32
    %dma_wait3A_321 = arith.constant 0 : i32
    %dma_wait3A_322 = tpu.memref_slice %arg2[%dma_wait3A_320, %dma_wait3A_321] : memref<10000x128xf32, #tpu.memory_space<hbm>> -> memref<10000x128xf32, #tpu.memory_space<hbm>>
    tpu.wait_indirect_dma semaphore(%arg18 : memref<!tpu.dma_semaphore, #tpu.memory_space<semaphore_mem>>) src(%dma_wait3A_322 : memref<10000x128xf32, #tpu.memory_space<hbm>>) dst(%dma_wait3A_316 : memref<32x128xf32, #tpu.memory_space<vmem>>)
    %dma_start3A_323 = arith.constant 7 : i32
    %dma_start3A_324 = arith.constant 7 : i32
    %dma_start3A_325 = arith.constant 0 : i32
    %dma_start3A_326 = arith.constant 0 : i32
    %dma_start3A_327 = tpu.memref_slice %arg9[%dma_start3A_323, %dma_start3A_325, %dma_start3A_326] : memref<8x32x128xf32, #tpu.memory_space<vmem>> -> memref<1x32x128xf32, #tpu.memory_space<vmem>>
    %dma_start3A_328 = tpu.memref_squeeze %dma_start3A_327 : memref<1x32x128xf32, #tpu.memory_space<vmem>> -> memref<32x128xf32, #tpu.memory_space<vmem>>
    %dma_start3A_329 = arith.constant 0 : i32
    %dma_start3A_330 = tpu.memref_slice %arg8[%dma_start3A_324, %dma_start3A_329] : memref<8x32xi32, #tpu.memory_space<vmem>> -> memref<1x32xi32, #tpu.memory_space<vmem>>
    %dma_start3A_331 = tpu.memref_squeeze %dma_start3A_330 : memref<1x32xi32, #tpu.memory_space<vmem>> -> memref<32xi32, #tpu.memory_space<vmem>>
    %dma_start3A_332 = arith.constant 0 : i32
    %dma_start3A_333 = arith.constant 0 : i32
    %dma_start3A_334 = tpu.memref_slice %arg10[%dma_start3A_332, %dma_start3A_333] : memref<10112x128xf32, #tpu.memory_space<vmem_shared>> -> memref<10112x128xf32, #tpu.memory_space<vmem_shared>>
    tpu.enqueue_indirect_dma source(%dma_start3A_328 : memref<32x128xf32, #tpu.memory_space<vmem>>) target(%dma_start3A_334 : memref<10112x128xf32, #tpu.memory_space<vmem_shared>>) offsets(%dma_start3A_331 : memref<32xi32, #tpu.memory_space<vmem>>) semaphore(%arg26 : memref<!tpu.dma_semaphore, #tpu.memory_space<semaphore_mem>>) {add = true}
    %dma_wait3A_335 = arith.constant 0 : i32
    %dma_wait3A_336 = arith.constant 0 : i32
    %dma_wait3A_337 = arith.constant 0 : i32
    %dma_wait3A_338 = arith.constant 0 : i32
    %dma_wait3A_339 = tpu.memref_slice %arg9[%dma_wait3A_335, %dma_wait3A_337, %dma_wait3A_338] : memref<8x32x128xf32, #tpu.memory_space<vmem>> -> memref<1x32x128xf32, #tpu.memory_space<vmem>>
    %dma_wait3A_340 = tpu.memref_squeeze %dma_wait3A_339 : memref<1x32x128xf32, #tpu.memory_space<vmem>> -> memref<32x128xf32, #tpu.memory_space<vmem>>
    %dma_wait3A_341 = arith.constant 0 : i32
    %dma_wait3A_342 = tpu.memref_slice %arg8[%dma_wait3A_336, %dma_wait3A_341] : memref<8x32xi32, #tpu.memory_space<vmem>> -> memref<1x32xi32, #tpu.memory_space<vmem>>
    %dma_wait3A_343 = tpu.memref_squeeze %dma_wait3A_342 : memref<1x32xi32, #tpu.memory_space<vmem>> -> memref<32xi32, #tpu.memory_space<vmem>>
    %dma_wait3A_344 = arith.constant 0 : i32
    %dma_wait3A_345 = arith.constant 0 : i32
    %dma_wait3A_346 = tpu.memref_slice %arg10[%dma_wait3A_344, %dma_wait3A_345] : memref<10112x128xf32, #tpu.memory_space<vmem_shared>> -> memref<10112x128xf32, #tpu.memory_space<vmem_shared>>
    tpu.wait_indirect_dma semaphore(%arg19 : memref<!tpu.dma_semaphore, #tpu.memory_space<semaphore_mem>>) src(%dma_wait3A_340 : memref<32x128xf32, #tpu.memory_space<vmem>>) dst(%dma_wait3A_346 : memref<10112x128xf32, #tpu.memory_space<vmem_shared>>)
    %dma_wait3A_347 = arith.constant 1 : i32
    %dma_wait3A_348 = arith.constant 1 : i32
    %dma_wait3A_349 = arith.constant 0 : i32
    %dma_wait3A_350 = arith.constant 0 : i32
    %dma_wait3A_351 = tpu.memref_slice %arg9[%dma_wait3A_347, %dma_wait3A_349, %dma_wait3A_350] : memref<8x32x128xf32, #tpu.memory_space<vmem>> -> memref<1x32x128xf32, #tpu.memory_space<vmem>>
    %dma_wait3A_352 = tpu.memref_squeeze %dma_wait3A_351 : memref<1x32x128xf32, #tpu.memory_space<vmem>> -> memref<32x128xf32, #tpu.memory_space<vmem>>
    %dma_wait3A_353 = arith.constant 0 : i32
    %dma_wait3A_354 = tpu.memref_slice %arg8[%dma_wait3A_348, %dma_wait3A_353] : memref<8x32xi32, #tpu.memory_space<vmem>> -> memref<1x32xi32, #tpu.memory_space<vmem>>
    %dma_wait3A_355 = tpu.memref_squeeze %dma_wait3A_354 : memref<1x32xi32, #tpu.memory_space<vmem>> -> memref<32xi32, #tpu.memory_space<vmem>>
    %dma_wait3A_356 = arith.constant 0 : i32
    %dma_wait3A_357 = arith.constant 0 : i32
    %dma_wait3A_358 = tpu.memref_slice %arg10[%dma_wait3A_356, %dma_wait3A_357] : memref<10112x128xf32, #tpu.memory_space<vmem_shared>> -> memref<10112x128xf32, #tpu.memory_space<vmem_shared>>
    tpu.wait_indirect_dma semaphore(%arg20 : memref<!tpu.dma_semaphore, #tpu.memory_space<semaphore_mem>>) src(%dma_wait3A_352 : memref<32x128xf32, #tpu.memory_space<vmem>>) dst(%dma_wait3A_358 : memref<10112x128xf32, #tpu.memory_space<vmem_shared>>)
    %dma_wait3A_359 = arith.constant 2 : i32
    %dma_wait3A_360 = arith.constant 2 : i32
    %dma_wait3A_361 = arith.constant 0 : i32
    %dma_wait3A_362 = arith.constant 0 : i32
    %dma_wait3A_363 = tpu.memref_slice %arg9[%dma_wait3A_359, %dma_wait3A_361, %dma_wait3A_362] : memref<8x32x128xf32, #tpu.memory_space<vmem>> -> memref<1x32x128xf32, #tpu.memory_space<vmem>>
    %dma_wait3A_364 = tpu.memref_squeeze %dma_wait3A_363 : memref<1x32x128xf32, #tpu.memory_space<vmem>> -> memref<32x128xf32, #tpu.memory_space<vmem>>
    %dma_wait3A_365 = arith.constant 0 : i32
    %dma_wait3A_366 = tpu.memref_slice %arg8[%dma_wait3A_360, %dma_wait3A_365] : memref<8x32xi32, #tpu.memory_space<vmem>> -> memref<1x32xi32, #tpu.memory_space<vmem>>
    %dma_wait3A_367 = tpu.memref_squeeze %dma_wait3A_366 : memref<1x32xi32, #tpu.memory_space<vmem>> -> memref<32xi32, #tpu.memory_space<vmem>>
    %dma_wait3A_368 = arith.constant 0 : i32
    %dma_wait3A_369 = arith.constant 0 : i32
    %dma_wait3A_370 = tpu.memref_slice %arg10[%dma_wait3A_368, %dma_wait3A_369] : memref<10112x128xf32, #tpu.memory_space<vmem_shared>> -> memref<10112x128xf32, #tpu.memory_space<vmem_shared>>
    tpu.wait_indirect_dma semaphore(%arg21 : memref<!tpu.dma_semaphore, #tpu.memory_space<semaphore_mem>>) src(%dma_wait3A_364 : memref<32x128xf32, #tpu.memory_space<vmem>>) dst(%dma_wait3A_370 : memref<10112x128xf32, #tpu.memory_space<vmem_shared>>)
    %dma_wait3A_371 = arith.constant 3 : i32
    %dma_wait3A_372 = arith.constant 3 : i32
    %dma_wait3A_373 = arith.constant 0 : i32
    %dma_wait3A_374 = arith.constant 0 : i32
    %dma_wait3A_375 = tpu.memref_slice %arg9[%dma_wait3A_371, %dma_wait3A_373, %dma_wait3A_374] : memref<8x32x128xf32, #tpu.memory_space<vmem>> -> memref<1x32x128xf32, #tpu.memory_space<vmem>>
    %dma_wait3A_376 = tpu.memref_squeeze %dma_wait3A_375 : memref<1x32x128xf32, #tpu.memory_space<vmem>> -> memref<32x128xf32, #tpu.memory_space<vmem>>
    %dma_wait3A_377 = arith.constant 0 : i32
    %dma_wait3A_378 = tpu.memref_slice %arg8[%dma_wait3A_372, %dma_wait3A_377] : memref<8x32xi32, #tpu.memory_space<vmem>> -> memref<1x32xi32, #tpu.memory_space<vmem>>
    %dma_wait3A_379 = tpu.memref_squeeze %dma_wait3A_378 : memref<1x32xi32, #tpu.memory_space<vmem>> -> memref<32xi32, #tpu.memory_space<vmem>>
    %dma_wait3A_380 = arith.constant 0 : i32
    %dma_wait3A_381 = arith.constant 0 : i32
    %dma_wait3A_382 = tpu.memref_slice %arg10[%dma_wait3A_380, %dma_wait3A_381] : memref<10112x128xf32, #tpu.memory_space<vmem_shared>> -> memref<10112x128xf32, #tpu.memory_space<vmem_shared>>
    tpu.wait_indirect_dma semaphore(%arg22 : memref<!tpu.dma_semaphore, #tpu.memory_space<semaphore_mem>>) src(%dma_wait3A_376 : memref<32x128xf32, #tpu.memory_space<vmem>>) dst(%dma_wait3A_382 : memref<10112x128xf32, #tpu.memory_space<vmem_shared>>)
    %dma_wait3A_383 = arith.constant 4 : i32
    %dma_wait3A_384 = arith.constant 4 : i32
    %dma_wait3A_385 = arith.constant 0 : i32
    %dma_wait3A_386 = arith.constant 0 : i32
    %dma_wait3A_387 = tpu.memref_slice %arg9[%dma_wait3A_383, %dma_wait3A_385, %dma_wait3A_386] : memref<8x32x128xf32, #tpu.memory_space<vmem>> -> memref<1x32x128xf32, #tpu.memory_space<vmem>>
    %dma_wait3A_388 = tpu.memref_squeeze %dma_wait3A_387 : memref<1x32x128xf32, #tpu.memory_space<vmem>> -> memref<32x128xf32, #tpu.memory_space<vmem>>
    %dma_wait3A_389 = arith.constant 0 : i32
    %dma_wait3A_390 = tpu.memref_slice %arg8[%dma_wait3A_384, %dma_wait3A_389] : memref<8x32xi32, #tpu.memory_space<vmem>> -> memref<1x32xi32, #tpu.memory_space<vmem>>
    %dma_wait3A_391 = tpu.memref_squeeze %dma_wait3A_390 : memref<1x32xi32, #tpu.memory_space<vmem>> -> memref<32xi32, #tpu.memory_space<vmem>>
    %dma_wait3A_392 = arith.constant 0 : i32
    %dma_wait3A_393 = arith.constant 0 : i32
    %dma_wait3A_394 = tpu.memref_slice %arg10[%dma_wait3A_392, %dma_wait3A_393] : memref<10112x128xf32, #tpu.memory_space<vmem_shared>> -> memref<10112x128xf32, #tpu.memory_space<vmem_shared>>
    tpu.wait_indirect_dma semaphore(%arg23 : memref<!tpu.dma_semaphore, #tpu.memory_space<semaphore_mem>>) src(%dma_wait3A_388 : memref<32x128xf32, #tpu.memory_space<vmem>>) dst(%dma_wait3A_394 : memref<10112x128xf32, #tpu.memory_space<vmem_shared>>)
    %dma_wait3A_395 = arith.constant 5 : i32
    %dma_wait3A_396 = arith.constant 5 : i32
    %dma_wait3A_397 = arith.constant 0 : i32
    %dma_wait3A_398 = arith.constant 0 : i32
    %dma_wait3A_399 = tpu.memref_slice %arg9[%dma_wait3A_395, %dma_wait3A_397, %dma_wait3A_398] : memref<8x32x128xf32, #tpu.memory_space<vmem>> -> memref<1x32x128xf32, #tpu.memory_space<vmem>>
    %dma_wait3A_400 = tpu.memref_squeeze %dma_wait3A_399 : memref<1x32x128xf32, #tpu.memory_space<vmem>> -> memref<32x128xf32, #tpu.memory_space<vmem>>
    %dma_wait3A_401 = arith.constant 0 : i32
    %dma_wait3A_402 = tpu.memref_slice %arg8[%dma_wait3A_396, %dma_wait3A_401] : memref<8x32xi32, #tpu.memory_space<vmem>> -> memref<1x32xi32, #tpu.memory_space<vmem>>
    %dma_wait3A_403 = tpu.memref_squeeze %dma_wait3A_402 : memref<1x32xi32, #tpu.memory_space<vmem>> -> memref<32xi32, #tpu.memory_space<vmem>>
    %dma_wait3A_404 = arith.constant 0 : i32
    %dma_wait3A_405 = arith.constant 0 : i32
    %dma_wait3A_406 = tpu.memref_slice %arg10[%dma_wait3A_404, %dma_wait3A_405] : memref<10112x128xf32, #tpu.memory_space<vmem_shared>> -> memref<10112x128xf32, #tpu.memory_space<vmem_shared>>
    tpu.wait_indirect_dma semaphore(%arg24 : memref<!tpu.dma_semaphore, #tpu.memory_space<semaphore_mem>>) src(%dma_wait3A_400 : memref<32x128xf32, #tpu.memory_space<vmem>>) dst(%dma_wait3A_406 : memref<10112x128xf32, #tpu.memory_space<vmem_shared>>)
    %dma_wait3A_407 = arith.constant 6 : i32
    %dma_wait3A_408 = arith.constant 6 : i32
    %dma_wait3A_409 = arith.constant 0 : i32
    %dma_wait3A_410 = arith.constant 0 : i32
    %dma_wait3A_411 = tpu.memref_slice %arg9[%dma_wait3A_407, %dma_wait3A_409, %dma_wait3A_410] : memref<8x32x128xf32, #tpu.memory_space<vmem>> -> memref<1x32x128xf32, #tpu.memory_space<vmem>>
    %dma_wait3A_412 = tpu.memref_squeeze %dma_wait3A_411 : memref<1x32x128xf32, #tpu.memory_space<vmem>> -> memref<32x128xf32, #tpu.memory_space<vmem>>
    %dma_wait3A_413 = arith.constant 0 : i32
    %dma_wait3A_414 = tpu.memref_slice %arg8[%dma_wait3A_408, %dma_wait3A_413] : memref<8x32xi32, #tpu.memory_space<vmem>> -> memref<1x32xi32, #tpu.memory_space<vmem>>
    %dma_wait3A_415 = tpu.memref_squeeze %dma_wait3A_414 : memref<1x32xi32, #tpu.memory_space<vmem>> -> memref<32xi32, #tpu.memory_space<vmem>>
    %dma_wait3A_416 = arith.constant 0 : i32
    %dma_wait3A_417 = arith.constant 0 : i32
    %dma_wait3A_418 = tpu.memref_slice %arg10[%dma_wait3A_416, %dma_wait3A_417] : memref<10112x128xf32, #tpu.memory_space<vmem_shared>> -> memref<10112x128xf32, #tpu.memory_space<vmem_shared>>
    tpu.wait_indirect_dma semaphore(%arg25 : memref<!tpu.dma_semaphore, #tpu.memory_space<semaphore_mem>>) src(%dma_wait3A_412 : memref<32x128xf32, #tpu.memory_space<vmem>>) dst(%dma_wait3A_418 : memref<10112x128xf32, #tpu.memory_space<vmem_shared>>)
    %dma_wait3A_419 = arith.constant 7 : i32
    %dma_wait3A_420 = arith.constant 7 : i32
    %dma_wait3A_421 = arith.constant 0 : i32
    %dma_wait3A_422 = arith.constant 0 : i32
    %dma_wait3A_423 = tpu.memref_slice %arg9[%dma_wait3A_419, %dma_wait3A_421, %dma_wait3A_422] : memref<8x32x128xf32, #tpu.memory_space<vmem>> -> memref<1x32x128xf32, #tpu.memory_space<vmem>>
    %dma_wait3A_424 = tpu.memref_squeeze %dma_wait3A_423 : memref<1x32x128xf32, #tpu.memory_space<vmem>> -> memref<32x128xf32, #tpu.memory_space<vmem>>
    %dma_wait3A_425 = arith.constant 0 : i32
    %dma_wait3A_426 = tpu.memref_slice %arg8[%dma_wait3A_420, %dma_wait3A_425] : memref<8x32xi32, #tpu.memory_space<vmem>> -> memref<1x32xi32, #tpu.memory_space<vmem>>
    %dma_wait3A_427 = tpu.memref_squeeze %dma_wait3A_426 : memref<1x32xi32, #tpu.memory_space<vmem>> -> memref<32xi32, #tpu.memory_space<vmem>>
    %dma_wait3A_428 = arith.constant 0 : i32
    %dma_wait3A_429 = arith.constant 0 : i32
    %dma_wait3A_430 = tpu.memref_slice %arg10[%dma_wait3A_428, %dma_wait3A_429] : memref<10112x128xf32, #tpu.memory_space<vmem_shared>> -> memref<10112x128xf32, #tpu.memory_space<vmem_shared>>
    tpu.wait_indirect_dma semaphore(%arg26 : memref<!tpu.dma_semaphore, #tpu.memory_space<semaphore_mem>>) src(%dma_wait3A_424 : memref<32x128xf32, #tpu.memory_space<vmem>>) dst(%dma_wait3A_430 : memref<10112x128xf32, #tpu.memory_space<vmem_shared>>)
    %barrier3A_431 = arith.constant 0 : index
    tpu.barrier barrier_id(%barrier3A_431)
    %mul3A_432 = arith.constant 624 : i32
    %mul3A_433 = arith.muli %arg1, %mul3A_432 : i32
    %mul3A_434 = arith.constant 624 : i32
    %mul3A_435 = arith.muli %arg1, %mul3A_434 : i32
    "tpu.region"() ({
      %run_scoped3A = tpu.sem_alloc : memref<!tpu.dma_semaphore, #tpu.memory_space<semaphore_mem>>
      %dma_start3A_438 = arith.constant 0 : i32
      %dma_start3A_439 = tpu.memref_slice %arg5[%arg0, %mul3A_435, %dma_start3A_438] : memref<2x10000x128xf32, #tpu.memory_space<hbm>> -> memref<1x624x128xf32, #tpu.memory_space<hbm>>
      %dma_start3A_440 = tpu.memref_squeeze %dma_start3A_439 : memref<1x624x128xf32, #tpu.memory_space<hbm>> -> memref<624x128xf32, #tpu.memory_space<hbm>>
      %dma_start3A_441 = arith.constant 0 : i32
      %dma_start3A_442 = tpu.memref_slice %arg10[%mul3A_433, %dma_start3A_441] : memref<10112x128xf32, #tpu.memory_space<vmem_shared>> -> memref<624x128xf32, #tpu.memory_space<vmem_shared>>
      tpu.enqueue_dma source(%dma_start3A_442 : memref<624x128xf32, #tpu.memory_space<vmem_shared>>) target(%dma_start3A_440 : memref<624x128xf32, #tpu.memory_space<hbm>>) target_semaphore(%run_scoped3A : memref<!tpu.dma_semaphore, #tpu.memory_space<semaphore_mem>>)
      %dma_wait3A_443 = arith.constant 0 : i32
      %dma_wait3A_444 = tpu.memref_slice %arg5[%arg0, %mul3A_435, %dma_wait3A_443] : memref<2x10000x128xf32, #tpu.memory_space<hbm>> -> memref<1x624x128xf32, #tpu.memory_space<hbm>>
      %dma_wait3A_445 = tpu.memref_squeeze %dma_wait3A_444 : memref<1x624x128xf32, #tpu.memory_space<hbm>> -> memref<624x128xf32, #tpu.memory_space<hbm>>
      %dma_wait3A_446 = arith.constant 0 : i32
      %dma_wait3A_447 = tpu.memref_slice %arg10[%mul3A_433, %dma_wait3A_446] : memref<10112x128xf32, #tpu.memory_space<vmem_shared>> -> memref<624x128xf32, #tpu.memory_space<vmem_shared>>
      tpu.wait_dma2 semaphore(%run_scoped3A : memref<!tpu.dma_semaphore, #tpu.memory_space<semaphore_mem>>) src(%dma_wait3A_447 : memref<624x128xf32, #tpu.memory_space<vmem_shared>>) dst(%dma_wait3A_445 : memref<624x128xf32, #tpu.memory_space<hbm>>)
      tpu.yield
    }) : () -> ()
    %eq3A = arith.constant 0 : i32
    %eq3A_436 = arith.cmpi eq, %arg1, %eq3A : i32
    %convert_element_type3A = arith.extui %eq3A_436 : i1 to i32
    %cond3A = arith.constant 0 : i32
    %cond3A_437 = arith.cmpi ne, %convert_element_type3A, %cond3A : i32
    scf.if %cond3A_437 {
      "tpu.region"() ({
        %run_scoped3A = tpu.sem_alloc : memref<!tpu.dma_semaphore, #tpu.memory_space<semaphore_mem>>
        %dma_start3A_438 = arith.constant 9984 : i32
        %dma_start3A_439 = arith.constant 0 : i32
        %dma_start3A_440 = tpu.memref_slice %arg5[%arg0, %dma_start3A_438, %dma_start3A_439] : memref<2x10000x128xf32, #tpu.memory_space<hbm>> -> memref<1x16x128xf32, #tpu.memory_space<hbm>>
        %dma_start3A_441 = tpu.memref_squeeze %dma_start3A_440 : memref<1x16x128xf32, #tpu.memory_space<hbm>> -> memref<16x128xf32, #tpu.memory_space<hbm>>
        %dma_start3A_442 = arith.constant 9984 : i32
        %dma_start3A_443 = arith.constant 0 : i32
        %dma_start3A_444 = tpu.memref_slice %arg10[%dma_start3A_442, %dma_start3A_443] : memref<10112x128xf32, #tpu.memory_space<vmem_shared>> -> memref<16x128xf32, #tpu.memory_space<vmem_shared>>
        tpu.enqueue_dma source(%dma_start3A_444 : memref<16x128xf32, #tpu.memory_space<vmem_shared>>) target(%dma_start3A_441 : memref<16x128xf32, #tpu.memory_space<hbm>>) target_semaphore(%run_scoped3A : memref<!tpu.dma_semaphore, #tpu.memory_space<semaphore_mem>>)
        %dma_wait3A_445 = arith.constant 9984 : i32
        %dma_wait3A_446 = arith.constant 0 : i32
        %dma_wait3A_447 = tpu.memref_slice %arg5[%arg0, %dma_wait3A_445, %dma_wait3A_446] : memref<2x10000x128xf32, #tpu.memory_space<hbm>> -> memref<1x16x128xf32, #tpu.memory_space<hbm>>
        %dma_wait3A_448 = tpu.memref_squeeze %dma_wait3A_447 : memref<1x16x128xf32, #tpu.memory_space<hbm>> -> memref<16x128xf32, #tpu.memory_space<hbm>>
        %dma_wait3A_449 = arith.constant 9984 : i32
        %dma_wait3A_450 = arith.constant 0 : i32
        %dma_wait3A_451 = tpu.memref_slice %arg10[%dma_wait3A_449, %dma_wait3A_450] : memref<10112x128xf32, #tpu.memory_space<vmem_shared>> -> memref<16x128xf32, #tpu.memory_space<vmem_shared>>
        tpu.wait_dma2 semaphore(%run_scoped3A : memref<!tpu.dma_semaphore, #tpu.memory_space<semaphore_mem>>) src(%dma_wait3A_451 : memref<16x128xf32, #tpu.memory_space<vmem_shared>>) dst(%dma_wait3A_448 : memref<16x128xf32, #tpu.memory_space<hbm>>)
        tpu.yield
      }) : () -> ()
    } else {
    }
    return
  }
}

module attributes {stable_mosaic.version = 14 : i64} {
  func.func @_pack_body(%arg0: i32, %arg1: memref<2x40960xi32, #tpu.memory_space<vmem>>, %arg2: memref<320x128xi32, #tpu.memory_space<vmem>>) attributes {dimension_semantics = [#tpu.dimension_semantics<arbitrary>], iteration_bounds = array<i64: 8>, scalar_prefetch = 0 : i64, scratch_operands = 0 : i64, tpu.core_type = #tpu.core_type<tc>, window_params = [{transform_indices = @transform_0, window_bounds = array<i64: 2, 40960>}, {transform_indices = @transform_1, window_bounds = array<i64: 320, 128>}]} {
    %get3A = arith.constant 0 : index
    %get3A_0 = arith.constant 0 : index
    %get3A_1 = vector.load %arg1[%get3A, %get3A_0] : memref<2x40960xi32, #tpu.memory_space<vmem>>, vector<1x40960xi32>
    %reshape3A = vector.shape_cast %get3A_1 : vector<1x40960xi32> to vector<320x128xi32>
    %get3A_2 = arith.constant 1 : index
    %get3A_3 = arith.constant 0 : index
    %get3A_4 = vector.load %arg1[%get3A_2, %get3A_3] : memref<2x40960xi32, #tpu.memory_space<vmem>>, vector<1x40960xi32>
    %reshape3A_5 = vector.shape_cast %get3A_4 : vector<1x40960xi32> to vector<320x128xi32>
    %shift_left3A = arith.constant 14 : i32
    %shift_left3A_6 = vector.broadcast %shift_left3A : i32 to vector<320x128xi32>
    %shift_left3A_7 = arith.shli %reshape3A, %shift_left3A_6 : vector<320x128xi32>
    %or3A = arith.ori %shift_left3A_7, %reshape3A_5 : vector<320x128xi32>
    %swap3A = arith.constant 0 : index
    %swap3A_8 = arith.constant 0 : index
    %swap3A_9 = vector.load %arg2[%swap3A, %swap3A_8] : memref<320x128xi32, #tpu.memory_space<vmem>>, vector<320x128xi32>
    tpu.vector_store %arg2[%swap3A, %swap3A_8], %or3A {strides = array<i32>} : memref<320x128xi32, #tpu.memory_space<vmem>>, vector<320x128xi32>,
    return
  }
  func.func @transform_0(%arg0: i32) -> (i32, i32) {
    %c0_i32 = arith.constant 0 : i32
    %c0_i32_0 = arith.constant 0 : i32
    return %c0_i32, %arg0 : i32, i32
  }
  func.func @transform_1(%arg0: i32) -> (i32, i32) {
    %c0_i32 = arith.constant 0 : i32
    %c0_i32_0 = arith.constant 0 : i32
    return %arg0, %c0_i32 : i32, i32
  }
}

module attributes {stable_mosaic.version = 14 : i64} {
  func.func @_mlp_body(%arg0: i32, %arg1: memref<2000x128xf32, #tpu.memory_space<vmem>>, %arg2: memref<2x2000x128xf32, #tpu.memory_space<vmem>>, %arg3: memref<128x128xf32, #tpu.memory_space<vmem>>, %arg4: memref<1x128xf32, #tpu.memory_space<vmem>>, %arg5: memref<128x128xf32, #tpu.memory_space<vmem>>, %arg6: memref<1x128xf32, #tpu.memory_space<vmem>>, %arg7: memref<1xf32, #tpu.memory_space<smem>>, %arg8: memref<2000x128xf32, #tpu.memory_space<vmem>>) attributes {dimension_semantics = [#tpu.dimension_semantics<parallel>], iteration_bounds = array<i64: 5>, scalar_prefetch = 0 : i64, scratch_operands = 0 : i64, tpu.core_type = #tpu.core_type<tc>, window_params = [{transform_indices = @transform_0, window_bounds = array<i64: 2000, 128>}, {transform_indices = @transform_1, window_bounds = array<i64: 2, 2000, 128>}, {pipeline_mode = #tpu.pipeline_mode<synchronous>, transform_indices = @transform_2, window_bounds = array<i64: 128, 128>}, {pipeline_mode = #tpu.pipeline_mode<synchronous>, transform_indices = @transform_3, window_bounds = array<i64: 1, 128>}, {pipeline_mode = #tpu.pipeline_mode<synchronous>, transform_indices = @transform_4, window_bounds = array<i64: 128, 128>}, {pipeline_mode = #tpu.pipeline_mode<synchronous>, transform_indices = @transform_5, window_bounds = array<i64: 1, 128>}, {transform_indices = @transform_6, window_bounds = array<i64: 1>}, {transform_indices = @transform_7, window_bounds = array<i64: 2000, 128>}]} {
    %get3A = arith.constant 0 : index
    %get3A_0 = arith.constant 0 : index
    %get3A_1 = vector.load %arg1[%get3A, %get3A_0] : memref<2000x128xf32, #tpu.memory_space<vmem>>, vector<2000x128xf32>
    %get3A_2 = arith.constant 0 : index
    %get3A_3 = memref.load %arg7[%get3A_2] : memref<1xf32, #tpu.memory_space<smem>>
    %add3A = arith.constant 1.000000e+00 : f32
    %add3A_4 = arith.addf %add3A, %get3A_3 : f32
    %mul3A = vector.broadcast %add3A_4 : f32 to vector<2000x128xf32>
    %mul3A_5 = arith.mulf %get3A_1, %mul3A : vector<2000x128xf32>
    %get3A_6 = arith.constant 0 : index
    %get3A_7 = arith.constant 0 : index
    %get3A_8 = arith.constant 0 : index
    %get3A_9 = vector.load %arg2[%get3A_6, %get3A_7, %get3A_8] : memref<2x2000x128xf32, #tpu.memory_space<vmem>>, vector<1x2000x128xf32>
    %get3A_10 = vector.shape_cast %get3A_9 : vector<1x2000x128xf32> to vector<2000x128xf32>
    %add3A_11 = arith.addf %mul3A_5, %get3A_10 : vector<2000x128xf32>
    %get3A_12 = arith.constant 1 : index
    %get3A_13 = arith.constant 0 : index
    %get3A_14 = arith.constant 0 : index
    %get3A_15 = vector.load %arg2[%get3A_12, %get3A_13, %get3A_14] : memref<2x2000x128xf32, #tpu.memory_space<vmem>>, vector<1x2000x128xf32>
    %get3A_16 = vector.shape_cast %get3A_15 : vector<1x2000x128xf32> to vector<2000x128xf32>
    %add3A_17 = arith.addf %add3A_11, %get3A_16 : vector<2000x128xf32>
    %convert_element_type3A = arith.truncf %add3A_17 : vector<2000x128xf32> to vector<2000x128xbf16>
    %get3A_18 = arith.constant 0 : index
    %get3A_19 = arith.constant 0 : index
    %get3A_20 = vector.load %arg3[%get3A_18, %get3A_19] : memref<128x128xf32, #tpu.memory_space<vmem>>, vector<128x128xf32>
    %convert_element_type3A_21 = arith.truncf %get3A_20 : vector<128x128xf32> to vector<128x128xbf16>
    %dot_general3A = arith.constant dense<0.000000e+00> : vector<2000x128xf32>
    %dot_general3A_22 = tpu.matmul %convert_element_type3A, %convert_element_type3A_21, %dot_general3A {dimension_numbers = #tpu.dot_dimension_numbers<[1], [0], [0], [1], [0, 0, 1, 1], [], []>, transpose_lhs_hint = false} : vector<2000x128xbf16>, vector<128x128xbf16>, vector<2000x128xf32> -> vector<2000x128xf32>
    %get3A_23 = arith.constant 0 : index
    %get3A_24 = arith.constant 0 : index
    %get3A_25 = vector.load %arg4[%get3A_23, %get3A_24] : memref<1x128xf32, #tpu.memory_space<vmem>>, vector<1x128xf32>
    %add3A_26 = vector.broadcast %get3A_25 : vector<1x128xf32> to vector<2000x128xf32>
    %add3A_27 = arith.addf %dot_general3A_22, %add3A_26 : vector<2000x128xf32>
    %max3A = arith.constant 0.000000e+00 : f32
    %max3A_28 = vector.broadcast %max3A : f32 to vector<2000x128xf32>
    %max3A_29 = arith.maximumf %add3A_27, %max3A_28 : vector<2000x128xf32>
    %convert_element_type3A_30 = arith.truncf %max3A_29 : vector<2000x128xf32> to vector<2000x128xbf16>
    %get3A_31 = arith.constant 0 : index
    %get3A_32 = arith.constant 0 : index
    %get3A_33 = vector.load %arg5[%get3A_31, %get3A_32] : memref<128x128xf32, #tpu.memory_space<vmem>>, vector<128x128xf32>
    %convert_element_type3A_34 = arith.truncf %get3A_33 : vector<128x128xf32> to vector<128x128xbf16>
    %dot_general3A_35 = arith.constant dense<0.000000e+00> : vector<2000x128xf32>
    %dot_general3A_36 = tpu.matmul %convert_element_type3A_30, %convert_element_type3A_34, %dot_general3A_35 {dimension_numbers = #tpu.dot_dimension_numbers<[1], [0], [0], [1], [0, 0, 1, 1], [], []>, transpose_lhs_hint = false} : vector<2000x128xbf16>, vector<128x128xbf16>, vector<2000x128xf32> -> vector<2000x128xf32>
    %get3A_37 = arith.constant 0 : index
    %get3A_38 = arith.constant 0 : index
    %get3A_39 = vector.load %arg6[%get3A_37, %get3A_38] : memref<1x128xf32, #tpu.memory_space<vmem>>, vector<1x128xf32>
    %add3A_40 = vector.broadcast %get3A_39 : vector<1x128xf32> to vector<2000x128xf32>
    %add3A_41 = arith.addf %dot_general3A_36, %add3A_40 : vector<2000x128xf32>
    %swap3A = arith.constant 0 : index
    %swap3A_42 = arith.constant 0 : index
    %swap3A_43 = vector.load %arg8[%swap3A, %swap3A_42] : memref<2000x128xf32, #tpu.memory_space<vmem>>, vector<2000x128xf32>
    tpu.vector_store %arg8[%swap3A, %swap3A_42], %add3A_41 {strides = array<i32>} : memref<2000x128xf32, #tpu.memory_space<vmem>>, vector<2000x128xf32>,
    return
  }
  func.func @transform_0(%arg0: i32) -> (i32, i32) {
    %c0_i32 = arith.constant 0 : i32
    %c0_i32_0 = arith.constant 0 : i32
    return %arg0, %c0_i32 : i32, i32
  }
  func.func @transform_1(%arg0: i32) -> (i32, i32, i32) {
    %c0_i32 = arith.constant 0 : i32
    %c0_i32_0 = arith.constant 0 : i32
    %c0_i32_1 = arith.constant 0 : i32
    return %c0_i32, %arg0, %c0_i32_0 : i32, i32, i32
  }
  func.func @transform_2(%arg0: i32) -> (i32, i32) {
    %c0_i32 = arith.constant 0 : i32
    %c0_i32_0 = arith.constant 0 : i32
    %c0_i32_1 = arith.constant 0 : i32
    return %c0_i32, %c0_i32_0 : i32, i32
  }
  func.func @transform_3(%arg0: i32) -> (i32, i32) {
    %c0_i32 = arith.constant 0 : i32
    %c0_i32_0 = arith.constant 0 : i32
    %c0_i32_1 = arith.constant 0 : i32
    return %c0_i32, %c0_i32_0 : i32, i32
  }
  func.func @transform_4(%arg0: i32) -> (i32, i32) {
    %c0_i32 = arith.constant 0 : i32
    %c0_i32_0 = arith.constant 0 : i32
    %c0_i32_1 = arith.constant 0 : i32
    return %c0_i32, %c0_i32_0 : i32, i32
  }
  func.func @transform_5(%arg0: i32) -> (i32, i32) {
    %c0_i32 = arith.constant 0 : i32
    %c0_i32_0 = arith.constant 0 : i32
    %c0_i32_1 = arith.constant 0 : i32
    return %c0_i32, %c0_i32_0 : i32, i32
  }
  func.func @transform_6(%arg0: i32) -> i32 {
    %c0_i32 = arith.constant 0 : i32
    %c0_i32_0 = arith.constant 0 : i32
    return %c0_i32 : i32
  }
  func.func @transform_7(%arg0: i32) -> (i32, i32) {
    %c0_i32 = arith.constant 0 : i32
    %c0_i32_0 = arith.constant 0 : i32
    return %arg0, %c0_i32 : i32, i32
  }
}

</mosaic_0001>

<sc_bundles>
// kernel: kernel.5.cloned.1.call-start
scs
__scs_entry_jumppad:
0x0: {  	(pc) =	sbr.rel $0x88, $3  }
0x1: {  	(tag) =	ssettag $0x0;
	lr =	simm.s32 $0x1  }
0x2: {  	[smem:$0x3F9A] =	sst lr;
	_ =	strace $0xD0000000  }
0x3: {  	_ = 	snop  }
0x4: {  	_ = 	snop  }
0x5: {  	_ = 	snop  }
0x6: {  	_ = 	snop  }
0x7: {  	_ = 	snop  }
__scs_overlays_trampoline_lowered:
0x8: {  	[smem:$0x3FA9] =	sst s0  }
0x9: {  	[smem:$0x3FAA] =	sst s1  }
0xa: {  	[smem:$0x3FAB] =	sst s2  }
0xb: {  	[smem:$0x3FAC] =	sst s3  }
0xc: {  	[smem:$0x3FAD] =	sst s4  }
0xd: {  	[smem:$0x3FAE] =	sst s5  }
0xe: {  	[smem:$0x3FAF] =	sst s6  }
0xf: {  	[smem:$0x3FB0] =	sst s7  }
0x10: {  	[smem:$0x3FB1] =	sst s8  }
0x11: {  	[smem:$0x3FB2] =	sst s9;
	s0 =	simm.s32 @!p0 $0x0  }
0x12: {  	s1 =	sld [smem:$0x3F98];
	s0 =	simm.s32 @p0 $0x1  }
0x13: {  	[smem:$0x3FB3] =	sst s0;
	s0 =	simm.s32 @!p1 $0x0  }
0x14: {  	s2 =	sld [smem:$0x3F97];
	s0 =	simm.s32 @p1 $0x1  }
0x15: {  	[smem:$0x3FB4] =	sst s0;
	s0 =	simm.s32 @!p2 $0x0  }
0x16: {  	s3 =	sld [smem:$0x3FDB];
	s0 =	simm.s32 @p2 $0x1  }
0x17: {  	s4 =	simm.s32 $0x1BF5;
	[smem:$0x3FB6] =	sst s0  }
0x18: {  	s0 =	sld [smem:$0x3F99];
	_ =	swait.ge [sflag:s4], $0x0  }
0x19: {  	s7 =	sld [smem:$0x3F9A]  }
0x1a: {  	s8 =	sadd.s32 $0xFFFFE003, lr  }
0x1b: {  	s9 =	sadd.s32 $0xFFFFFEF7, lr;
	s5 =	simm.s32 $0xFFFFFFFF;
	p2 =	slt.u32 s8, $0xFFFFF086  }
0x1c: {  	p1 =	slt.u32 s9, $0xF7A;
	s5 =	simm.s32 @!p2 $0x0  }
0x1d: {  	s5 =	simm.s32 @p1 $0x1;
	p0 =	seq.s32 s7, s2  }
0x1e: {  	s7 =	smul.u32 @!p0 $0xF7A, s2;
	p2 =	seq.s32 @!p0 s5, $0x0  }
0x1f: {  	s9 =	smul.u32 $0xF7A, s1;
	s8 =	simm.s32 @!p0 $0x1BF5;
	p2 =	por !p2, p0  }
0x20: {  	[sflag:s8] =	ssyncset.s32 @!p0 $0xFFFFF086;
	s6 =	sadd.s32 @!p0 s3, s7;
	s7 =	simm.s32 @!p0 $0x108  }
0x21: {  	s3 =	sadd.s32 s3, s9;
	s6 =	sadd.s32 @!p0 $0x88, s6;
	s7 =	simm.s32 @p2 $0x1082  }
0x22: {  	[simem:s7], [sflag:s8] =	dma.local @!p0 [hbm:s6], $0xF7A  }
0x23: {  	s9 =	sor.u32 $0xD0000000, s2;
	s6 =	simm.s32 $0x108;
	_ =	swait.ge @!p0 [sflag:s8], $0x0  }
0x24: {  	s3 =	sadd.s32 $0x88, s3;
	s6 =	simm.s32 @!p1 $0x1082;
	[sflag:s4] =	ssyncset.s32 $0xFFFFF086  }
0x25: {  	[simem:s6], [sflag:s4] =	dma.local [hbm:s3], $0xF7A  }
0x26: {  	[smem:$0x3F9A] =	sst s1;
	(tag) =	ssettag s2;
	_ =	strace s9  }
0x27: {  	s1 =	sld [smem:$0x3FAA]  }
0x28: {  	s2 =	sld [smem:$0x3FAB]  }
0x29: {  	s4 =	sld [smem:$0x3FAD]  }
0x2a: {  	p0 =	seq.s32 s5, $0x0;
	s5 =	sld [smem:$0x3FAE]  }
0x2b: {  	s6 =	sld [smem:$0x3FAF]  }
0x2c: {  	s7 =	sld [smem:$0x3FB0]  }
0x2d: {  	s3 =	simm.s32 $0x108;
	s8 =	sld [smem:$0x3FB1]  }
0x2e: {  	s3 =	simm.s32 @!p0 $0x1082;
	s9 =	sld [smem:$0x3FB2]  }
0x2f: {  	lr =	sadd.s32 s0, s3;
	s0 =	sld [smem:$0x3FA9]  }
0x30: {  	s3 =	sld [smem:$0x3FAC]  }
0x31: {  	[smem:$0x3FB5] =	sst s10  }
0x32: {  	s10 =	sld [smem:$0x3FB3];
	_ =	sdelay $0x3  }
0x33: {  	p0 =	seq.s32 s10, $0x1;
	s10 =	sld [smem:$0x3FB5];
	_ =	sdelay $0x3  }
0x34: {  	[smem:$0x3FB5] =	sst s10  }
0x35: {  	s10 =	sld [smem:$0x3FB4];
	_ =	sdelay $0x3  }
0x36: {  	p1 =	seq.s32 s10, $0x1;
	s10 =	sld [smem:$0x3FB5];
	_ =	sdelay $0x3  }
0x37: {  	[smem:$0x3FB5] =	sst s10  }
0x38: {  	s10 =	sld [smem:$0x3FB6]  }
0x39: {  	_ = 	snop;
	(pc) =	sbr.ind lr, $3  }
0x3a: {  	_ = 	snop  }
0x3b: {  	_ = 	snop  }
0x3c: {  	p2 =	seq.s32 s10, $0x1;
	s10 =	sld [smem:$0x3FB5]  }
0x3d: {  	_ =	shalt  }
0x3e: {  	_ =	shalt  }
0x3f: {  	_ =	shalt  }
0x40: {  	_ =	shalt  }
0x41: {  	_ =	shalt  }
0x42: {  	_ =	shalt  }
0x43: {  	_ =	shalt  }
0x44: {  	_ =	shalt  }
0x45: {  	_ =	shalt  }
0x46: {  	_ =	shalt  }
0x47: {  	_ =	shalt  }
0x48: {  	_ =	shalt  }
0x49: {  	_ =	shalt  }
0x4a: {  	_ =	shalt  }
0x4b: {  	_ =	shalt  }
0x4c: {  	_ =	shalt  }
0x4d: {  	_ =	shalt  }
0x4e: {  	_ =	shalt  }
0x4f: {  	_ =	shalt  }
0x50: {  	_ =	shalt  }
0x51: {  	_ =	shalt  }
0x52: {  	_ =	shalt  }
0x53: {  	_ =	shalt  }
0x54: {  	_ =	shalt  }
0x55: {  	_ =	shalt  }
0x56: {  	_ =	shalt  }
0x57: {  	_ =	shalt  }
0x58: {  	_ =	shalt  }
0x59: {  	_ =	shalt  }
0x5a: {  	_ =	shalt  }
0x5b: {  	_ =	shalt  }
0x5c: {  	_ =	shalt  }
0x5d: {  	_ =	shalt  }
0x5e: {  	_ =	shalt  }
0x5f: {  	_ =	shalt  }
0x60: {  	_ =	shalt  }
0x61: {  	_ =	shalt  }
0x62: {  	_ =	shalt  }
0x63: {  	_ =	shalt  }
0x64: {  	_ =	shalt  }
0x65: {  	_ =	shalt  }
0x66: {  	_ =	shalt  }
0x67: {  	_ =	shalt  }
0x68: {  	_ =	shalt  }
0x69: {  	_ =	shalt  }
0x6a: {  	_ =	shalt  }
0x6b: {  	_ =	shalt  }
0x6c: {  	_ =	shalt  }
0x6d: {  	_ =	shalt  }
0x6e: {  	_ =	shalt  }
0x6f: {  	_ =	shalt  }
0x70: {  	_ =	shalt  }
0x71: {  	_ =	shalt  }
0x72: {  	_ =	shalt  }
0x73: {  	_ =	shalt  }
0x74: {  	_ =	shalt  }
0x75: {  	_ =	shalt  }
0x76: {  	_ =	shalt  }
0x77: {  	_ =	shalt  }
0x78: {  	_ =	shalt  }
0x79: {  	_ =	shalt  }
0x7a: {  	_ =	shalt  }
0x7b: {  	_ =	shalt  }
0x7c: {  	_ =	shalt  }
0x7d: {  	_ =	shalt  }
0x7e: {  	_ =	shalt  }
0x7f: {  	_ =	shalt  }
0x80: {  	_ =	shalt  }
0x81: {  	_ =	shalt  }
0x82: {  	_ =	shalt  }
0x83: {  	_ =	shalt  }
0x84: {  	_ =	shalt  }
0x85: {  	_ =	shalt  }
0x86: {  	_ =	shalt  }
0x87: {  	_ =	shalt  }
.Lfunc_end0:
.L_simem_size_0:
called_computation_lowered:
.L_overlay_start_0:
0x88: {  	s2 =	sld [smem:$0x3FD9]  }
0x89: {  	s3 =	sld [smem:$0x3FFE];
	_ =	sdelay $0x1  }
0x8a: {  	s1 =	srdreg.scid  }
0x8b: {  	s0 =	sand.u32 $0x1, s1  }
0x8c: {  	s17 =	sshll.u32 s0, $0xA;
	s2 =	sadd.s32 s3, s2  }
0x8d: {  	s2 =	sadd.s32 s2, s17  }
0x8e: {  	[smem:$0x3FC1] =	sst s2  }
0x8f: {  	_ = 	snop  }
0x90: {  	s2 =	sld [smem:$0x3FC9]  }
0x91: {  	s18 =	sld [smem:$0x3FD0];
	(tm) =	ssettm $0x1  }
0x92: {  	s4 =	sld [smem:$0x3FFB];
	_ =	sdelay $0x3  }
0x93: {  	_ =	strace s4  }
0x94: {  	s4 =	sld [smem:$0x3FFC];
	_ =	sdelay $0x3  }
0x95: {  	_ =	strace s4  }
0x96: {  	s4 =	sld [smem:$0x3FFD];
	_ =	sdelay $0x3  }
0x97: {  	_ =	strace s4  }
0x98: {  	_ =	strace $0x8FFFFFFF  }
0x99: {  	s19 =	sld [smem:$0x3FDB];
	_ =	sdelay $0x1  }
0x9a: {  	s5 =	simm.s32 $_scs_section_size  }
0x9b: {  	s6 =	simm.s32 $_size__tile_overlayer_lowered;
	s7 =	simm.s32 $_tile_overlayer_lowered  }
0x9c: {  	s22 =	simm.s32 $0x1BFF;
	s21 =	sshll.u32 s7, $0x1;
	s4 =	sadd.s32 s5, s19  }
0x9d: {  	s8 =	simm.s32 $0x0;
	s20 =	sshll.u32 s6, $0x1;
	s6 =	sadd.s32 s21, s4  }
0x9e: {  	[timem:s8], [sflag:s22] =	dma.local [hbm:s6], s20  }
0x9f: {  	_ =	swait.ge [sflag:s22], s20  }
0xa0: {  	s5 =	ssub.s32 $0x0, s20;
	[sflag:s22] =	ssyncset.done $0x0  }
0xa1: {  	[sflag:s22] =	ssyncadd.s32 s5;
	_ =	sdelay $0x1  }
0xa2: {  	s23 =	simm.s32 $0x1B8B  }
0xa3: {  	_ =	swait.ge [sflag:s23], $0x1  }
0xa4: {  	[sflag:s23] =	ssyncset.done $0x0  }
0xa5: {  	s25 =	simm.s32 $0x1B8E;
	s24 =	sld [smem:$0x3FFE];
	[sflag:s23] =	ssyncadd.s32 $0xFFFFFFFF  }
0xa6: {  	s26 =	simm.s32 $execute0_lowered;
	[smem:$0x3FD2] =	sst s25  }
0xa7: {  	s6 =	sshll.u32 s26, $0x1;
	_ =	strace $0x80000046;
	[dreg:$0x1] =	wrdreg $0xFFFFFFFF  }
0xa8: {  	s28 =	simm.s32 $_size_execute0_lowered;
	s4 =	sadd.s32 s4, s6;
	[dreg:$0x0] =	wrdreg $0x0  }
0xa9: {  	s6 =	sshll.u32 s28, $0x1;
	[dreg:$0x2] =	wrdreg s4  }
0xaa: {  	[dreg:$0x3] =	wrdreg s6  }
0xab: {  	[dreg:$0x4] =	wrdreg $0xC0  }
0xac: {  	_ =	task [dreg:s8], $0x5FFFF  }
0xad: {  	[dreg:$0x1] =	wrdreg $0xFFFFFFFF  }
0xae: {  	[dreg:$0x0] =	wrdreg $0x60  }
0xaf: {  	[dreg:$0x2] =	wrdreg s2  }
0xb0: {  	[dreg:$0x3] =	wrdreg s18  }
0xb1: {  	[dreg:$0x4] =	wrdreg s24  }
0xb2: {  	[dreg:$0x5] =	wrdreg $0xB0000  }
0xb3: {  	[dreg:$0x6] =	wrdreg $0x9  }
0xb4: {  	_ =	task.clear_ibuf [dreg:s8], $0x7FFFF;
	_ =	strace $0x90000046  }
0xb5: {  	s29 =	simm.s32 $0x9;
	_ =	strace $0x80000048  }
0xb6: {  	_ =	swait.ge [sflag:s29], $0x1  }
0xb7: {  	[sflag:s29] =	ssyncadd.s32 $0xFFFFFFFF  }
0xb8: {  	_ =	strace $0x90000048  }
0xb9: {  	_ =	sfence  }
0xba: {  	s30 =	sld [smem:$0x0];
	_ =	sdelay $0x2  }
0xbb: {  	s31 =	sshll.u32 s1, $0xD;
	s1 =	sshrl.u32 s1, $0x2  }
0xbc: {  	s3 =	sand.u32 $0x4000, s31;
	s1 =	sadd.s32 s1, s30  }
0xbd: {  	s0 =	sor.u32 s3, s0;
	s1 =	sshll.u32 s1, $0x11  }
0xbe: {  	s0 =	sor.u32 s1, s0  }
0xbf: {  	s0 =	sadd.s32 $0x8F2B, s0  }
0xc0: {  	[sflag:s0] =	ssyncadd.remote.s32 $0x1  }
0xc1: {  	_ =	sfence.sel $0xFFFF  }
0xc2: {  	[dreg:$0x0] =	wrdreg $0xFFFFFFFF;
	(pc) =	sbr.abs _section_cstart, $3  }
0xc3: {  	[dreg:$0x1] =	wrdreg $0xFFFFFFFF  }
0xc4: {  	_ =	task.clear_ibuf [dreg:s8], $0x2FFFF;
	_ =	strace $0x9FFFFFFF  }
0xc5: {  	(tm) =	ssettm $0x7FFFFFFF  }
tec
execute0_lowered:
.L_overlay_start_1:
0x0: {  	(tag) =	ssettag $0x1  }
0x1: {  	s1 =	rddreg [dreg:$0x0]  }
0x2: {  	s0 =	rddreg [dreg:$0x1]  }
0x3: {  	s3 =	rddreg [dreg:$0x2]  }
0x4: {  	s2 =	rddreg [dreg:$0x3]  }
0x5: {  	s4 =	simm.s32 $0x0;
	s18 =	srdreg.scid;
	s19 =	stileid.u32  }
0x6: {  	s12 =	simm.s32 $0x20;
	s14 =	simm.s32 $0x3000;
	s16 =	simm.s32 $0x4000  }
0x7: {  	s20 =	simm.s32 $0x6000;
	s21 =	simm.s32 $0x1;
	s28 =	simm.s32 $0x2  }
0x8: {  	s31 =	simm.s32 $0x8000;
	s11 =	simm.s32 $0xA;
	s13 =	simm.s32 $0x6  }
0x9: {  	s17 =	simm.s32 $0xB;
	s29 =	simm.s32 $0x8;
	s15 =	simm.s32 $0x0  }
0xa: {  	[smem:$0x7FF] =	sst s4;
	s4 =	sand.u32 $0x1, s18;
	s8 =	smul.u32 $0x4F000, s19  }
0xb: {  	s5 =	sadd.s32 $0x1800, s3;
	s3 =	sadd.s32 $0x4000, s3;
	s9 =	smul.u32 $0x13800, s19  }
0xc: {  	s10 =	sshll.u32 s19, $0x6;
	s23 =	smul.u32 $0x4E000, s19;
	s18 =	simm.s32 $0x5000  }
0xd: {  	p0 =	sne.s32 s19, $0x0;
	_ =	strace $0x80000047;
	[dreg:$0x5] =	wrdreg s5  }
0xe: {  	s6 =	ssub.s32 $0x2, s4;
	s22 =	sshll.u32 s4, $0x4;
	s4 =	smul.u32 $0x138800, s4  }
0xf: {  	s7 =	sshrl.u32 s6, $0x1;
	s8 =	sshrl.u32 s8, $0x2;
	s25 =	sshrl.u32 s23, $0x2  }
0x10: {  	s23 =	simm.s32 $0xC;
	s6 =	ssub.s32 s6, s7;
	s7 =	sor.u32 s19, s22  }
0x11: {  	s8 =	sadd.s32 s8, s2;
	s22 =	sor.u32 $0x1C11, s10;
	s9 =	sadd.s32 s9, s4  }
0x12: {  	s4 =	sshrl.u32 s4, $0x3;
	s10 =	simm.s32 $0xA000;
	s19 =	simm.s32 $0x7  }
0x13: {  	s7 =	smul.u32 $0x500, s7;
	s24 =	sshrl.u32 s9, $0x3;
	s26 =	smax.u32 s6, $0x1  }
0x14: {  	s30 =	sshrl.u32 s8, $0x3;
	s6 =	simm.s32 $0x9000;
	[dreg:$0x6] =	wrdreg s22  }
0x15: {  	s8 =	simm.s32 $0xF;
	s9 =	simm.s32 $0x10;
	[dreg:$0xa] =	wrdreg s26  }
0x16: {  	[dreg:$0xb] =	wrdreg s30;
	s26 =	simm.s32 $0x7000;
	s0 =	sadd.s32 s0, s7  }
0x17: {  	s7 =	simm.s32 $0x4;
	[dreg:$0x7] =	wrdreg s0;
	s0 =	sadd.s32 s3, s24  }
0x18: {  	s3 =	sadd.s32 s3, s4;
	s24 =	simm.s32 $0x9;
	s4 =	simm.s32 $0xE  }
0x19: {  	[dreg:$0x8] =	wrdreg s0;
	s0 =	sadd.s32 s25, s2;
	s3 =	sadd.s32 $0x27000, s3  }
0x1a: {  	[dreg:$0x9] =	wrdreg s3;
	s3 =	sadd.s32 $0x138000, s2;
	s0 =	sshrl.u32 s0, $0x3  }
0x1b: {  	s25 =	simm.s32 $0x5;
	[dreg:$0xc] =	wrdreg s0;
	s0 =	sshrl.u32 @!p0 s3, $0x3  }
0x1c: {  	s3 =	simm.s32 $0xD;
	[dreg:$0xd] =	wrdreg s0;
	s0 =	simm.s32 $0x3  }
.LBB2_1:
0x1d: {  	[dreg:$0xe] =	wrdreg s15  }
0x1e: {  	s5 =	rddreg [dreg:$0x5]  }
0x1f: {  	s30 =	simm.s32 $0x11;
	s15 =	rddreg [dreg:$0xb]  }
0x20: {  	[spmem:s15], [sflag:s22] =	dma.local [hbm:s5], $0x2780  }
0x21: {  	_ =	swait.ge [sflag:s30], $0x2780  }
0x22: {  	[sflag:s30] =	ssyncset.done $0x0  }
0x23: {  	s15 =	simm.s32 $0x0;
	s22 =	rddreg [dreg:$0x7];
	[sflag:s30] =	ssyncadd.s32 $0xFFFFD880  }
0x24: {  	[tilespmem:s15], [sflag:$0x11] =	stream.linear.gather [hbm4b:s22+s15], $0x2800, $0x38;
	[tilespmem:$0x1EC00] =	vst v63  }
0x25: {  	_ =	swait.ge [sflag:s30], $0x2800  }
0x26: {  	[sflag:s30] =	ssyncset.done $0x0  }
0x27: {  	[sflag:s30] =	ssyncadd.s32 $0xFFFFD800  }
0x28: {  	v0 =	vld [tilespmem:$0x0]  }
0x29: {  	v1 =	vld [tilespmem:$0x10]  }
0x2a: {  	v2 =	vld [tilespmem:$0x20]  }
0x2b: {  	v5 =	vld [tilespmem:$0x30]  }
0x2c: {  	v61 =	vld [tilespmem:$0x40]  }
0x2d: {  	v11 =	vld [tilespmem:$0x50]  }
0x2e: {  	v16 =	vld [tilespmem:$0x60]  }
0x2f: {  	v21 =	vld [tilespmem:$0x70];
	v3 =	vshrl.u32 v0, $0xE;
	v0 =	vand.u32 $0x3FFF, v0  }
0x30: {  	v6 =	vshrl.u32 v1, $0xE;
	v1 =	vand.u32 $0x3FFF, v1;
	v63 =	vshrl.u32 v2, $0xE  }
0x31: {  	v9 =	vand.u32 $0x3FFF, v2;
	v13 =	vshrl.u32 v5, $0xE;
	v14 =	vand.u32 $0x3FFF, v5;
	[tilespmem:$0x2800] =	vst v0  }
0x32: {  	v18 =	vshrl.u32 v61, $0xE;
	v19 =	vand.u32 $0x3FFF, v61;
	v23 =	vshrl.u32 v11, $0xE;
	[tilespmem:$0x2810] =	vst v1  }
0x33: {  	v24 =	vand.u32 $0x3FFF, v11;
	v27 =	vshrl.u32 v16, $0xE;
	v28 =	vand.u32 $0x3FFF, v16;
	[tilespmem:$0x2880] =	vst v9  }
0x34: {  	v31 =	vshrl.u32 v21, $0xE;
	v32 =	vand.u32 $0x3FFF, v21;
	v4 =	vand.u32 $0x3F, v3;
	[tilespmem:$0x2890] =	vst v14  }
0x35: {  	vm0 =	veq.s32 v3, v0;
	v60 =	vand.u32 $0x3F, v6;
	vm9 =	veq.s32 v6, v1;
	[tilespmem:$0x2900] =	vst v19  }
0x36: {  	v10 =	vand.u32 $0x3F, v63;
	vm10 =	veq.s32 v63, v9;
	v15 =	vand.u32 $0x3F, v13;
	[tilespmem:$0x2910] =	vst v24  }
0x37: {  	vm11 =	veq.s32 v13, v14;
	v20 =	vand.u32 $0x3F, v18;
	[tilespmem:$0x2980] =	vst v28;
	v4 =	vadd.s32 $0x2710, v4  }
0x38: {  	vm12 =	veq.s32 v18, v19;
	[tilespmem:$0x2990] =	vst v32;
	v62 =	vadd.s32 $0x2710, v60;
	v59 =	vsel vm0, v4, v3  }
0x39: {  	v25 =	vand.u32 $0x3F, v23;
	v12 =	vadd.s32 $0x2710, v10;
	v0 =	vsel vm9, v62, v6;
	[tilespmem:$0x2C00] =	vst v59  }
0x3a: {  	vm13 =	veq.s32 v23, v24;
	v17 =	vadd.s32 $0x2710, v15;
	[tilespmem:$0x2C10] =	vst v0;
	v0 =	vsel vm10, v12, v63  }
0x3b: {  	v29 =	vand.u32 $0x3F, v27;
	v22 =	vadd.s32 $0x2710, v20;
	[tilespmem:$0x2C80] =	vst v0;
	v0 =	vsel vm11, v17, v13  }
0x3c: {  	vm14 =	veq.s32 v27, v28;
	v26 =	vadd.s32 $0x2710, v25;
	[tilespmem:$0x2C90] =	vst v0;
	v0 =	vsel vm12, v22, v18  }
0x3d: {  	v33 =	vand.u32 $0x3F, v31;
	v30 =	vadd.s32 $0x2710, v29;
	[tilespmem:$0x2D00] =	vst v0;
	v0 =	vsel vm13, v26, v23  }
0x3e: {  	vm15 =	veq.s32 v31, v32;
	v34 =	vadd.s32 $0x2710, v33;
	[tilespmem:$0x2D10] =	vst v0;
	v0 =	vsel vm14, v30, v27  }
0x3f: {  	[tilespmem:$0x2D80] =	vst v0;
	v0 =	vsel vm15, v34, v31  }
0x40: {  	[tilespmem:$0x2D90] =	vst v0  }
0x41: {  	s15 =	simm.s32 $0x2800;
	[bflag:$0x0] =	sbarrier.arrive $0xFFFF  }
0x42: {  	[tilespmem:s14], [sflag:$0x1] =	stream.indirect.gather [hbm4b:s1+s12], $0x80, s15, s12, $0xb8;
	[tilespmem:$0x1EC00] =	vst v63  }
0x43: {  	s30 =	simm.s32 $0x2880  }
0x44: {  	[tilespmem:s16], [sflag:$0x2] =	stream.indirect.gather [hbm4b:s1+s12], $0x80, s30, s12, $0xb8;
	[tilespmem:$0x1EC00] =	vst v63  }
0x45: {  	s22 =	simm.s32 $0x2900  }
0x46: {  	[tilespmem:s18], [sflag:$0x3] =	stream.indirect.gather [hbm4b:s1+s12], $0x80, s22, s12, $0xb8;
	[tilespmem:$0x1EC00] =	vst v63  }
0x47: {  	s22 =	simm.s32 $0x2980  }
0x48: {  	[tilespmem:s20], [sflag:$0x4] =	stream.indirect.gather [hbm4b:s1+s12], $0x80, s22, s12, $0xb8;
	[tilespmem:$0x1EC00] =	vst v63  }
0x49: {  	_ =	swait.ge [sflag:s21], $0x1000  }
0x4a: {  	[sflag:s21] =	ssyncset.done $0x0  }
0x4b: {  	s22 =	simm.s32 $0x2C00;
	[sflag:s21] =	ssyncadd.s32 $0xFFFFF000  }
0x4c: {  	[spmem:s2] =	stream.indirect.scatter.add.f32 [tilespmem:s14], [sflag:$0x9], $0x80, s22, s12, $0xb8;
	[tilespmem:$0x1EC00] =	vst v63  }
0x4d: {  	v35 =	vld [tilespmem:$0x80]  }
0x4e: {  	v36 =	vld [tilespmem:$0x90];
	_ =	sdelay $0x3  }
0x4f: {  	v37 =	vshrl.u32 v35, $0xE;
	v0 =	vand.u32 $0x3FFF, v35  }
0x50: {  	v39 =	vshrl.u32 v36, $0xE;
	v1 =	vand.u32 $0x3FFF, v36;
	v38 =	vand.u32 $0x3F, v37  }
0x51: {  	vm4 =	veq.s32 v37, v0;
	[tilespmem:$0x2A00] =	vst v0;
	v41 =	vand.u32 $0x3F, v39;
	v3 =	vadd.s32 $0x2710, v38  }
0x52: {  	vm5 =	veq.s32 v39, v1;
	[tilespmem:$0x2A10] =	vst v1;
	v42 =	vadd.s32 $0x2710, v41;
	v40 =	vsel vm4, v3, v37  }
0x53: {  	v0 =	vsel vm5, v42, v39;
	[tilespmem:$0x2E00] =	vst v40  }
0x54: {  	s22 =	simm.s32 $0x2A00;
	[tilespmem:$0x2E10] =	vst v0  }
0x55: {  	[tilespmem:s26], [sflag:$0x5] =	stream.indirect.gather [hbm4b:s1+s12], $0x80, s22, s12, $0xb8;
	[tilespmem:$0x1EC00] =	vst v63  }
0x56: {  	_ =	swait.ge [sflag:s28], $0x1000  }
0x57: {  	[sflag:s28] =	ssyncset.done $0x0  }
0x58: {  	s5 =	simm.s32 $0x2C80;
	[sflag:s28] =	ssyncadd.s32 $0xFFFFF000  }
0x59: {  	[spmem:s2] =	stream.indirect.scatter.add.f32 [tilespmem:s16], [sflag:$0xA], $0x80, s5, s12, $0xb8;
	[tilespmem:$0x1EC00] =	vst v63  }
0x5a: {  	v43 =	vld [tilespmem:$0xA0]  }
0x5b: {  	v44 =	vld [tilespmem:$0xB0];
	_ =	sdelay $0x3  }
0x5c: {  	v45 =	vshrl.u32 v43, $0xE;
	v0 =	vand.u32 $0x3FFF, v43  }
0x5d: {  	v47 =	vshrl.u32 v44, $0xE;
	v1 =	vand.u32 $0x3FFF, v44;
	v46 =	vand.u32 $0x3F, v45  }
0x5e: {  	vm6 =	veq.s32 v45, v0;
	[tilespmem:$0x2A80] =	vst v0;
	v49 =	vand.u32 $0x3F, v47;
	v3 =	vadd.s32 $0x2710, v46  }
0x5f: {  	vm7 =	veq.s32 v47, v1;
	[tilespmem:$0x2A90] =	vst v1;
	v50 =	vadd.s32 $0x2710, v49;
	v48 =	vsel vm6, v3, v45  }
0x60: {  	v0 =	vsel vm7, v50, v47;
	[tilespmem:$0x2E80] =	vst v48  }
0x61: {  	s5 =	simm.s32 $0x2A80;
	[tilespmem:$0x2E90] =	vst v0  }
0x62: {  	[tilespmem:s31], [sflag:$0x6] =	stream.indirect.gather [hbm4b:s1+s12], $0x80, s5, s12, $0xb8;
	[tilespmem:$0x1EC00] =	vst v63  }
0x63: {  	_ =	swait.ge [sflag:s0], $0x1000  }
0x64: {  	[sflag:s0] =	ssyncset.done $0x0  }
0x65: {  	s5 =	simm.s32 $0x2D00;
	[sflag:s0] =	ssyncadd.s32 $0xFFFFF000  }
0x66: {  	[spmem:s2] =	stream.indirect.scatter.add.f32 [tilespmem:s18], [sflag:$0xB], $0x80, s5, s12, $0xb8;
	[tilespmem:$0x1EC00] =	vst v63  }
0x67: {  	v51 =	vld [tilespmem:$0xC0]  }
0x68: {  	v52 =	vld [tilespmem:$0xD0];
	_ =	sdelay $0x3  }
0x69: {  	v53 =	vshrl.u32 v51, $0xE;
	v0 =	vand.u32 $0x3FFF, v51  }
0x6a: {  	v55 =	vshrl.u32 v52, $0xE;
	v1 =	vand.u32 $0x3FFF, v52;
	v54 =	vand.u32 $0x3F, v53  }
0x6b: {  	vm8 =	veq.s32 v53, v0;
	[tilespmem:$0x2B00] =	vst v0;
	v57 =	vand.u32 $0x3F, v55;
	v3 =	vadd.s32 $0x2710, v54  }
0x6c: {  	vm9 =	veq.s32 v55, v1;
	[tilespmem:$0x2B10] =	vst v1;
	v58 =	vadd.s32 $0x2710, v57;
	v56 =	vsel vm8, v3, v53  }
0x6d: {  	v0 =	vsel vm9, v58, v55;
	[tilespmem:$0x2F00] =	vst v56  }
0x6e: {  	s5 =	simm.s32 $0x2B00;
	[tilespmem:$0x2F10] =	vst v0  }
0x6f: {  	[tilespmem:s6], [sflag:$0x7] =	stream.indirect.gather [hbm4b:s1+s12], $0x80, s5, s12, $0xb8;
	[tilespmem:$0x1EC00] =	vst v63  }
0x70: {  	_ =	swait.ge [sflag:s7], $0x1000  }
0x71: {  	[sflag:s7] =	ssyncset.done $0x0  }
0x72: {  	s5 =	simm.s32 $0x2D80;
	[sflag:s7] =	ssyncadd.s32 $0xFFFFF000  }
0x73: {  	[spmem:s2] =	stream.indirect.scatter.add.f32 [tilespmem:s20], [sflag:$0xC], $0x80, s5, s12, $0xb8;
	[tilespmem:$0x1EC00] =	vst v63  }
0x74: {  	v59 =	vld [tilespmem:$0xE0]  }
0x75: {  	v60 =	vld [tilespmem:$0xF0];
	_ =	sdelay $0x3  }
0x76: {  	v61 =	vshrl.u32 v59, $0xE;
	v0 =	vand.u32 $0x3FFF, v59  }
0x77: {  	v63 =	vshrl.u32 v60, $0xE;
	v5 =	vand.u32 $0x3FFF, v60;
	v62 =	vand.u32 $0x3F, v61  }
0x78: {  	vm10 =	veq.s32 v61, v0;
	[tilespmem:$0x2B80] =	vst v0;
	v6 =	vand.u32 $0x3F, v63;
	v3 =	vadd.s32 $0x2710, v62  }
0x79: {  	vm11 =	veq.s32 v63, v5;
	[tilespmem:$0x2B90] =	vst v5;
	v1 =	vadd.s32 $0x2710, v6;
	v2 =	vsel vm10, v3, v61  }
0x7a: {  	v7 =	vsel vm11, v1, v63;
	[tilespmem:$0x2F80] =	vst v2  }
0x7b: {  	s5 =	simm.s32 $0x2B80;
	[tilespmem:$0x2F90] =	vst v7  }
0x7c: {  	[tilespmem:s10], [sflag:$0x8] =	stream.indirect.gather [hbm4b:s1+s12], $0x80, s5, s12, $0xb8;
	[tilespmem:$0x1EC00] =	vst v63  }
0x7d: {  	_ =	swait.ge [sflag:s24], $0x1000  }
0x7e: {  	[sflag:s24] =	ssyncset.done $0x0  }
0x7f: {  	s5 =	simm.s32 $0x0;
	[sflag:s24] =	ssyncadd.s32 $0xFFFFF000  }
0x80: {  	v8 =	vld [tilespmem:s5+$0x100];
	_ =	sdelay $0x4  }
0x81: {  	v9 =	vshrl.u32 v8, $0xE  }
0x82: {  	v0 =	vand.u32 $0x3FFF, v8;
	v10 =	vand.u32 $0x3F, v9  }
0x83: {  	vm12 =	veq.s32 v9, v0;
	v2 =	vadd.s32 $0x2710, v10  }
0x84: {  	[tilespmem:$0x2800] =	vst v0;
	v11 =	vsel vm12, v2, v9  }
0x85: {  	[tilespmem:$0x2C00] =	vst v11  }
0x86: {  	v0 =	vld [tilespmem:s5+$0x110];
	_ =	sdelay $0x4  }
0x87: {  	v12 =	vshrl.u32 v0, $0xE  }
0x88: {  	v0 =	vand.u32 $0x3FFF, v0;
	v13 =	vand.u32 $0x3F, v12  }
0x89: {  	vm13 =	veq.s32 v12, v0;
	v2 =	vadd.s32 $0x2710, v13  }
0x8a: {  	[tilespmem:$0x2810] =	vst v0;
	v14 =	vsel vm13, v2, v12  }
0x8b: {  	[tilespmem:$0x2C10] =	vst v14  }
0x8c: {  	[tilespmem:s14], [sflag:$0x1] =	stream.indirect.gather [hbm4b:s1+s12], $0x80, s15, s12, $0xb8;
	[tilespmem:$0x1EC00] =	vst v63  }
0x8d: {  	_ =	swait.ge [sflag:s25], $0x1000  }
0x8e: {  	[sflag:s25] =	ssyncset.done $0x0  }
0x8f: {  	s15 =	simm.s32 $0x2E00;
	[sflag:s25] =	ssyncadd.s32 $0xFFFFF000  }
0x90: {  	[spmem:s2] =	stream.indirect.scatter.add.f32 [tilespmem:s26], [sflag:$0xD], $0x80, s15, s12, $0xb8;
	[tilespmem:$0x1EC00] =	vst v63  }
0x91: {  	_ =	swait.ge [sflag:s11], $0x1000  }
0x92: {  	[sflag:s11] =	ssyncset.done $0x0  }
0x93: {  	[sflag:s11] =	ssyncadd.s32 $0xFFFFF000  }
0x94: {  	v15 =	vld [tilespmem:s5+$0x120];
	_ =	sdelay $0x4  }
0x95: {  	v16 =	vshrl.u32 v15, $0xE  }
0x96: {  	v0 =	vand.u32 $0x3FFF, v15;
	v17 =	vand.u32 $0x3F, v16  }
0x97: {  	vm14 =	veq.s32 v16, v0;
	v2 =	vadd.s32 $0x2710, v17  }
0x98: {  	[tilespmem:$0x2880] =	vst v0;
	v18 =	vsel vm14, v2, v16  }
0x99: {  	[tilespmem:$0x2C80] =	vst v18  }
0x9a: {  	v0 =	vld [tilespmem:s5+$0x130];
	_ =	sdelay $0x4  }
0x9b: {  	v19 =	vshrl.u32 v0, $0xE  }
0x9c: {  	v0 =	vand.u32 $0x3FFF, v0;
	v20 =	vand.u32 $0x3F, v19  }
0x9d: {  	vm15 =	veq.s32 v19, v0;
	v2 =	vadd.s32 $0x2710, v20  }
0x9e: {  	[tilespmem:$0x2890] =	vst v0;
	v21 =	vsel vm15, v2, v19  }
0x9f: {  	[tilespmem:$0x2C90] =	vst v21  }
0xa0: {  	[tilespmem:s16], [sflag:$0x2] =	stream.indirect.gather [hbm4b:s1+s12], $0x80, s30, s12, $0xb8;
	[tilespmem:$0x1EC00] =	vst v63  }
0xa1: {  	_ =	swait.ge [sflag:s13], $0x1000  }
0xa2: {  	[sflag:s13] =	ssyncset.done $0x0  }
0xa3: {  	s30 =	simm.s32 $0x2E80;
	[sflag:s13] =	ssyncadd.s32 $0xFFFFF000  }
0xa4: {  	[spmem:s2] =	stream.indirect.scatter.add.f32 [tilespmem:s31], [sflag:$0xE], $0x80, s30, s12, $0xb8;
	[tilespmem:$0x1EC00] =	vst v63  }
0xa5: {  	_ =	swait.ge [sflag:s17], $0x1000  }
0xa6: {  	[sflag:s17] =	ssyncset.done $0x0  }
0xa7: {  	[sflag:s17] =	ssyncadd.s32 $0xFFFFF000  }
0xa8: {  	v22 =	vld [tilespmem:s5+$0x140];
	_ =	sdelay $0x4  }
0xa9: {  	v23 =	vshrl.u32 v22, $0xE  }
0xaa: {  	v0 =	vand.u32 $0x3FFF, v22;
	v24 =	vand.u32 $0x3F, v23  }
0xab: {  	vm4 =	veq.s32 v23, v0;
	v2 =	vadd.s32 $0x2710, v24  }
0xac: {  	[tilespmem:$0x2900] =	vst v0;
	v25 =	vsel vm4, v2, v23  }
0xad: {  	[tilespmem:$0x2D00] =	vst v25  }
0xae: {  	v0 =	vld [tilespmem:s5+$0x150];
	_ =	sdelay $0x4  }
0xaf: {  	v26 =	vshrl.u32 v0, $0xE  }
0xb0: {  	v0 =	vand.u32 $0x3FFF, v0;
	v27 =	vand.u32 $0x3F, v26  }
0xb1: {  	vm5 =	veq.s32 v26, v0;
	v2 =	vadd.s32 $0x2710, v27  }
0xb2: {  	[tilespmem:$0x2910] =	vst v0;
	v28 =	vsel vm5, v2, v26  }
0xb3: {  	s30 =	simm.s32 $0x2900;
	[tilespmem:$0x2D10] =	vst v28  }
0xb4: {  	[tilespmem:s18], [sflag:$0x3] =	stream.indirect.gather [hbm4b:s1+s12], $0x80, s30, s12, $0xb8;
	[tilespmem:$0x1EC00] =	vst v63  }
0xb5: {  	_ =	swait.ge [sflag:s19], $0x1000  }
0xb6: {  	[sflag:s19] =	ssyncset.done $0x0  }
0xb7: {  	s30 =	simm.s32 $0x2F00;
	[sflag:s19] =	ssyncadd.s32 $0xFFFFF000  }
0xb8: {  	[spmem:s2] =	stream.indirect.scatter.add.f32 [tilespmem:s6], [sflag:$0xF], $0x80, s30, s12, $0xb8;
	[tilespmem:$0x1EC00] =	vst v63  }
0xb9: {  	_ =	swait.ge [sflag:s23], $0x1000  }
0xba: {  	[sflag:s23] =	ssyncset.done $0x0  }
0xbb: {  	[sflag:s23] =	ssyncadd.s32 $0xFFFFF000  }
0xbc: {  	v29 =	vld [tilespmem:s5+$0x160];
	_ =	sdelay $0x4  }
0xbd: {  	v30 =	vshrl.u32 v29, $0xE  }
0xbe: {  	v0 =	vand.u32 $0x3FFF, v29;
	v31 =	vand.u32 $0x3F, v30  }
0xbf: {  	vm6 =	veq.s32 v30, v0;
	v2 =	vadd.s32 $0x2710, v31  }
0xc0: {  	[tilespmem:$0x2980] =	vst v0;
	v32 =	vsel vm6, v2, v30  }
0xc1: {  	[tilespmem:$0x2D80] =	vst v32  }
0xc2: {  	v0 =	vld [tilespmem:s5+$0x170];
	_ =	sdelay $0x4  }
0xc3: {  	v33 =	vshrl.u32 v0, $0xE  }
0xc4: {  	v0 =	vand.u32 $0x3FFF, v0;
	v34 =	vand.u32 $0x3F, v33  }
0xc5: {  	vm7 =	veq.s32 v33, v0;
	v2 =	vadd.s32 $0x2710, v34  }
0xc6: {  	[tilespmem:$0x2990] =	vst v0;
	v35 =	vsel vm7, v2, v33  }
0xc7: {  	s30 =	simm.s32 $0x2980;
	[tilespmem:$0x2D90] =	vst v35  }
0xc8: {  	[tilespmem:s20], [sflag:$0x4] =	stream.indirect.gather [hbm4b:s1+s12], $0x80, s30, s12, $0xb8;
	[tilespmem:$0x1EC00] =	vst v63  }
0xc9: {  	_ =	swait.ge [sflag:s29], $0x1000  }
0xca: {  	[sflag:s29] =	ssyncset.done $0x0  }
0xcb: {  	s30 =	simm.s32 $0x2F80;
	[sflag:s29] =	ssyncadd.s32 $0xFFFFF000  }
0xcc: {  	[spmem:s2] =	stream.indirect.scatter.add.f32 [tilespmem:s10], [sflag:$0x10], $0x80, s30, s12, $0xb8;
	[tilespmem:$0x1EC00] =	vst v63  }
0xcd: {  	_ =	swait.ge [sflag:s3], $0x1000  }
0xce: {  	[sflag:s3] =	ssyncset.done $0x0  }
0xcf: {  	[sflag:s3] =	ssyncadd.s32 $0xFFFFF000  }
0xd0: {  	v36 =	vld [tilespmem:s5+$0x180];
	_ =	sdelay $0x4  }
0xd1: {  	v37 =	vshrl.u32 v36, $0xE  }
0xd2: {  	v0 =	vand.u32 $0x3FFF, v36;
	v38 =	vand.u32 $0x3F, v37  }
0xd3: {  	vm8 =	veq.s32 v37, v0;
	v2 =	vadd.s32 $0x2710, v38  }
0xd4: {  	[tilespmem:$0x2A00] =	vst v0;
	v39 =	vsel vm8, v2, v37  }
0xd5: {  	[tilespmem:$0x2E00] =	vst v39  }
0xd6: {  	v0 =	vld [tilespmem:s5+$0x190];
	_ =	sdelay $0x4  }
0xd7: {  	v40 =	vshrl.u32 v0, $0xE  }
0xd8: {  	v0 =	vand.u32 $0x3FFF, v0;
	v41 =	vand.u32 $0x3F, v40  }
0xd9: {  	vm9 =	veq.s32 v40, v0;
	v2 =	vadd.s32 $0x2710, v41  }
0xda: {  	[tilespmem:$0x2A10] =	vst v0;
	v42 =	vsel vm9, v2, v40  }
0xdb: {  	[tilespmem:$0x2E10] =	vst v42  }
0xdc: {  	[tilespmem:s26], [sflag:$0x5] =	stream.indirect.gather [hbm4b:s1+s12], $0x80, s22, s12, $0xb8;
	[tilespmem:$0x1EC00] =	vst v63  }
0xdd: {  	_ =	swait.ge [sflag:s21], $0x1000  }
0xde: {  	[sflag:s21] =	ssyncset.done $0x0  }
0xdf: {  	s22 =	simm.s32 $0x2C00;
	[sflag:s21] =	ssyncadd.s32 $0xFFFFF000  }
0xe0: {  	[spmem:s2] =	stream.indirect.scatter.add.f32 [tilespmem:s14], [sflag:$0x9], $0x80, s22, s12, $0xb8;
	[tilespmem:$0x1EC00] =	vst v63  }
0xe1: {  	_ =	swait.ge [sflag:s4], $0x1000  }
0xe2: {  	[sflag:s4] =	ssyncset.done $0x0  }
0xe3: {  	[sflag:s4] =	ssyncadd.s32 $0xFFFFF000  }
0xe4: {  	v43 =	vld [tilespmem:s5+$0x1A0];
	_ =	sdelay $0x4  }
0xe5: {  	v44 =	vshrl.u32 v43, $0xE  }
0xe6: {  	v0 =	vand.u32 $0x3FFF, v43;
	v45 =	vand.u32 $0x3F, v44  }
0xe7: {  	vm10 =	veq.s32 v44, v0;
	v2 =	vadd.s32 $0x2710, v45  }
0xe8: {  	[tilespmem:$0x2A80] =	vst v0;
	v46 =	vsel vm10, v2, v44  }
0xe9: {  	[tilespmem:$0x2E80] =	vst v46  }
0xea: {  	v0 =	vld [tilespmem:s5+$0x1B0];
	_ =	sdelay $0x4  }
0xeb: {  	v47 =	vshrl.u32 v0, $0xE  }
0xec: {  	v0 =	vand.u32 $0x3FFF, v0;
	v48 =	vand.u32 $0x3F, v47  }
0xed: {  	vm11 =	veq.s32 v47, v0;
	v2 =	vadd.s32 $0x2710, v48  }
0xee: {  	[tilespmem:$0x2A90] =	vst v0;
	v49 =	vsel vm11, v2, v47  }
0xef: {  	s30 =	simm.s32 $0x2A80;
	[tilespmem:$0x2E90] =	vst v49  }
0xf0: {  	[tilespmem:s31], [sflag:$0x6] =	stream.indirect.gather [hbm4b:s1+s12], $0x80, s30, s12, $0xb8;
	[tilespmem:$0x1EC00] =	vst v63  }
0xf1: {  	_ =	swait.ge [sflag:s28], $0x1000  }
0xf2: {  	[sflag:s28] =	ssyncset.done $0x0  }
0xf3: {  	s22 =	simm.s32 $0x2C80;
	[sflag:s28] =	ssyncadd.s32 $0xFFFFF000  }
0xf4: {  	[spmem:s2] =	stream.indirect.scatter.add.f32 [tilespmem:s16], [sflag:$0xA], $0x80, s22, s12, $0xb8;
	[tilespmem:$0x1EC00] =	vst v63  }
0xf5: {  	_ =	swait.ge [sflag:s8], $0x1000  }
0xf6: {  	[sflag:s8] =	ssyncset.done $0x0  }
0xf7: {  	[sflag:s8] =	ssyncadd.s32 $0xFFFFF000  }
0xf8: {  	v50 =	vld [tilespmem:s5+$0x1C0];
	_ =	sdelay $0x4  }
0xf9: {  	v51 =	vshrl.u32 v50, $0xE  }
0xfa: {  	v0 =	vand.u32 $0x3FFF, v50;
	v52 =	vand.u32 $0x3F, v51  }
0xfb: {  	vm12 =	veq.s32 v51, v0;
	v2 =	vadd.s32 $0x2710, v52  }
0xfc: {  	[tilespmem:$0x2B00] =	vst v0;
	v53 =	vsel vm12, v2, v51  }
0xfd: {  	[tilespmem:$0x2F00] =	vst v53  }
0xfe: {  	v0 =	vld [tilespmem:s5+$0x1D0];
	_ =	sdelay $0x4  }
0xff: {  	v54 =	vshrl.u32 v0, $0xE  }
0x100: {  	v0 =	vand.u32 $0x3FFF, v0;
	v55 =	vand.u32 $0x3F, v54  }
0x101: {  	vm13 =	veq.s32 v54, v0;
	v2 =	vadd.s32 $0x2710, v55  }
0x102: {  	[tilespmem:$0x2B10] =	vst v0;
	v56 =	vsel vm13, v2, v54  }
0x103: {  	s30 =	simm.s32 $0x2B00;
	[tilespmem:$0x2F10] =	vst v56  }
0x104: {  	[tilespmem:s6], [sflag:$0x7] =	stream.indirect.gather [hbm4b:s1+s12], $0x80, s30, s12, $0xb8;
	[tilespmem:$0x1EC00] =	vst v63  }
0x105: {  	_ =	swait.ge [sflag:s0], $0x1000  }
0x106: {  	[sflag:s0] =	ssyncset.done $0x0  }
0x107: {  	s22 =	simm.s32 $0x2D00;
	[sflag:s0] =	ssyncadd.s32 $0xFFFFF000  }
0x108: {  	[spmem:s2] =	stream.indirect.scatter.add.f32 [tilespmem:s18], [sflag:$0xB], $0x80, s22, s12, $0xb8;
	[tilespmem:$0x1EC00] =	vst v63  }
0x109: {  	_ =	swait.ge [sflag:s9], $0x1000  }
0x10a: {  	[sflag:s9] =	ssyncset.done $0x0  }
0x10b: {  	[sflag:s9] =	ssyncadd.s32 $0xFFFFF000  }
0x10c: {  	v57 =	vld [tilespmem:s5+$0x1E0];
	_ =	sdelay $0x4  }
0x10d: {  	v58 =	vshrl.u32 v57, $0xE  }
0x10e: {  	v0 =	vand.u32 $0x3FFF, v57;
	v59 =	vand.u32 $0x3F, v58  }
0x10f: {  	vm14 =	veq.s32 v58, v0;
	v2 =	vadd.s32 $0x2710, v59  }
0x110: {  	[tilespmem:$0x2B80] =	vst v0;
	v60 =	vsel vm14, v2, v58  }
0x111: {  	[tilespmem:$0x2F80] =	vst v60  }
0x112: {  	v0 =	vld [tilespmem:s5+$0x1F0];
	_ =	sdelay $0x4  }
0x113: {  	v61 =	vshrl.u32 v0, $0xE  }
0x114: {  	v0 =	vand.u32 $0x3FFF, v0;
	v62 =	vand.u32 $0x3F, v61  }
0x115: {  	vm15 =	veq.s32 v61, v0;
	v2 =	vadd.s32 $0x2710, v62  }
0x116: {  	[tilespmem:$0x2B90] =	vst v0;
	v63 =	vsel vm15, v2, v61  }
0x117: {  	s30 =	simm.s32 $0x2B80;
	[tilespmem:$0x2F90] =	vst v63  }
0x118: {  	[tilespmem:s10], [sflag:$0x8] =	stream.indirect.gather [hbm4b:s1+s12], $0x80, s30, s12, $0xb8;
	[tilespmem:$0x1EC00] =	vst v63  }
0x119: {  	_ =	swait.ge [sflag:s7], $0x1000  }
0x11a: {  	[sflag:s7] =	ssyncset.done $0x0  }
0x11b: {  	s22 =	simm.s32 $0x2B80;
	s5 =	simm.s32 $0x400;
	[sflag:s7] =	ssyncadd.s32 $0xFFFFF000  }
.LBB2_2:
0x11c: {  	s15 =	simm.s32 $0x2D80  }
0x11d: {  	[spmem:s2] =	stream.indirect.scatter.add.f32 [tilespmem:s20], [sflag:$0xC], $0x80, s15, s12, $0xb8;
	[tilespmem:$0x1EC00] =	vst v63  }
0x11e: {  	s15 =	smov.u32 s5  }
0x11f: {  	p1 =	sne.s32 s5, $0x9800;
	s5 =	sadd.s32 $0x400, s5;
	_ =	swait.ge [sflag:s24], $0x1000  }
0x120: {  	[sflag:s24] =	ssyncset.done $0x0  }
0x121: {  	s15 =	sshra.s32 s15, $0x2;
	[sflag:s24] =	ssyncadd.s32 $0xFFFFF000  }
0x122: {  	v0 =	vld [tilespmem:s15+$0x100];
	_ =	sdelay $0x4  }
0x123: {  	v1 =	vand.u32 $0x3FFF, v0;
	v0 =	vshrl.u32 v0, $0xE  }
0x124: {  	[tilespmem:$0x2800] =	vst v1;
	vm0 =	veq.s32 v0, v1;
	v1 =	vand.u32 $0x3F, v0  }
0x125: {  	v1 =	vadd.s32 $0x2710, v1  }
0x126: {  	v0 =	vsel vm0, v1, v0  }
0x127: {  	[tilespmem:$0x2C00] =	vst v0  }
0x128: {  	v0 =	vld [tilespmem:s15+$0x110];
	_ =	sdelay $0x4  }
0x129: {  	v1 =	vand.u32 $0x3FFF, v0;
	v0 =	vshrl.u32 v0, $0xE  }
0x12a: {  	[tilespmem:$0x2810] =	vst v1;
	vm0 =	veq.s32 v0, v1;
	v1 =	vand.u32 $0x3F, v0  }
0x12b: {  	v1 =	vadd.s32 $0x2710, v1  }
0x12c: {  	v0 =	vsel vm0, v1, v0  }
0x12d: {  	s30 =	simm.s32 $0x2800;
	[tilespmem:$0x2C10] =	vst v0  }
0x12e: {  	[tilespmem:s14], [sflag:$0x1] =	stream.indirect.gather [hbm4b:s1+s12], $0x80, s30, s12, $0xb8;
	[tilespmem:$0x1EC00] =	vst v63  }
0x12f: {  	_ =	swait.ge [sflag:s25], $0x1000  }
0x130: {  	[sflag:s25] =	ssyncset.done $0x0  }
0x131: {  	s30 =	simm.s32 $0x2E00;
	[sflag:s25] =	ssyncadd.s32 $0xFFFFF000  }
0x132: {  	[spmem:s2] =	stream.indirect.scatter.add.f32 [tilespmem:s26], [sflag:$0xD], $0x80, s30, s12, $0xb8;
	[tilespmem:$0x1EC00] =	vst v63  }
0x133: {  	_ =	swait.ge [sflag:s11], $0x1000  }
0x134: {  	[sflag:s11] =	ssyncset.done $0x0  }
0x135: {  	[sflag:s11] =	ssyncadd.s32 $0xFFFFF000  }
0x136: {  	v0 =	vld [tilespmem:s15+$0x120];
	_ =	sdelay $0x4  }
0x137: {  	v1 =	vand.u32 $0x3FFF, v0;
	v0 =	vshrl.u32 v0, $0xE  }
0x138: {  	[tilespmem:$0x2880] =	vst v1;
	vm0 =	veq.s32 v0, v1;
	v1 =	vand.u32 $0x3F, v0  }
0x139: {  	v1 =	vadd.s32 $0x2710, v1  }
0x13a: {  	v0 =	vsel vm0, v1, v0  }
0x13b: {  	[tilespmem:$0x2C80] =	vst v0  }
0x13c: {  	v0 =	vld [tilespmem:s15+$0x130];
	_ =	sdelay $0x4  }
0x13d: {  	v1 =	vand.u32 $0x3FFF, v0;
	v0 =	vshrl.u32 v0, $0xE  }
0x13e: {  	[tilespmem:$0x2890] =	vst v1;
	vm0 =	veq.s32 v0, v1;
	v1 =	vand.u32 $0x3F, v0  }
0x13f: {  	v1 =	vadd.s32 $0x2710, v1  }
0x140: {  	v0 =	vsel vm0, v1, v0  }
0x141: {  	s30 =	simm.s32 $0x2880;
	[tilespmem:$0x2C90] =	vst v0  }
0x142: {  	[tilespmem:s16], [sflag:$0x2] =	stream.indirect.gather [hbm4b:s1+s12], $0x80, s30, s12, $0xb8;
	[tilespmem:$0x1EC00] =	vst v63  }
0x143: {  	_ =	swait.ge [sflag:s13], $0x1000  }
0x144: {  	[sflag:s13] =	ssyncset.done $0x0  }
0x145: {  	s30 =	simm.s32 $0x2E80;
	[sflag:s13] =	ssyncadd.s32 $0xFFFFF000  }
0x146: {  	[spmem:s2] =	stream.indirect.scatter.add.f32 [tilespmem:s31], [sflag:$0xE], $0x80, s30, s12, $0xb8;
	[tilespmem:$0x1EC00] =	vst v63  }
0x147: {  	_ =	swait.ge [sflag:s17], $0x1000  }
0x148: {  	[sflag:s17] =	ssyncset.done $0x0  }
0x149: {  	[sflag:s17] =	ssyncadd.s32 $0xFFFFF000  }
0x14a: {  	v0 =	vld [tilespmem:s15+$0x140];
	_ =	sdelay $0x4  }
0x14b: {  	v1 =	vand.u32 $0x3FFF, v0;
	v0 =	vshrl.u32 v0, $0xE  }
0x14c: {  	[tilespmem:$0x2900] =	vst v1;
	vm0 =	veq.s32 v0, v1;
	v1 =	vand.u32 $0x3F, v0  }
0x14d: {  	v1 =	vadd.s32 $0x2710, v1  }
0x14e: {  	v0 =	vsel vm0, v1, v0  }
0x14f: {  	[tilespmem:$0x2D00] =	vst v0  }
0x150: {  	v0 =	vld [tilespmem:s15+$0x150];
	_ =	sdelay $0x4  }
0x151: {  	v1 =	vand.u32 $0x3FFF, v0;
	v0 =	vshrl.u32 v0, $0xE  }
0x152: {  	[tilespmem:$0x2910] =	vst v1;
	vm0 =	veq.s32 v0, v1;
	v1 =	vand.u32 $0x3F, v0  }
0x153: {  	v1 =	vadd.s32 $0x2710, v1  }
0x154: {  	v0 =	vsel vm0, v1, v0  }
0x155: {  	s30 =	simm.s32 $0x2900;
	[tilespmem:$0x2D10] =	vst v0  }
0x156: {  	[tilespmem:s18], [sflag:$0x3] =	stream.indirect.gather [hbm4b:s1+s12], $0x80, s30, s12, $0xb8;
	[tilespmem:$0x1EC00] =	vst v63  }
0x157: {  	_ =	swait.ge [sflag:s19], $0x1000  }
0x158: {  	[sflag:s19] =	ssyncset.done $0x0  }
0x159: {  	s30 =	simm.s32 $0x2F00;
	[sflag:s19] =	ssyncadd.s32 $0xFFFFF000  }
0x15a: {  	[spmem:s2] =	stream.indirect.scatter.add.f32 [tilespmem:s6], [sflag:$0xF], $0x80, s30, s12, $0xb8;
	[tilespmem:$0x1EC00] =	vst v63  }
0x15b: {  	_ =	swait.ge [sflag:s23], $0x1000  }
0x15c: {  	[sflag:s23] =	ssyncset.done $0x0  }
0x15d: {  	[sflag:s23] =	ssyncadd.s32 $0xFFFFF000  }
0x15e: {  	v0 =	vld [tilespmem:s15+$0x160];
	_ =	sdelay $0x4  }
0x15f: {  	v1 =	vand.u32 $0x3FFF, v0;
	v0 =	vshrl.u32 v0, $0xE  }
0x160: {  	[tilespmem:$0x2980] =	vst v1;
	vm0 =	veq.s32 v0, v1;
	v1 =	vand.u32 $0x3F, v0  }
0x161: {  	v1 =	vadd.s32 $0x2710, v1  }
0x162: {  	v0 =	vsel vm0, v1, v0  }
0x163: {  	[tilespmem:$0x2D80] =	vst v0  }
0x164: {  	v0 =	vld [tilespmem:s15+$0x170];
	_ =	sdelay $0x4  }
0x165: {  	v1 =	vand.u32 $0x3FFF, v0;
	v0 =	vshrl.u32 v0, $0xE  }
0x166: {  	[tilespmem:$0x2990] =	vst v1;
	vm0 =	veq.s32 v0, v1;
	v1 =	vand.u32 $0x3F, v0  }
0x167: {  	v1 =	vadd.s32 $0x2710, v1  }
0x168: {  	v0 =	vsel vm0, v1, v0  }
0x169: {  	s30 =	simm.s32 $0x2980;
	[tilespmem:$0x2D90] =	vst v0  }
0x16a: {  	[tilespmem:s20], [sflag:$0x4] =	stream.indirect.gather [hbm4b:s1+s12], $0x80, s30, s12, $0xb8;
	[tilespmem:$0x1EC00] =	vst v63  }
0x16b: {  	_ =	swait.ge [sflag:s29], $0x1000  }
0x16c: {  	[sflag:s29] =	ssyncset.done $0x0  }
0x16d: {  	s30 =	simm.s32 $0x2F80;
	[sflag:s29] =	ssyncadd.s32 $0xFFFFF000  }
0x16e: {  	[spmem:s2] =	stream.indirect.scatter.add.f32 [tilespmem:s10], [sflag:$0x10], $0x80, s30, s12, $0xb8;
	[tilespmem:$0x1EC00] =	vst v63  }
0x16f: {  	_ =	swait.ge [sflag:s3], $0x1000  }
0x170: {  	[sflag:s3] =	ssyncset.done $0x0  }
0x171: {  	[sflag:s3] =	ssyncadd.s32 $0xFFFFF000  }
0x172: {  	v0 =	vld [tilespmem:s15+$0x180];
	_ =	sdelay $0x4  }
0x173: {  	v1 =	vand.u32 $0x3FFF, v0;
	v0 =	vshrl.u32 v0, $0xE  }
0x174: {  	[tilespmem:$0x2A00] =	vst v1;
	vm0 =	veq.s32 v0, v1;
	v1 =	vand.u32 $0x3F, v0  }
0x175: {  	v1 =	vadd.s32 $0x2710, v1  }
0x176: {  	v0 =	vsel vm0, v1, v0  }
0x177: {  	[tilespmem:$0x2E00] =	vst v0  }
0x178: {  	v0 =	vld [tilespmem:s15+$0x190];
	_ =	sdelay $0x4  }
0x179: {  	v1 =	vand.u32 $0x3FFF, v0;
	v0 =	vshrl.u32 v0, $0xE  }
0x17a: {  	[tilespmem:$0x2A10] =	vst v1;
	vm0 =	veq.s32 v0, v1;
	v1 =	vand.u32 $0x3F, v0  }
0x17b: {  	v1 =	vadd.s32 $0x2710, v1  }
0x17c: {  	v0 =	vsel vm0, v1, v0  }
0x17d: {  	s30 =	simm.s32 $0x2A00;
	[tilespmem:$0x2E10] =	vst v0  }
0x17e: {  	[tilespmem:s26], [sflag:$0x5] =	stream.indirect.gather [hbm4b:s1+s12], $0x80, s30, s12, $0xb8;
	[tilespmem:$0x1EC00] =	vst v63  }
0x17f: {  	_ =	swait.ge [sflag:s21], $0x1000  }
0x180: {  	[sflag:s21] =	ssyncset.done $0x0  }
0x181: {  	s30 =	simm.s32 $0x2C00;
	[sflag:s21] =	ssyncadd.s32 $0xFFFFF000  }
0x182: {  	[spmem:s2] =	stream.indirect.scatter.add.f32 [tilespmem:s14], [sflag:$0x9], $0x80, s30, s12, $0xb8;
	[tilespmem:$0x1EC00] =	vst v63  }
0x183: {  	_ =	swait.ge [sflag:s4], $0x1000  }
0x184: {  	[sflag:s4] =	ssyncset.done $0x0  }
0x185: {  	[sflag:s4] =	ssyncadd.s32 $0xFFFFF000  }
0x186: {  	v0 =	vld [tilespmem:s15+$0x1A0];
	_ =	sdelay $0x4  }
0x187: {  	v1 =	vand.u32 $0x3FFF, v0;
	v0 =	vshrl.u32 v0, $0xE  }
0x188: {  	[tilespmem:$0x2A80] =	vst v1;
	vm0 =	veq.s32 v0, v1;
	v1 =	vand.u32 $0x3F, v0  }
0x189: {  	v1 =	vadd.s32 $0x2710, v1  }
0x18a: {  	v0 =	vsel vm0, v1, v0  }
0x18b: {  	[tilespmem:$0x2E80] =	vst v0  }
0x18c: {  	v0 =	vld [tilespmem:s15+$0x1B0];
	_ =	sdelay $0x4  }
0x18d: {  	v1 =	vand.u32 $0x3FFF, v0;
	v0 =	vshrl.u32 v0, $0xE  }
0x18e: {  	[tilespmem:$0x2A90] =	vst v1;
	vm0 =	veq.s32 v0, v1;
	v1 =	vand.u32 $0x3F, v0  }
0x18f: {  	v1 =	vadd.s32 $0x2710, v1  }
0x190: {  	v0 =	vsel vm0, v1, v0  }
0x191: {  	s30 =	simm.s32 $0x2A80;
	[tilespmem:$0x2E90] =	vst v0  }
0x192: {  	[tilespmem:s31], [sflag:$0x6] =	stream.indirect.gather [hbm4b:s1+s12], $0x80, s30, s12, $0xb8;
	[tilespmem:$0x1EC00] =	vst v63  }
0x193: {  	_ =	swait.ge [sflag:s28], $0x1000  }
0x194: {  	[sflag:s28] =	ssyncset.done $0x0  }
0x195: {  	s30 =	simm.s32 $0x2C80;
	[sflag:s28] =	ssyncadd.s32 $0xFFFFF000  }
0x196: {  	[spmem:s2] =	stream.indirect.scatter.add.f32 [tilespmem:s16], [sflag:$0xA], $0x80, s30, s12, $0xb8;
	[tilespmem:$0x1EC00] =	vst v63  }
0x197: {  	_ =	swait.ge [sflag:s8], $0x1000  }
0x198: {  	[sflag:s8] =	ssyncset.done $0x0  }
0x199: {  	[sflag:s8] =	ssyncadd.s32 $0xFFFFF000  }
0x19a: {  	v0 =	vld [tilespmem:s15+$0x1C0];
	_ =	sdelay $0x4  }
0x19b: {  	v1 =	vand.u32 $0x3FFF, v0;
	v0 =	vshrl.u32 v0, $0xE  }
0x19c: {  	[tilespmem:$0x2B00] =	vst v1;
	vm0 =	veq.s32 v0, v1;
	v1 =	vand.u32 $0x3F, v0  }
0x19d: {  	v1 =	vadd.s32 $0x2710, v1  }
0x19e: {  	v0 =	vsel vm0, v1, v0  }
0x19f: {  	[tilespmem:$0x2F00] =	vst v0  }
0x1a0: {  	v0 =	vld [tilespmem:s15+$0x1D0];
	_ =	sdelay $0x4  }
0x1a1: {  	v1 =	vand.u32 $0x3FFF, v0;
	v0 =	vshrl.u32 v0, $0xE  }
0x1a2: {  	[tilespmem:$0x2B10] =	vst v1;
	vm0 =	veq.s32 v0, v1;
	v1 =	vand.u32 $0x3F, v0  }
0x1a3: {  	v1 =	vadd.s32 $0x2710, v1  }
0x1a4: {  	v0 =	vsel vm0, v1, v0  }
0x1a5: {  	s30 =	simm.s32 $0x2B00;
	[tilespmem:$0x2F10] =	vst v0  }
0x1a6: {  	[tilespmem:s6], [sflag:$0x7] =	stream.indirect.gather [hbm4b:s1+s12], $0x80, s30, s12, $0xb8;
	[tilespmem:$0x1EC00] =	vst v63  }
0x1a7: {  	_ =	swait.ge [sflag:s0], $0x1000  }
0x1a8: {  	[sflag:s0] =	ssyncset.done $0x0  }
0x1a9: {  	s30 =	simm.s32 $0x2D00;
	[sflag:s0] =	ssyncadd.s32 $0xFFFFF000  }
0x1aa: {  	[spmem:s2] =	stream.indirect.scatter.add.f32 [tilespmem:s18], [sflag:$0xB], $0x80, s30, s12, $0xb8;
	[tilespmem:$0x1EC00] =	vst v63  }
0x1ab: {  	_ =	swait.ge [sflag:s9], $0x1000  }
0x1ac: {  	[sflag:s9] =	ssyncset.done $0x0  }
0x1ad: {  	[sflag:s9] =	ssyncadd.s32 $0xFFFFF000  }
0x1ae: {  	v0 =	vld [tilespmem:s15+$0x1E0];
	_ =	sdelay $0x4  }
0x1af: {  	v1 =	vand.u32 $0x3FFF, v0;
	v0 =	vshrl.u32 v0, $0xE  }
0x1b0: {  	[tilespmem:$0x2B80] =	vst v1;
	vm0 =	veq.s32 v0, v1;
	v1 =	vand.u32 $0x3F, v0  }
0x1b1: {  	v1 =	vadd.s32 $0x2710, v1  }
0x1b2: {  	v0 =	vsel vm0, v1, v0  }
0x1b3: {  	[tilespmem:$0x2F80] =	vst v0  }
0x1b4: {  	v0 =	vld [tilespmem:s15+$0x1F0];
	_ =	sdelay $0x4  }
0x1b5: {  	v1 =	vand.u32 $0x3FFF, v0;
	v0 =	vshrl.u32 v0, $0xE  }
0x1b6: {  	[tilespmem:$0x2B90] =	vst v1;
	vm0 =	veq.s32 v0, v1;
	v1 =	vand.u32 $0x3F, v0  }
0x1b7: {  	v1 =	vadd.s32 $0x2710, v1  }
0x1b8: {  	v0 =	vsel vm0, v1, v0  }
.Ltmp0:
0x1b9: {  	[tilespmem:$0x2F90] =	vst v0;
	(pc) =	sbr.rel @p1 .LBB2_2-.Ltmp0, $4  }
0x1ba: {  	[tilespmem:s10], [sflag:$0x8] =	stream.indirect.gather [hbm4b:s1+s12], $0x80, s22, s12, $0xb8;
	[tilespmem:$0x1EC00] =	vst v63  }
0x1bb: {  	_ =	swait.ge [sflag:s7], $0x1000  }
0x1bc: {  	[sflag:s7] =	ssyncset.done $0x0  }
0x1bd: {  	[sflag:s7] =	ssyncadd.s32 $0xFFFFF000  }
0x1be: {  	s5 =	simm.s32 $0x2D80  }
0x1bf: {  	[spmem:s2] =	stream.indirect.scatter.add.f32 [tilespmem:s20], [sflag:$0xC], $0x80, s5, s12, $0xb8;
	[tilespmem:$0x1EC00] =	vst v63  }
0x1c0: {  	_ =	swait.ge [sflag:s25], $0x1000  }
0x1c1: {  	[sflag:s25] =	ssyncset.done $0x0  }
0x1c2: {  	s22 =	simm.s32 $0x2E00;
	[sflag:s25] =	ssyncadd.s32 $0xFFFFF000  }
0x1c3: {  	[spmem:s2] =	stream.indirect.scatter.add.f32 [tilespmem:s26], [sflag:$0xD], $0x80, s22, s12, $0xb8;
	[tilespmem:$0x1EC00] =	vst v63  }
0x1c4: {  	_ =	swait.ge [sflag:s13], $0x1000  }
0x1c5: {  	[sflag:s13] =	ssyncset.done $0x0  }
0x1c6: {  	s30 =	simm.s32 $0x2E80;
	[sflag:s13] =	ssyncadd.s32 $0xFFFFF000  }
0x1c7: {  	[spmem:s2] =	stream.indirect.scatter.add.f32 [tilespmem:s31], [sflag:$0xE], $0x80, s30, s12, $0xb8;
	[tilespmem:$0x1EC00] =	vst v63  }
0x1c8: {  	_ =	swait.ge [sflag:s19], $0x1000  }
0x1c9: {  	[sflag:s19] =	ssyncset.done $0x0  }
0x1ca: {  	s15 =	simm.s32 $0x2F00;
	[sflag:s19] =	ssyncadd.s32 $0xFFFFF000  }
0x1cb: {  	[spmem:s2] =	stream.indirect.scatter.add.f32 [tilespmem:s6], [sflag:$0xF], $0x80, s15, s12, $0xb8;
	[tilespmem:$0x1EC00] =	vst v63  }
0x1cc: {  	_ =	swait.ge [sflag:s29], $0x1000  }
0x1cd: {  	[sflag:s29] =	ssyncset.done $0x0  }
0x1ce: {  	s22 =	simm.s32 $0x2F80;
	[sflag:s29] =	ssyncadd.s32 $0xFFFFF000  }
0x1cf: {  	[spmem:s2] =	stream.indirect.scatter.add.f32 [tilespmem:s10], [sflag:$0x10], $0x80, s22, s12, $0xb8;
	[tilespmem:$0x1EC00] =	vst v63  }
0x1d0: {  	_ =	swait.ge [sflag:s24], $0x1000  }
0x1d1: {  	[sflag:s24] =	ssyncset.done $0x0  }
0x1d2: {  	[sflag:s24] =	ssyncadd.s32 $0xFFFFF000  }
0x1d3: {  	_ =	swait.ge [sflag:s11], $0x1000  }
0x1d4: {  	[sflag:s11] =	ssyncset.done $0x0  }
0x1d5: {  	[sflag:s11] =	ssyncadd.s32 $0xFFFFF000  }
0x1d6: {  	_ =	swait.ge [sflag:s17], $0x1000  }
0x1d7: {  	[sflag:s17] =	ssyncset.done $0x0  }
0x1d8: {  	[sflag:s17] =	ssyncadd.s32 $0xFFFFF000  }
0x1d9: {  	_ =	swait.ge [sflag:s23], $0x1000  }
0x1da: {  	[sflag:s23] =	ssyncset.done $0x0  }
0x1db: {  	[sflag:s23] =	ssyncadd.s32 $0xFFFFF000  }
0x1dc: {  	_ =	swait.ge [sflag:s3], $0x1000  }
0x1dd: {  	[sflag:s3] =	ssyncset.done $0x0  }
0x1de: {  	[sflag:s3] =	ssyncadd.s32 $0xFFFFF000  }
0x1df: {  	_ =	swait.ge [sflag:s4], $0x1000  }
0x1e0: {  	[sflag:s4] =	ssyncset.done $0x0  }
0x1e1: {  	[sflag:s4] =	ssyncadd.s32 $0xFFFFF000  }
0x1e2: {  	_ =	swait.ge [sflag:s8], $0x1000  }
0x1e3: {  	[sflag:s8] =	ssyncset.done $0x0  }
0x1e4: {  	[sflag:s8] =	ssyncadd.s32 $0xFFFFF000  }
0x1e5: {  	_ =	swait.ge [sflag:s9], $0x1000  }
0x1e6: {  	[sflag:s9] =	ssyncset.done $0x0  }
0x1e7: {  	[sflag:s9] =	ssyncadd.s32 $0xFFFFF000  }
0x1e8: {  	[bflag:$0x0] =	sbarrier.arrive $0xFFFF  }
0x1e9: {  	s22 =	rddreg [dreg:$0x6]  }
0x1ea: {  	s30 =	rddreg [dreg:$0x8]  }
0x1eb: {  	s15 =	rddreg [dreg:$0xc]  }
0x1ec: {  	[hbm:s30], [sflag:s22] =	dma.local [spmem:s15], $0x2700  }
0x1ed: {  	s30 =	simm.s32 $0x11  }
0x1ee: {  	_ =	swait.ge [sflag:s30], $0x2700  }
0x1ef: {  	[sflag:s30] =	ssyncset.done $0x0;
	s5 =	rddreg [dreg:$0x9]  }
0x1f0: {  	s15 =	rddreg [dreg:$0xd];
	[sflag:s30] =	ssyncadd.s32 $0xFFFFD900;
	s30 =	simm.s32 @!p0 $0x11  }
0x1f1: {  	[hbm:s5], [sflag:s22] =	dma.local @!p0 [spmem:s15], $0x100  }
0x1f2: {  	_ =	swait.ge @!p0 [sflag:s30], $0x100  }
0x1f3: {  	s5 =	rddreg [dreg:$0xe]  }
0x1f4: {  	s15 =	sadd.s32 $0x1, s5;
	s5 =	rddreg [dreg:$0xa]  }
0x1f5: {  	p1 =	sne.s32 s15, s5  }
.Ltmp1:
0x1f6: {  	_ = 	snop;
	(pc) =	sbr.rel @p1 .LBB2_1-.Ltmp1, $3  }
0x1f7: {  	_ =	sdelay $0x1  }
0x1f8: {  	[sflag:s30] =	ssyncset.done @!p0 $0x0  }
0x1f9: {  	[sflag:s30] =	ssyncadd.s32 @!p0 $0xFFFFFF00  }
0x1fa: {  	_ =	sfence.sel $0x180000  }
0x1fb: {  	[bflag:$0x0] =	sbarrier.arrive $0xFFFF  }
0x1fc: {  	_ =	strace $0x90000047  }
0x1fd: {  	[bflag:$0x2] =	sbarrier.arrive $0xFFFF  }
0x1fe: {  	s0 =	rddreg [dreg:$0x4]  }
0x1ff: {  	s0 =	sadd.s32 @!p0 $0x100000, s0  }
0x200: {  	[sflag:s0] =	ssyncadd.tile.s32 @!p0 $0x1;
	_ =	shalt  }
.Lfunc_end2:
_tile_overlayer_lowered:
.L_overlay_start_2:
0x201: {  	(tag) =	ssettag $0x2  }
0x202: {  	s0 =	rddreg [dreg:$0x0];
	s2 =	stileid.u32  }
0x203: {  	s1 =	rddreg [dreg:$0x1];
	p0 =	sne.s32 s2, $0x0  }
0x204: {  	s3 =	rddreg [dreg:$0x2];
	[bflag:$0x3] =	sbarrier.arrive $0xFFFF;
	s2 =	simm.s32 @!p0 $0x1C11  }
0x205: {  	[timem:s3], [sflag:s2] =	dma.local @!p0 [hbm:s0], s1  }
0x206: {  	s0 =	simm.s32 @!p0 $0x11  }
0x207: {  	_ =	swait.ge @!p0 [sflag:s0], s1  }
0x208: {  	s1 =	ssub.s32 @!p0 $0x0, s1;
	[sflag:s0] =	ssyncset.done @!p0 $0x0  }
0x209: {  	[sflag:s0] =	ssyncadd.s32 @!p0 s1  }
0x20a: {  	[bflag:$0x3] =	sbarrier.arrive $0xFFFF  }
0x20b: {  	_ =	shalt  }

</sc_bundles>
